<compile_context>
chip_gen: v7x
topology: tpu7x:2x2x1
jax: 0.10.2.dev20260603
libtpu: 0.0.44.dev20260713+nightly
codegen_flags: <defaults>
</compile_context>

<pallas_src>
import functools

import jax
import jax.numpy as jnp
from jax import lax
from jax.experimental import pallas as pl
from jax.experimental.pallas import tpu as pltpu
from jax.experimental.pallas import tpu_sc as plsc

_B, _S, _D = 128, 200, 768
_BS = _B * _S
_TB = 512
_GRID = _BS // _TB
_NW = 32
_EPS = 1e-12

_I_MAG, _I_PRE, _I_TOP, _I_LOW, _I_ORD, _I_ROW, _I_COL = range(7)
_I_LT = 7
_I_TT = 11


def _pick_ch(bpw):
    for ch in range(80, 7, -8):
        if bpw % ch == 0:
            return ch
    raise ValueError(bpw)


def _sc_gather(table, idx, off, n):
    bpw = n // _NW
    ch = _pick_ch(bpw)
    nch = bpw // ch
    mesh = plsc.VectorSubcoreMesh(core_axis_name="c", subcore_axis_name="s")

    @functools.partial(
        pl.kernel,
        mesh=mesh,
        out_type=jax.ShapeDtypeStruct((n, _D), jnp.float32),
        scratch_types=[
            pltpu.VMEM((bpw,), jnp.int32),
            pltpu.VMEM((ch, _D), jnp.float32),
            pltpu.VMEM((ch, _D), jnp.float32),
            pltpu.SemaphoreType.DMA,
            pltpu.SemaphoreType.DMA,
            pltpu.SemaphoreType.DMA,
            pltpu.SemaphoreType.DMA,
        ],
    )
    def k(table_hbm, idx_hbm, out_hbm, idx_v, rows_a, rows_b,
          gsem_a, gsem_b, ssem_a, ssem_b):
        wid = lax.axis_index("s") * 2 + lax.axis_index("c")
        base = wid * bpw
        pltpu.sync_copy(idx_hbm.at[pl.ds(off + base, bpw)], idx_v)
        bufs = (rows_a, rows_b)
        gsems = (gsem_a, gsem_b)
        ssems = (ssem_a, ssem_b)
        cps = [None, None]
        sto = [None, None]
        cps[0] = pltpu.async_copy(
            table_hbm.at[idx_v.at[pl.ds(0, ch)]], bufs[0], gsems[0])
        for c in range(nch):
            if c + 1 < nch:
                p = (c + 1) % 2
                if sto[p] is not None:
                    sto[p].wait()
                    sto[p] = None
                cps[p] = pltpu.async_copy(
                    table_hbm.at[idx_v.at[pl.ds((c + 1) * ch, ch)]],
                    bufs[p], gsems[p])
            cps[c % 2].wait()
            sto[c % 2] = pltpu.async_copy(
                bufs[c % 2], out_hbm.at[pl.ds(base + c * ch, ch)],
                ssems[c % 2])
        for s in sto:
            if s is not None:
                s.wait()

    return k(table, idx)


def _tc_compute(tok, idxs, fv, denT, rowT, colT, ltT, ttT, g, b, out):
    f32 = jnp.float32

    def dot(a, t):
        return lax.dot_general(a, t, (((1,), (0,)), ((), ())),
                               preferred_element_type=f32)

    def col(k):
        return idxs[k, 0, 0, :].astype(jnp.int32)[:, None]

    def oh(k, n):
        io = lax.broadcasted_iota(jnp.int32, (_TB, n), 1)
        return (io == col(k)).astype(jnp.bfloat16)

    io128 = lax.broadcasted_iota(jnp.int32, (_TB, 128), 1)
    sel = jnp.where(io128 < 16, col(_I_MAG),
          jnp.where(io128 < 32, col(_I_PRE) + 16,
          jnp.where(io128 < 48, col(_I_TOP) + 32,
          jnp.where(io128 < 64, col(_I_LOW) + 48, col(_I_ORD) + 64))))
    den = jnp.concatenate(
        [(io128 == sel).astype(jnp.bfloat16), fv[...].astype(jnp.bfloat16)],
        axis=1)
    dense = dot(den, denT[...])

    rows = dot(oh(_I_ROW, 264), rowT[...])
    cols = dot(oh(_I_COL, 264), colT[...])
    lts = [dot(oh(_I_LT + k, 392), ltT[...]) for k in range(4)]
    tts = [dot(oh(_I_TT + k, 392), ttT[...]) for k in range(4)]

    pos = jnp.concatenate([rows] + lts + [cols] + tts, axis=1)
    emb = tok[...] + dense + pos
    mu = jnp.mean(emb, axis=1, keepdims=True)
    cen = emb - mu
    var = jnp.mean(cen * cen, axis=1, keepdims=True)
    out[...] = cen * lax.rsqrt(var + _EPS) * g[...] + b[...]


def _tc_body_first(*refs):
    _tc_compute(*refs)


def _tc_body_alias(buf, *refs):
    del buf
    _tc_compute(*refs)


def _tc_fused(tok, idxstack, fv, tables, g, b, off_blocks, nblocks, buf):
    def full(shape):
        r = len(shape)
        return pl.BlockSpec(shape, lambda i, _r=r: (0,) * _r)

    in_specs = ([pl.BlockSpec((_TB, _D), lambda i: (i, 0)),
                 pl.BlockSpec((15, 1, 1, _TB),
                              lambda i, _o=off_blocks: (0, i + _o, 0, 0)),
                 pl.BlockSpec((_TB, 11),
                              lambda i, _o=off_blocks: (i + _o, 0)),
                 full((139, _D)),
                 full((264, 96)), full((264, 96)),
                 full((392, 72)), full((392, 72)),
                 full((1, _D)), full((1, _D))])
    args = (tok, idxstack, fv) + tuple(tables) + (g, b)
    if buf is None:
        body = _tc_body_first
        aliases = {}
    else:
        body = _tc_body_alias
        in_specs = [pl.BlockSpec(memory_space=pl.ANY)] + in_specs
        args = (buf,) + args
        aliases = {0: 0}
    return pl.pallas_call(
        body,
        grid=(nblocks,),
        in_specs=in_specs,
        out_specs=pl.BlockSpec((_TB, _D),
                               lambda i, _o=off_blocks: (i + _o, 0)),
        out_shape=jax.ShapeDtypeStruct((_BS, _D), jnp.float32),
        input_output_aliases=aliases,
    )(*args)


def kernel(token_id, num_mag, num_pre, num_top, num_low, order, pos_row,
           pos_col, pos_top, pos_left, format_vec, token_table,
           magnitude_table, precision_table, top_digit_table,
           low_digit_table, order_table, row_table, column_table,
           top_tree_table, left_tree_table, format_W, ln_gamma, ln_beta):
    bf16 = jnp.bfloat16

    tid = token_id.reshape(_BS).astype(jnp.int32)
    pieces = (10, 16, 24)
    toks = []
    off = 0
    for nb in pieces:
        toks.append(_sc_gather(token_table, tid, off * _TB, nb * _TB))
        off += nb

    pt = pos_top.reshape(_BS, 4)
    pf = pos_left.reshape(_BS, 4)
    idxstack = jnp.stack(
        [num_mag.reshape(_BS), num_pre.reshape(_BS), num_top.reshape(_BS),
         num_low.reshape(_BS), order.reshape(_BS), pos_row.reshape(_BS),
         pos_col.reshape(_BS),
         pf[:, 0], pf[:, 1], pf[:, 2], pf[:, 3],
         pt[:, 0], pt[:, 1], pt[:, 2], pt[:, 3]],
        axis=0).astype(jnp.int16).reshape(15, _GRID, 1, _TB)

    numT = jnp.zeros((64, _D), jnp.float32)
    numT = (numT.at[0:12, 0:192].set(magnitude_table)
                .at[16:28, 192:384].set(precision_table)
                .at[32:44, 384:576].set(top_digit_table)
                .at[48:60, 576:768].set(low_digit_table))
    denT = jnp.concatenate(
        [numT, order_table, format_W.T], axis=0).astype(bf16)
    rowT = jnp.pad(row_table, ((0, 7), (0, 0))).astype(bf16)
    colT = jnp.pad(column_table, ((0, 7), (0, 0))).astype(bf16)
    ltT = jnp.pad(left_tree_table, ((0, 7), (0, 0))).astype(bf16)
    ttT = jnp.pad(top_tree_table, ((0, 7), (0, 0))).astype(bf16)
    tables = [denT, rowT, colT, ltT, ttT]
    fv = format_vec.reshape(_BS, 11)
    g2, b2 = ln_gamma.reshape(1, _D), ln_beta.reshape(1, _D)

    buf = None
    off = 0
    for nb, tok in zip(pieces, toks):
        buf = _tc_fused(tok, idxstack, fv, tables, g2, b2, off, nb, buf)
        off += nb
    return buf.reshape(_B, _S, _D)

# --- scband reference (transcript-rebuilt; emitter-appended) ---
"""Pipeline reference for scband-embedding-for-tuta-20332375179611 (READ-ONLY COPY).

The authoritative reference and input builder live on the scoring server;
editing this copy changes nothing except your own understanding.
"""

import jax, jax.numpy as jnp
import numpy as np

B, S, D = 128, 200, 768
QUAD = D // 4            # 192
UNI_LAYOUT = (D // 4) // 2  # 96
TREE_DEPTH = 4
TREE_SIZE = D - D // 4   # 576
UNI_TREE = TREE_SIZE // (TREE_DEPTH * 2)  # 72
TOTAL_NODE = 32 + 32 + 64 + 256 + 1       # 385
VOCAB = 100000
NUM_FMT = 11
EPS = 1e-12


def setup_inputs(seed: int = 0) -> dict:
    key = jax.random.key(seed)
    ks = jax.random.split(key, 24)
    inp = {}
    inp["token_id"] = jax.random.randint(ks[0], (B, S), 0, VOCAB)
    inp["num_mag"] = jax.random.randint(ks[1], (B, S), 0, 12)
    inp["num_pre"] = jax.random.randint(ks[2], (B, S), 0, 12)
    inp["num_top"] = jax.random.randint(ks[3], (B, S), 0, 12)
    inp["num_low"] = jax.random.randint(ks[4], (B, S), 0, 12)
    inp["order"] = jax.random.randint(ks[5], (B, S), 0, 64)
    inp["pos_row"] = jax.random.randint(ks[6], (B, S), 0, 257)
    inp["pos_col"] = jax.random.randint(ks[7], (B, S), 0, 257)
    inp["pos_top"] = jax.random.randint(ks[8], (B, S, TREE_DEPTH), 0, TOTAL_NODE)
    inp["pos_left"] = jax.random.randint(ks[9], (B, S, TREE_DEPTH), 0, TOTAL_NODE)
    inp["format_vec"] = jax.random.uniform(ks[10], (B, S, NUM_FMT), dtype=jnp.float32)
    inp["token_table"] = jax.random.normal(ks[11], (VOCAB, D), dtype=jnp.float32) * 0.02
    inp["magnitude_table"] = jax.random.normal(ks[12], (12, QUAD), dtype=jnp.float32) * 0.02
    inp["precision_table"] = jax.random.normal(ks[13], (12, QUAD), dtype=jnp.float32) * 0.02
    inp["top_digit_table"] = jax.random.normal(ks[14], (12, QUAD), dtype=jnp.float32) * 0.02
    inp["low_digit_table"] = jax.random.normal(ks[15], (12, QUAD), dtype=jnp.float32) * 0.02
    inp["order_table"] = jax.random.normal(ks[16], (64, D), dtype=jnp.float32) * 0.02
    inp["row_table"] = jax.random.normal(ks[17], (257, UNI_LAYOUT), dtype=jnp.float32) * 0.02
    inp["column_table"] = jax.random.normal(ks[18], (257, UNI_LAYOUT), dtype=jnp.float32) * 0.02
    inp["top_tree_table"] = jax.random.normal(ks[19], (TOTAL_NODE, UNI_TREE), dtype=jnp.float32) * 0.02
    inp["left_tree_table"] = jax.random.normal(ks[20], (TOTAL_NODE, UNI_TREE), dtype=jnp.float32) * 0.02
    inp["format_W"] = jax.random.normal(ks[21], (D, NUM_FMT), dtype=jnp.float32) * 0.02
    inp["ln_gamma"] = jnp.ones((D,), dtype=jnp.float32)
    inp["ln_beta"] = jnp.zeros((D,), dtype=jnp.float32)
    return inp


def reference(token_id, num_mag, num_pre, num_top, num_low, order, pos_row,
              pos_col, pos_top, pos_left, format_vec, token_table,
              magnitude_table, precision_table, top_digit_table,
              low_digit_table, order_table, row_table, column_table,
              top_tree_table, left_tree_table, format_W, ln_gamma, ln_beta):
    batch_size, seq_len = order.shape
    token_states = jnp.take(token_table, token_id, axis=0)
    magnitude_states = jnp.take(magnitude_table, num_mag, axis=0)
    precision_states = jnp.take(precision_table, num_pre, axis=0)
    top_digit_states = jnp.take(top_digit_table, num_top, axis=0)
    low_digit_states = jnp.take(low_digit_table, num_low, axis=0)
    numeric_states = jnp.concatenate(
        (magnitude_states, precision_states, top_digit_states, low_digit_states), axis=2)
    string_states = token_states + numeric_states
    order_states = jnp.take(order_table, order, axis=0)
    row_states = jnp.take(row_table, pos_row, axis=0)
    left_tree_states = jnp.take(left_tree_table, pos_left, axis=0).reshape(batch_size, seq_len, -1)
    column_states = jnp.take(column_table, pos_col, axis=0)
    top_tree_states = jnp.take(top_tree_table, pos_top, axis=0).reshape(batch_size, seq_len, -1)
    position_states = order_states + jnp.concatenate(
        (row_states, left_tree_states, column_states, top_tree_states), axis=-1)
    format_states = jnp.einsum('bsf,df->bsd', format_vec, format_W)
    embedded_states = string_states + position_states + format_states
    mu = jnp.mean(embedded_states, axis=-1, keepdims=True)
    var = jnp.mean((embedded_states - mu) ** 2, axis=-1, keepdims=True)
    embedded_states = (embedded_states - mu) / jnp.sqrt(var + EPS) * ln_gamma + ln_beta
    # dropout is identity in eval mode
    return embedded_states

if __name__ == "__main__":
    import jax
    _d = setup_inputs()
    print(jax.jit(kernel)(*tuple(_d.values())))

</pallas_src>

<mosaic_0001>
#map = affine_map<(d0, d1) -> (0, 0)>
#map1 = affine_map<(d0, d1) -> (0)>
module attributes {stable_mosaic.version = 14 : i64} {
  func.func @k(%arg0: i32, %arg1: i32, %arg2: memref<100000x768xf32, #tpu.memory_space<hbm>>, %arg3: memref<25600xi32, #tpu.memory_space<hbm>>, %arg4: memref<8192x768xf32, #tpu.memory_space<hbm>>, %arg5: memref<256xi32, #tpu.memory_space<vmem>>, %arg6: memref<64x768xf32, #tpu.memory_space<vmem>>, %arg7: memref<64x768xf32, #tpu.memory_space<vmem>>, %arg8: memref<!tpu.dma_semaphore, #tpu.memory_space<semaphore_mem>>, %arg9: memref<!tpu.dma_semaphore, #tpu.memory_space<semaphore_mem>>, %arg10: memref<!tpu.dma_semaphore, #tpu.memory_space<semaphore_mem>>, %arg11: memref<!tpu.dma_semaphore, #tpu.memory_space<semaphore_mem>>) attributes {dimension_semantics = [#tpu.dimension_semantics<core_parallel>, #tpu.dimension_semantics<subcore_parallel>], iteration_bounds = array<i64: 2, 16>, scalar_prefetch = 0 : i64, scratch_operands = 7 : i64, tpu.core_type = #tpu.core_type<sc_vector_subcore>, window_params = [{transform_indices = #map}, {transform_indices = #map1}, {transform_indices = #map}]} {
    %mul3A = arith.constant 2 : i32
    %mul3A_0 = arith.muli %arg1, %mul3A : i32
    %add3A = arith.addi %mul3A_0, %arg0 : i32
    %mul3A_1 = arith.constant 256 : i32
    %mul3A_2 = arith.muli %add3A, %mul3A_1 : i32
    %add3A_3 = arith.constant 5120 : i32
    %add3A_4 = arith.addi %add3A_3, %mul3A_2 : i32
    "tpu.region"() ({
      %run_scoped3A = tpu.sem_alloc : memref<!tpu.dma_semaphore, #tpu.memory_space<semaphore_mem>>
      %dma_start3A_83 = tpu.memref_slice %arg3[%add3A_4] : memref<25600xi32, #tpu.memory_space<hbm>> -> memref<256xi32, #tpu.memory_space<hbm>>
      %dma_start3A_84 = tpu.memref_slice %arg3[%add3A_4] : memref<25600xi32, #tpu.memory_space<hbm>> -> memref<256xi32, #tpu.memory_space<hbm>>
      tpu.enqueue_dma source(%dma_start3A_84 : memref<256xi32, #tpu.memory_space<hbm>>) target(%arg5 : memref<256xi32, #tpu.memory_space<vmem>>) target_semaphore(%run_scoped3A : memref<!tpu.dma_semaphore, #tpu.memory_space<semaphore_mem>>)
      %dma_wait3A_85 = tpu.memref_slice %arg3[%add3A_4] : memref<25600xi32, #tpu.memory_space<hbm>> -> memref<256xi32, #tpu.memory_space<hbm>>
      %dma_wait3A_86 = tpu.memref_slice %arg3[%add3A_4] : memref<25600xi32, #tpu.memory_space<hbm>> -> memref<256xi32, #tpu.memory_space<hbm>>
      tpu.wait_dma2 semaphore(%run_scoped3A : memref<!tpu.dma_semaphore, #tpu.memory_space<semaphore_mem>>) src(%dma_wait3A_86 : memref<256xi32, #tpu.memory_space<hbm>>) dst(%arg5 : memref<256xi32, #tpu.memory_space<vmem>>)
      tpu.yield
    }) : () -> ()
    %dma_start3A = arith.constant 0 : i32
    %dma_start3A_5 = tpu.memref_slice %arg5[%dma_start3A] : memref<256xi32, #tpu.memory_space<vmem>> -> memref<64xi32, #tpu.memory_space<vmem>>
    %dma_start3A_6 = arith.constant 0 : i32
    %dma_start3A_7 = arith.constant 0 : i32
    %dma_start3A_8 = tpu.memref_slice %arg2[%dma_start3A_6, %dma_start3A_7] : memref<100000x768xf32, #tpu.memory_space<hbm>> -> memref<100000x768xf32, #tpu.memory_space<hbm>>
    tpu.enqueue_indirect_dma source(%dma_start3A_8 : memref<100000x768xf32, #tpu.memory_space<hbm>>) target(%arg6 : memref<64x768xf32, #tpu.memory_space<vmem>>) offsets(%dma_start3A_5 : memref<64xi32, #tpu.memory_space<vmem>>) semaphore(%arg8 : memref<!tpu.dma_semaphore, #tpu.memory_space<semaphore_mem>>)
    %dma_start3A_9 = arith.constant 64 : i32
    %dma_start3A_10 = tpu.memref_slice %arg5[%dma_start3A_9] : memref<256xi32, #tpu.memory_space<vmem>> -> memref<64xi32, #tpu.memory_space<vmem>>
    %dma_start3A_11 = arith.constant 0 : i32
    %dma_start3A_12 = arith.constant 0 : i32
    %dma_start3A_13 = tpu.memref_slice %arg2[%dma_start3A_11, %dma_start3A_12] : memref<100000x768xf32, #tpu.memory_space<hbm>> -> memref<100000x768xf32, #tpu.memory_space<hbm>>
    tpu.enqueue_indirect_dma source(%dma_start3A_13 : memref<100000x768xf32, #tpu.memory_space<hbm>>) target(%arg7 : memref<64x768xf32, #tpu.memory_space<vmem>>) offsets(%dma_start3A_10 : memref<64xi32, #tpu.memory_space<vmem>>) semaphore(%arg9 : memref<!tpu.dma_semaphore, #tpu.memory_space<semaphore_mem>>)
    %dma_wait3A = arith.constant 0 : i32
    %dma_wait3A_14 = tpu.memref_slice %arg5[%dma_wait3A] : memref<256xi32, #tpu.memory_space<vmem>> -> memref<64xi32, #tpu.memory_space<vmem>>
    %dma_wait3A_15 = arith.constant 0 : i32
    %dma_wait3A_16 = arith.constant 0 : i32
    %dma_wait3A_17 = tpu.memref_slice %arg2[%dma_wait3A_15, %dma_wait3A_16] : memref<100000x768xf32, #tpu.memory_space<hbm>> -> memref<100000x768xf32, #tpu.memory_space<hbm>>
    tpu.wait_indirect_dma semaphore(%arg8 : memref<!tpu.dma_semaphore, #tpu.memory_space<semaphore_mem>>) src(%dma_wait3A_17 : memref<100000x768xf32, #tpu.memory_space<hbm>>) dst(%arg6 : memref<64x768xf32, #tpu.memory_space<vmem>>)
    %add3A_18 = arith.constant 0 : i32
    %add3A_19 = arith.addi %mul3A_2, %add3A_18 : i32
    %dma_start3A_20 = arith.constant 0 : i32
    %dma_start3A_21 = tpu.memref_slice %arg4[%add3A_19, %dma_start3A_20] : memref<8192x768xf32, #tpu.memory_space<hbm>> -> memref<64x768xf32, #tpu.memory_space<hbm>>
    %dma_start3A_22 = arith.constant 0 : i32
    %dma_start3A_23 = tpu.memref_slice %arg4[%add3A_19, %dma_start3A_22] : memref<8192x768xf32, #tpu.memory_space<hbm>> -> memref<64x768xf32, #tpu.memory_space<hbm>>
    tpu.enqueue_dma source(%arg6 : memref<64x768xf32, #tpu.memory_space<vmem>>) target(%dma_start3A_23 : memref<64x768xf32, #tpu.memory_space<hbm>>) target_semaphore(%arg10 : memref<!tpu.dma_semaphore, #tpu.memory_space<semaphore_mem>>)
    %dma_wait3A_24 = arith.constant 0 : i32
    %dma_wait3A_25 = tpu.memref_slice %arg4[%add3A_19, %dma_wait3A_24] : memref<8192x768xf32, #tpu.memory_space<hbm>> -> memref<64x768xf32, #tpu.memory_space<hbm>>
    %dma_wait3A_26 = arith.constant 0 : i32
    %dma_wait3A_27 = tpu.memref_slice %arg4[%add3A_19, %dma_wait3A_26] : memref<8192x768xf32, #tpu.memory_space<hbm>> -> memref<64x768xf32, #tpu.memory_space<hbm>>
    tpu.wait_dma2 semaphore(%arg10 : memref<!tpu.dma_semaphore, #tpu.memory_space<semaphore_mem>>) src(%arg6 : memref<64x768xf32, #tpu.memory_space<vmem>>) dst(%dma_wait3A_27 : memref<64x768xf32, #tpu.memory_space<hbm>>)
    %dma_start3A_28 = arith.constant 128 : i32
    %dma_start3A_29 = tpu.memref_slice %arg5[%dma_start3A_28] : memref<256xi32, #tpu.memory_space<vmem>> -> memref<64xi32, #tpu.memory_space<vmem>>
    %dma_start3A_30 = arith.constant 0 : i32
    %dma_start3A_31 = arith.constant 0 : i32
    %dma_start3A_32 = tpu.memref_slice %arg2[%dma_start3A_30, %dma_start3A_31] : memref<100000x768xf32, #tpu.memory_space<hbm>> -> memref<100000x768xf32, #tpu.memory_space<hbm>>
    tpu.enqueue_indirect_dma source(%dma_start3A_32 : memref<100000x768xf32, #tpu.memory_space<hbm>>) target(%arg6 : memref<64x768xf32, #tpu.memory_space<vmem>>) offsets(%dma_start3A_29 : memref<64xi32, #tpu.memory_space<vmem>>) semaphore(%arg8 : memref<!tpu.dma_semaphore, #tpu.memory_space<semaphore_mem>>)
    %dma_wait3A_33 = arith.constant 64 : i32
    %dma_wait3A_34 = tpu.memref_slice %arg5[%dma_wait3A_33] : memref<256xi32, #tpu.memory_space<vmem>> -> memref<64xi32, #tpu.memory_space<vmem>>
    %dma_wait3A_35 = arith.constant 0 : i32
    %dma_wait3A_36 = arith.constant 0 : i32
    %dma_wait3A_37 = tpu.memref_slice %arg2[%dma_wait3A_35, %dma_wait3A_36] : memref<100000x768xf32, #tpu.memory_space<hbm>> -> memref<100000x768xf32, #tpu.memory_space<hbm>>
    tpu.wait_indirect_dma semaphore(%arg9 : memref<!tpu.dma_semaphore, #tpu.memory_space<semaphore_mem>>) src(%dma_wait3A_37 : memref<100000x768xf32, #tpu.memory_space<hbm>>) dst(%arg7 : memref<64x768xf32, #tpu.memory_space<vmem>>)
    %add3A_38 = arith.constant 64 : i32
    %add3A_39 = arith.addi %mul3A_2, %add3A_38 : i32
    %dma_start3A_40 = arith.constant 0 : i32
    %dma_start3A_41 = tpu.memref_slice %arg4[%add3A_39, %dma_start3A_40] : memref<8192x768xf32, #tpu.memory_space<hbm>> -> memref<64x768xf32, #tpu.memory_space<hbm>>
    %dma_start3A_42 = arith.constant 0 : i32
    %dma_start3A_43 = tpu.memref_slice %arg4[%add3A_39, %dma_start3A_42] : memref<8192x768xf32, #tpu.memory_space<hbm>> -> memref<64x768xf32, #tpu.memory_space<hbm>>
    tpu.enqueue_dma source(%arg7 : memref<64x768xf32, #tpu.memory_space<vmem>>) target(%dma_start3A_43 : memref<64x768xf32, #tpu.memory_space<hbm>>) target_semaphore(%arg11 : memref<!tpu.dma_semaphore, #tpu.memory_space<semaphore_mem>>)
    %dma_wait3A_44 = arith.constant 0 : i32
    %dma_wait3A_45 = tpu.memref_slice %arg4[%add3A_39, %dma_wait3A_44] : memref<8192x768xf32, #tpu.memory_space<hbm>> -> memref<64x768xf32, #tpu.memory_space<hbm>>
    %dma_wait3A_46 = arith.constant 0 : i32
    %dma_wait3A_47 = tpu.memref_slice %arg4[%add3A_39, %dma_wait3A_46] : memref<8192x768xf32, #tpu.memory_space<hbm>> -> memref<64x768xf32, #tpu.memory_space<hbm>>
    tpu.wait_dma2 semaphore(%arg11 : memref<!tpu.dma_semaphore, #tpu.memory_space<semaphore_mem>>) src(%arg7 : memref<64x768xf32, #tpu.memory_space<vmem>>) dst(%dma_wait3A_47 : memref<64x768xf32, #tpu.memory_space<hbm>>)
    %dma_start3A_48 = arith.constant 192 : i32
    %dma_start3A_49 = tpu.memref_slice %arg5[%dma_start3A_48] : memref<256xi32, #tpu.memory_space<vmem>> -> memref<64xi32, #tpu.memory_space<vmem>>
    %dma_start3A_50 = arith.constant 0 : i32
    %dma_start3A_51 = arith.constant 0 : i32
    %dma_start3A_52 = tpu.memref_slice %arg2[%dma_start3A_50, %dma_start3A_51] : memref<100000x768xf32, #tpu.memory_space<hbm>> -> memref<100000x768xf32, #tpu.memory_space<hbm>>
    tpu.enqueue_indirect_dma source(%dma_start3A_52 : memref<100000x768xf32, #tpu.memory_space<hbm>>) target(%arg7 : memref<64x768xf32, #tpu.memory_space<vmem>>) offsets(%dma_start3A_49 : memref<64xi32, #tpu.memory_space<vmem>>) semaphore(%arg9 : memref<!tpu.dma_semaphore, #tpu.memory_space<semaphore_mem>>)
    %dma_wait3A_53 = arith.constant 128 : i32
    %dma_wait3A_54 = tpu.memref_slice %arg5[%dma_wait3A_53] : memref<256xi32, #tpu.memory_space<vmem>> -> memref<64xi32, #tpu.memory_space<vmem>>
    %dma_wait3A_55 = arith.constant 0 : i32
    %dma_wait3A_56 = arith.constant 0 : i32
    %dma_wait3A_57 = tpu.memref_slice %arg2[%dma_wait3A_55, %dma_wait3A_56] : memref<100000x768xf32, #tpu.memory_space<hbm>> -> memref<100000x768xf32, #tpu.memory_space<hbm>>
    tpu.wait_indirect_dma semaphore(%arg8 : memref<!tpu.dma_semaphore, #tpu.memory_space<semaphore_mem>>) src(%dma_wait3A_57 : memref<100000x768xf32, #tpu.memory_space<hbm>>) dst(%arg6 : memref<64x768xf32, #tpu.memory_space<vmem>>)
    %add3A_58 = arith.constant 128 : i32
    %add3A_59 = arith.addi %mul3A_2, %add3A_58 : i32
    %dma_start3A_60 = arith.constant 0 : i32
    %dma_start3A_61 = tpu.memref_slice %arg4[%add3A_59, %dma_start3A_60] : memref<8192x768xf32, #tpu.memory_space<hbm>> -> memref<64x768xf32, #tpu.memory_space<hbm>>
    %dma_start3A_62 = arith.constant 0 : i32
    %dma_start3A_63 = tpu.memref_slice %arg4[%add3A_59, %dma_start3A_62] : memref<8192x768xf32, #tpu.memory_space<hbm>> -> memref<64x768xf32, #tpu.memory_space<hbm>>
    tpu.enqueue_dma source(%arg6 : memref<64x768xf32, #tpu.memory_space<vmem>>) target(%dma_start3A_63 : memref<64x768xf32, #tpu.memory_space<hbm>>) target_semaphore(%arg10 : memref<!tpu.dma_semaphore, #tpu.memory_space<semaphore_mem>>)
    %dma_wait3A_64 = arith.constant 192 : i32
    %dma_wait3A_65 = tpu.memref_slice %arg5[%dma_wait3A_64] : memref<256xi32, #tpu.memory_space<vmem>> -> memref<64xi32, #tpu.memory_space<vmem>>
    %dma_wait3A_66 = arith.constant 0 : i32
    %dma_wait3A_67 = arith.constant 0 : i32
    %dma_wait3A_68 = tpu.memref_slice %arg2[%dma_wait3A_66, %dma_wait3A_67] : memref<100000x768xf32, #tpu.memory_space<hbm>> -> memref<100000x768xf32, #tpu.memory_space<hbm>>
    tpu.wait_indirect_dma semaphore(%arg9 : memref<!tpu.dma_semaphore, #tpu.memory_space<semaphore_mem>>) src(%dma_wait3A_68 : memref<100000x768xf32, #tpu.memory_space<hbm>>) dst(%arg7 : memref<64x768xf32, #tpu.memory_space<vmem>>)
    %add3A_69 = arith.constant 192 : i32
    %add3A_70 = arith.addi %mul3A_2, %add3A_69 : i32
    %dma_start3A_71 = arith.constant 0 : i32
    %dma_start3A_72 = tpu.memref_slice %arg4[%add3A_70, %dma_start3A_71] : memref<8192x768xf32, #tpu.memory_space<hbm>> -> memref<64x768xf32, #tpu.memory_space<hbm>>
    %dma_start3A_73 = arith.constant 0 : i32
    %dma_start3A_74 = tpu.memref_slice %arg4[%add3A_70, %dma_start3A_73] : memref<8192x768xf32, #tpu.memory_space<hbm>> -> memref<64x768xf32, #tpu.memory_space<hbm>>
    tpu.enqueue_dma source(%arg7 : memref<64x768xf32, #tpu.memory_space<vmem>>) target(%dma_start3A_74 : memref<64x768xf32, #tpu.memory_space<hbm>>) target_semaphore(%arg11 : memref<!tpu.dma_semaphore, #tpu.memory_space<semaphore_mem>>)
    %dma_wait3A_75 = arith.constant 0 : i32
    %dma_wait3A_76 = tpu.memref_slice %arg4[%add3A_59, %dma_wait3A_75] : memref<8192x768xf32, #tpu.memory_space<hbm>> -> memref<64x768xf32, #tpu.memory_space<hbm>>
    %dma_wait3A_77 = arith.constant 0 : i32
    %dma_wait3A_78 = tpu.memref_slice %arg4[%add3A_59, %dma_wait3A_77] : memref<8192x768xf32, #tpu.memory_space<hbm>> -> memref<64x768xf32, #tpu.memory_space<hbm>>
    tpu.wait_dma2 semaphore(%arg10 : memref<!tpu.dma_semaphore, #tpu.memory_space<semaphore_mem>>) src(%arg6 : memref<64x768xf32, #tpu.memory_space<vmem>>) dst(%dma_wait3A_78 : memref<64x768xf32, #tpu.memory_space<hbm>>)
    %dma_wait3A_79 = arith.constant 0 : i32
    %dma_wait3A_80 = tpu.memref_slice %arg4[%add3A_70, %dma_wait3A_79] : memref<8192x768xf32, #tpu.memory_space<hbm>> -> memref<64x768xf32, #tpu.memory_space<hbm>>
    %dma_wait3A_81 = arith.constant 0 : i32
    %dma_wait3A_82 = tpu.memref_slice %arg4[%add3A_70, %dma_wait3A_81] : memref<8192x768xf32, #tpu.memory_space<hbm>> -> memref<64x768xf32, #tpu.memory_space<hbm>>
    tpu.wait_dma2 semaphore(%arg11 : memref<!tpu.dma_semaphore, #tpu.memory_space<semaphore_mem>>) src(%arg7 : memref<64x768xf32, #tpu.memory_space<vmem>>) dst(%dma_wait3A_82 : memref<64x768xf32, #tpu.memory_space<hbm>>)
    return
  }
}

#map = affine_map<(d0, d1) -> (0, 0)>
#map1 = affine_map<(d0, d1) -> (0)>
module attributes {stable_mosaic.version = 14 : i64} {
  func.func @k(%arg0: i32, %arg1: i32, %arg2: memref<100000x768xf32, #tpu.memory_space<hbm>>, %arg3: memref<25600xi32, #tpu.memory_space<hbm>>, %arg4: memref<5120x768xf32, #tpu.memory_space<hbm>>, %arg5: memref<160xi32, #tpu.memory_space<vmem>>, %arg6: memref<80x768xf32, #tpu.memory_space<vmem>>, %arg7: memref<80x768xf32, #tpu.memory_space<vmem>>, %arg8: memref<!tpu.dma_semaphore, #tpu.memory_space<semaphore_mem>>, %arg9: memref<!tpu.dma_semaphore, #tpu.memory_space<semaphore_mem>>, %arg10: memref<!tpu.dma_semaphore, #tpu.memory_space<semaphore_mem>>, %arg11: memref<!tpu.dma_semaphore, #tpu.memory_space<semaphore_mem>>) attributes {dimension_semantics = [#tpu.dimension_semantics<core_parallel>, #tpu.dimension_semantics<subcore_parallel>], iteration_bounds = array<i64: 2, 16>, scalar_prefetch = 0 : i64, scratch_operands = 7 : i64, tpu.core_type = #tpu.core_type<sc_vector_subcore>, window_params = [{transform_indices = #map}, {transform_indices = #map1}, {transform_indices = #map}]} {
    %mul3A = arith.constant 2 : i32
    %mul3A_0 = arith.muli %arg1, %mul3A : i32
    %add3A = arith.addi %mul3A_0, %arg0 : i32
    %mul3A_1 = arith.constant 160 : i32
    %mul3A_2 = arith.muli %add3A, %mul3A_1 : i32
    %add3A_3 = arith.constant 0 : i32
    %add3A_4 = arith.addi %add3A_3, %mul3A_2 : i32
    "tpu.region"() ({
      %run_scoped3A = tpu.sem_alloc : memref<!tpu.dma_semaphore, #tpu.memory_space<semaphore_mem>>
      %dma_start3A_43 = tpu.memref_slice %arg3[%add3A_4] : memref<25600xi32, #tpu.memory_space<hbm>> -> memref<160xi32, #tpu.memory_space<hbm>>
      %dma_start3A_44 = tpu.memref_slice %arg3[%add3A_4] : memref<25600xi32, #tpu.memory_space<hbm>> -> memref<160xi32, #tpu.memory_space<hbm>>
      tpu.enqueue_dma source(%dma_start3A_44 : memref<160xi32, #tpu.memory_space<hbm>>) target(%arg5 : memref<160xi32, #tpu.memory_space<vmem>>) target_semaphore(%run_scoped3A : memref<!tpu.dma_semaphore, #tpu.memory_space<semaphore_mem>>)
      %dma_wait3A_45 = tpu.memref_slice %arg3[%add3A_4] : memref<25600xi32, #tpu.memory_space<hbm>> -> memref<160xi32, #tpu.memory_space<hbm>>
      %dma_wait3A_46 = tpu.memref_slice %arg3[%add3A_4] : memref<25600xi32, #tpu.memory_space<hbm>> -> memref<160xi32, #tpu.memory_space<hbm>>
      tpu.wait_dma2 semaphore(%run_scoped3A : memref<!tpu.dma_semaphore, #tpu.memory_space<semaphore_mem>>) src(%dma_wait3A_46 : memref<160xi32, #tpu.memory_space<hbm>>) dst(%arg5 : memref<160xi32, #tpu.memory_space<vmem>>)
      tpu.yield
    }) : () -> ()
    %dma_start3A = arith.constant 0 : i32
    %dma_start3A_5 = tpu.memref_slice %arg5[%dma_start3A] : memref<160xi32, #tpu.memory_space<vmem>> -> memref<80xi32, #tpu.memory_space<vmem>>
    %dma_start3A_6 = arith.constant 0 : i32
    %dma_start3A_7 = arith.constant 0 : i32
    %dma_start3A_8 = tpu.memref_slice %arg2[%dma_start3A_6, %dma_start3A_7] : memref<100000x768xf32, #tpu.memory_space<hbm>> -> memref<100000x768xf32, #tpu.memory_space<hbm>>
    tpu.enqueue_indirect_dma source(%dma_start3A_8 : memref<100000x768xf32, #tpu.memory_space<hbm>>) target(%arg6 : memref<80x768xf32, #tpu.memory_space<vmem>>) offsets(%dma_start3A_5 : memref<80xi32, #tpu.memory_space<vmem>>) semaphore(%arg8 : memref<!tpu.dma_semaphore, #tpu.memory_space<semaphore_mem>>)
    %dma_start3A_9 = arith.constant 80 : i32
    %dma_start3A_10 = tpu.memref_slice %arg5[%dma_start3A_9] : memref<160xi32, #tpu.memory_space<vmem>> -> memref<80xi32, #tpu.memory_space<vmem>>
    %dma_start3A_11 = arith.constant 0 : i32
    %dma_start3A_12 = arith.constant 0 : i32
    %dma_start3A_13 = tpu.memref_slice %arg2[%dma_start3A_11, %dma_start3A_12] : memref<100000x768xf32, #tpu.memory_space<hbm>> -> memref<100000x768xf32, #tpu.memory_space<hbm>>
    tpu.enqueue_indirect_dma source(%dma_start3A_13 : memref<100000x768xf32, #tpu.memory_space<hbm>>) target(%arg7 : memref<80x768xf32, #tpu.memory_space<vmem>>) offsets(%dma_start3A_10 : memref<80xi32, #tpu.memory_space<vmem>>) semaphore(%arg9 : memref<!tpu.dma_semaphore, #tpu.memory_space<semaphore_mem>>)
    %dma_wait3A = arith.constant 0 : i32
    %dma_wait3A_14 = tpu.memref_slice %arg5[%dma_wait3A] : memref<160xi32, #tpu.memory_space<vmem>> -> memref<80xi32, #tpu.memory_space<vmem>>
    %dma_wait3A_15 = arith.constant 0 : i32
    %dma_wait3A_16 = arith.constant 0 : i32
    %dma_wait3A_17 = tpu.memref_slice %arg2[%dma_wait3A_15, %dma_wait3A_16] : memref<100000x768xf32, #tpu.memory_space<hbm>> -> memref<100000x768xf32, #tpu.memory_space<hbm>>
    tpu.wait_indirect_dma semaphore(%arg8 : memref<!tpu.dma_semaphore, #tpu.memory_space<semaphore_mem>>) src(%dma_wait3A_17 : memref<100000x768xf32, #tpu.memory_space<hbm>>) dst(%arg6 : memref<80x768xf32, #tpu.memory_space<vmem>>)
    %add3A_18 = arith.constant 0 : i32
    %add3A_19 = arith.addi %mul3A_2, %add3A_18 : i32
    %dma_start3A_20 = arith.constant 0 : i32
    %dma_start3A_21 = tpu.memref_slice %arg4[%add3A_19, %dma_start3A_20] : memref<5120x768xf32, #tpu.memory_space<hbm>> -> memref<80x768xf32, #tpu.memory_space<hbm>>
    %dma_start3A_22 = arith.constant 0 : i32
    %dma_start3A_23 = tpu.memref_slice %arg4[%add3A_19, %dma_start3A_22] : memref<5120x768xf32, #tpu.memory_space<hbm>> -> memref<80x768xf32, #tpu.memory_space<hbm>>
    tpu.enqueue_dma source(%arg6 : memref<80x768xf32, #tpu.memory_space<vmem>>) target(%dma_start3A_23 : memref<80x768xf32, #tpu.memory_space<hbm>>) target_semaphore(%arg10 : memref<!tpu.dma_semaphore, #tpu.memory_space<semaphore_mem>>)
    %dma_wait3A_24 = arith.constant 80 : i32
    %dma_wait3A_25 = tpu.memref_slice %arg5[%dma_wait3A_24] : memref<160xi32, #tpu.memory_space<vmem>> -> memref<80xi32, #tpu.memory_space<vmem>>
    %dma_wait3A_26 = arith.constant 0 : i32
    %dma_wait3A_27 = arith.constant 0 : i32
    %dma_wait3A_28 = tpu.memref_slice %arg2[%dma_wait3A_26, %dma_wait3A_27] : memref<100000x768xf32, #tpu.memory_space<hbm>> -> memref<100000x768xf32, #tpu.memory_space<hbm>>
    tpu.wait_indirect_dma semaphore(%arg9 : memref<!tpu.dma_semaphore, #tpu.memory_space<semaphore_mem>>) src(%dma_wait3A_28 : memref<100000x768xf32, #tpu.memory_space<hbm>>) dst(%arg7 : memref<80x768xf32, #tpu.memory_space<vmem>>)
    %add3A_29 = arith.constant 80 : i32
    %add3A_30 = arith.addi %mul3A_2, %add3A_29 : i32
    %dma_start3A_31 = arith.constant 0 : i32
    %dma_start3A_32 = tpu.memref_slice %arg4[%add3A_30, %dma_start3A_31] : memref<5120x768xf32, #tpu.memory_space<hbm>> -> memref<80x768xf32, #tpu.memory_space<hbm>>
    %dma_start3A_33 = arith.constant 0 : i32
    %dma_start3A_34 = tpu.memref_slice %arg4[%add3A_30, %dma_start3A_33] : memref<5120x768xf32, #tpu.memory_space<hbm>> -> memref<80x768xf32, #tpu.memory_space<hbm>>
    tpu.enqueue_dma source(%arg7 : memref<80x768xf32, #tpu.memory_space<vmem>>) target(%dma_start3A_34 : memref<80x768xf32, #tpu.memory_space<hbm>>) target_semaphore(%arg11 : memref<!tpu.dma_semaphore, #tpu.memory_space<semaphore_mem>>)
    %dma_wait3A_35 = arith.constant 0 : i32
    %dma_wait3A_36 = tpu.memref_slice %arg4[%add3A_19, %dma_wait3A_35] : memref<5120x768xf32, #tpu.memory_space<hbm>> -> memref<80x768xf32, #tpu.memory_space<hbm>>
    %dma_wait3A_37 = arith.constant 0 : i32
    %dma_wait3A_38 = tpu.memref_slice %arg4[%add3A_19, %dma_wait3A_37] : memref<5120x768xf32, #tpu.memory_space<hbm>> -> memref<80x768xf32, #tpu.memory_space<hbm>>
    tpu.wait_dma2 semaphore(%arg10 : memref<!tpu.dma_semaphore, #tpu.memory_space<semaphore_mem>>) src(%arg6 : memref<80x768xf32, #tpu.memory_space<vmem>>) dst(%dma_wait3A_38 : memref<80x768xf32, #tpu.memory_space<hbm>>)
    %dma_wait3A_39 = arith.constant 0 : i32
    %dma_wait3A_40 = tpu.memref_slice %arg4[%add3A_30, %dma_wait3A_39] : memref<5120x768xf32, #tpu.memory_space<hbm>> -> memref<80x768xf32, #tpu.memory_space<hbm>>
    %dma_wait3A_41 = arith.constant 0 : i32
    %dma_wait3A_42 = tpu.memref_slice %arg4[%add3A_30, %dma_wait3A_41] : memref<5120x768xf32, #tpu.memory_space<hbm>> -> memref<80x768xf32, #tpu.memory_space<hbm>>
    tpu.wait_dma2 semaphore(%arg11 : memref<!tpu.dma_semaphore, #tpu.memory_space<semaphore_mem>>) src(%arg7 : memref<80x768xf32, #tpu.memory_space<vmem>>) dst(%dma_wait3A_42 : memref<80x768xf32, #tpu.memory_space<hbm>>)
    return
  }
}

#map = affine_map<(d0, d1) -> (0, 0)>
#map1 = affine_map<(d0, d1) -> (0)>
module attributes {stable_mosaic.version = 14 : i64} {
  func.func @k(%arg0: i32, %arg1: i32, %arg2: memref<100000x768xf32, #tpu.memory_space<hbm>>, %arg3: memref<25600xi32, #tpu.memory_space<hbm>>, %arg4: memref<12288x768xf32, #tpu.memory_space<hbm>>, %arg5: memref<384xi32, #tpu.memory_space<vmem>>, %arg6: memref<64x768xf32, #tpu.memory_space<vmem>>, %arg7: memref<64x768xf32, #tpu.memory_space<vmem>>, %arg8: memref<!tpu.dma_semaphore, #tpu.memory_space<semaphore_mem>>, %arg9: memref<!tpu.dma_semaphore, #tpu.memory_space<semaphore_mem>>, %arg10: memref<!tpu.dma_semaphore, #tpu.memory_space<semaphore_mem>>, %arg11: memref<!tpu.dma_semaphore, #tpu.memory_space<semaphore_mem>>) attributes {dimension_semantics = [#tpu.dimension_semantics<core_parallel>, #tpu.dimension_semantics<subcore_parallel>], iteration_bounds = array<i64: 2, 16>, scalar_prefetch = 0 : i64, scratch_operands = 7 : i64, tpu.core_type = #tpu.core_type<sc_vector_subcore>, window_params = [{transform_indices = #map}, {transform_indices = #map1}, {transform_indices = #map}]} {
    %mul3A = arith.constant 2 : i32
    %mul3A_0 = arith.muli %arg1, %mul3A : i32
    %add3A = arith.addi %mul3A_0, %arg0 : i32
    %mul3A_1 = arith.constant 384 : i32
    %mul3A_2 = arith.muli %add3A, %mul3A_1 : i32
    %add3A_3 = arith.constant 13312 : i32
    %add3A_4 = arith.addi %add3A_3, %mul3A_2 : i32
    "tpu.region"() ({
      %run_scoped3A = tpu.sem_alloc : memref<!tpu.dma_semaphore, #tpu.memory_space<semaphore_mem>>
      %dma_start3A_123 = tpu.memref_slice %arg3[%add3A_4] : memref<25600xi32, #tpu.memory_space<hbm>> -> memref<384xi32, #tpu.memory_space<hbm>>
      %dma_start3A_124 = tpu.memref_slice %arg3[%add3A_4] : memref<25600xi32, #tpu.memory_space<hbm>> -> memref<384xi32, #tpu.memory_space<hbm>>
      tpu.enqueue_dma source(%dma_start3A_124 : memref<384xi32, #tpu.memory_space<hbm>>) target(%arg5 : memref<384xi32, #tpu.memory_space<vmem>>) target_semaphore(%run_scoped3A : memref<!tpu.dma_semaphore, #tpu.memory_space<semaphore_mem>>)
      %dma_wait3A_125 = tpu.memref_slice %arg3[%add3A_4] : memref<25600xi32, #tpu.memory_space<hbm>> -> memref<384xi32, #tpu.memory_space<hbm>>
      %dma_wait3A_126 = tpu.memref_slice %arg3[%add3A_4] : memref<25600xi32, #tpu.memory_space<hbm>> -> memref<384xi32, #tpu.memory_space<hbm>>
      tpu.wait_dma2 semaphore(%run_scoped3A : memref<!tpu.dma_semaphore, #tpu.memory_space<semaphore_mem>>) src(%dma_wait3A_126 : memref<384xi32, #tpu.memory_space<hbm>>) dst(%arg5 : memref<384xi32, #tpu.memory_space<vmem>>)
      tpu.yield
    }) : () -> ()
    %dma_start3A = arith.constant 0 : i32
    %dma_start3A_5 = tpu.memref_slice %arg5[%dma_start3A] : memref<384xi32, #tpu.memory_space<vmem>> -> memref<64xi32, #tpu.memory_space<vmem>>
    %dma_start3A_6 = arith.constant 0 : i32
    %dma_start3A_7 = arith.constant 0 : i32
    %dma_start3A_8 = tpu.memref_slice %arg2[%dma_start3A_6, %dma_start3A_7] : memref<100000x768xf32, #tpu.memory_space<hbm>> -> memref<100000x768xf32, #tpu.memory_space<hbm>>
    tpu.enqueue_indirect_dma source(%dma_start3A_8 : memref<100000x768xf32, #tpu.memory_space<hbm>>) target(%arg6 : memref<64x768xf32, #tpu.memory_space<vmem>>) offsets(%dma_start3A_5 : memref<64xi32, #tpu.memory_space<vmem>>) semaphore(%arg8 : memref<!tpu.dma_semaphore, #tpu.memory_space<semaphore_mem>>)
    %dma_start3A_9 = arith.constant 64 : i32
    %dma_start3A_10 = tpu.memref_slice %arg5[%dma_start3A_9] : memref<384xi32, #tpu.memory_space<vmem>> -> memref<64xi32, #tpu.memory_space<vmem>>
    %dma_start3A_11 = arith.constant 0 : i32
    %dma_start3A_12 = arith.constant 0 : i32
    %dma_start3A_13 = tpu.memref_slice %arg2[%dma_start3A_11, %dma_start3A_12] : memref<100000x768xf32, #tpu.memory_space<hbm>> -> memref<100000x768xf32, #tpu.memory_space<hbm>>
    tpu.enqueue_indirect_dma source(%dma_start3A_13 : memref<100000x768xf32, #tpu.memory_space<hbm>>) target(%arg7 : memref<64x768xf32, #tpu.memory_space<vmem>>) offsets(%dma_start3A_10 : memref<64xi32, #tpu.memory_space<vmem>>) semaphore(%arg9 : memref<!tpu.dma_semaphore, #tpu.memory_space<semaphore_mem>>)
    %dma_wait3A = arith.constant 0 : i32
    %dma_wait3A_14 = tpu.memref_slice %arg5[%dma_wait3A] : memref<384xi32, #tpu.memory_space<vmem>> -> memref<64xi32, #tpu.memory_space<vmem>>
    %dma_wait3A_15 = arith.constant 0 : i32
    %dma_wait3A_16 = arith.constant 0 : i32
    %dma_wait3A_17 = tpu.memref_slice %arg2[%dma_wait3A_15, %dma_wait3A_16] : memref<100000x768xf32, #tpu.memory_space<hbm>> -> memref<100000x768xf32, #tpu.memory_space<hbm>>
    tpu.wait_indirect_dma semaphore(%arg8 : memref<!tpu.dma_semaphore, #tpu.memory_space<semaphore_mem>>) src(%dma_wait3A_17 : memref<100000x768xf32, #tpu.memory_space<hbm>>) dst(%arg6 : memref<64x768xf32, #tpu.memory_space<vmem>>)
    %add3A_18 = arith.constant 0 : i32
    %add3A_19 = arith.addi %mul3A_2, %add3A_18 : i32
    %dma_start3A_20 = arith.constant 0 : i32
    %dma_start3A_21 = tpu.memref_slice %arg4[%add3A_19, %dma_start3A_20] : memref<12288x768xf32, #tpu.memory_space<hbm>> -> memref<64x768xf32, #tpu.memory_space<hbm>>
    %dma_start3A_22 = arith.constant 0 : i32
    %dma_start3A_23 = tpu.memref_slice %arg4[%add3A_19, %dma_start3A_22] : memref<12288x768xf32, #tpu.memory_space<hbm>> -> memref<64x768xf32, #tpu.memory_space<hbm>>
    tpu.enqueue_dma source(%arg6 : memref<64x768xf32, #tpu.memory_space<vmem>>) target(%dma_start3A_23 : memref<64x768xf32, #tpu.memory_space<hbm>>) target_semaphore(%arg10 : memref<!tpu.dma_semaphore, #tpu.memory_space<semaphore_mem>>)
    %dma_wait3A_24 = arith.constant 0 : i32
    %dma_wait3A_25 = tpu.memref_slice %arg4[%add3A_19, %dma_wait3A_24] : memref<12288x768xf32, #tpu.memory_space<hbm>> -> memref<64x768xf32, #tpu.memory_space<hbm>>
    %dma_wait3A_26 = arith.constant 0 : i32
    %dma_wait3A_27 = tpu.memref_slice %arg4[%add3A_19, %dma_wait3A_26] : memref<12288x768xf32, #tpu.memory_space<hbm>> -> memref<64x768xf32, #tpu.memory_space<hbm>>
    tpu.wait_dma2 semaphore(%arg10 : memref<!tpu.dma_semaphore, #tpu.memory_space<semaphore_mem>>) src(%arg6 : memref<64x768xf32, #tpu.memory_space<vmem>>) dst(%dma_wait3A_27 : memref<64x768xf32, #tpu.memory_space<hbm>>)
    %dma_start3A_28 = arith.constant 128 : i32
    %dma_start3A_29 = tpu.memref_slice %arg5[%dma_start3A_28] : memref<384xi32, #tpu.memory_space<vmem>> -> memref<64xi32, #tpu.memory_space<vmem>>
    %dma_start3A_30 = arith.constant 0 : i32
    %dma_start3A_31 = arith.constant 0 : i32
    %dma_start3A_32 = tpu.memref_slice %arg2[%dma_start3A_30, %dma_start3A_31] : memref<100000x768xf32, #tpu.memory_space<hbm>> -> memref<100000x768xf32, #tpu.memory_space<hbm>>
    tpu.enqueue_indirect_dma source(%dma_start3A_32 : memref<100000x768xf32, #tpu.memory_space<hbm>>) target(%arg6 : memref<64x768xf32, #tpu.memory_space<vmem>>) offsets(%dma_start3A_29 : memref<64xi32, #tpu.memory_space<vmem>>) semaphore(%arg8 : memref<!tpu.dma_semaphore, #tpu.memory_space<semaphore_mem>>)
    %dma_wait3A_33 = arith.constant 64 : i32
    %dma_wait3A_34 = tpu.memref_slice %arg5[%dma_wait3A_33] : memref<384xi32, #tpu.memory_space<vmem>> -> memref<64xi32, #tpu.memory_space<vmem>>
    %dma_wait3A_35 = arith.constant 0 : i32
    %dma_wait3A_36 = arith.constant 0 : i32
    %dma_wait3A_37 = tpu.memref_slice %arg2[%dma_wait3A_35, %dma_wait3A_36] : memref<100000x768xf32, #tpu.memory_space<hbm>> -> memref<100000x768xf32, #tpu.memory_space<hbm>>
    tpu.wait_indirect_dma semaphore(%arg9 : memref<!tpu.dma_semaphore, #tpu.memory_space<semaphore_mem>>) src(%dma_wait3A_37 : memref<100000x768xf32, #tpu.memory_space<hbm>>) dst(%arg7 : memref<64x768xf32, #tpu.memory_space<vmem>>)
    %add3A_38 = arith.constant 64 : i32
    %add3A_39 = arith.addi %mul3A_2, %add3A_38 : i32
    %dma_start3A_40 = arith.constant 0 : i32
    %dma_start3A_41 = tpu.memref_slice %arg4[%add3A_39, %dma_start3A_40] : memref<12288x768xf32, #tpu.memory_space<hbm>> -> memref<64x768xf32, #tpu.memory_space<hbm>>
    %dma_start3A_42 = arith.constant 0 : i32
    %dma_start3A_43 = tpu.memref_slice %arg4[%add3A_39, %dma_start3A_42] : memref<12288x768xf32, #tpu.memory_space<hbm>> -> memref<64x768xf32, #tpu.memory_space<hbm>>
    tpu.enqueue_dma source(%arg7 : memref<64x768xf32, #tpu.memory_space<vmem>>) target(%dma_start3A_43 : memref<64x768xf32, #tpu.memory_space<hbm>>) target_semaphore(%arg11 : memref<!tpu.dma_semaphore, #tpu.memory_space<semaphore_mem>>)
    %dma_wait3A_44 = arith.constant 0 : i32
    %dma_wait3A_45 = tpu.memref_slice %arg4[%add3A_39, %dma_wait3A_44] : memref<12288x768xf32, #tpu.memory_space<hbm>> -> memref<64x768xf32, #tpu.memory_space<hbm>>
    %dma_wait3A_46 = arith.constant 0 : i32
    %dma_wait3A_47 = tpu.memref_slice %arg4[%add3A_39, %dma_wait3A_46] : memref<12288x768xf32, #tpu.memory_space<hbm>> -> memref<64x768xf32, #tpu.memory_space<hbm>>
    tpu.wait_dma2 semaphore(%arg11 : memref<!tpu.dma_semaphore, #tpu.memory_space<semaphore_mem>>) src(%arg7 : memref<64x768xf32, #tpu.memory_space<vmem>>) dst(%dma_wait3A_47 : memref<64x768xf32, #tpu.memory_space<hbm>>)
    %dma_start3A_48 = arith.constant 192 : i32
    %dma_start3A_49 = tpu.memref_slice %arg5[%dma_start3A_48] : memref<384xi32, #tpu.memory_space<vmem>> -> memref<64xi32, #tpu.memory_space<vmem>>
    %dma_start3A_50 = arith.constant 0 : i32
    %dma_start3A_51 = arith.constant 0 : i32
    %dma_start3A_52 = tpu.memref_slice %arg2[%dma_start3A_50, %dma_start3A_51] : memref<100000x768xf32, #tpu.memory_space<hbm>> -> memref<100000x768xf32, #tpu.memory_space<hbm>>
    tpu.enqueue_indirect_dma source(%dma_start3A_52 : memref<100000x768xf32, #tpu.memory_space<hbm>>) target(%arg7 : memref<64x768xf32, #tpu.memory_space<vmem>>) offsets(%dma_start3A_49 : memref<64xi32, #tpu.memory_space<vmem>>) semaphore(%arg9 : memref<!tpu.dma_semaphore, #tpu.memory_space<semaphore_mem>>)
    %dma_wait3A_53 = arith.constant 128 : i32
    %dma_wait3A_54 = tpu.memref_slice %arg5[%dma_wait3A_53] : memref<384xi32, #tpu.memory_space<vmem>> -> memref<64xi32, #tpu.memory_space<vmem>>
    %dma_wait3A_55 = arith.constant 0 : i32
    %dma_wait3A_56 = arith.constant 0 : i32
    %dma_wait3A_57 = tpu.memref_slice %arg2[%dma_wait3A_55, %dma_wait3A_56] : memref<100000x768xf32, #tpu.memory_space<hbm>> -> memref<100000x768xf32, #tpu.memory_space<hbm>>
    tpu.wait_indirect_dma semaphore(%arg8 : memref<!tpu.dma_semaphore, #tpu.memory_space<semaphore_mem>>) src(%dma_wait3A_57 : memref<100000x768xf32, #tpu.memory_space<hbm>>) dst(%arg6 : memref<64x768xf32, #tpu.memory_space<vmem>>)
    %add3A_58 = arith.constant 128 : i32
    %add3A_59 = arith.addi %mul3A_2, %add3A_58 : i32
    %dma_start3A_60 = arith.constant 0 : i32
    %dma_start3A_61 = tpu.memref_slice %arg4[%add3A_59, %dma_start3A_60] : memref<12288x768xf32, #tpu.memory_space<hbm>> -> memref<64x768xf32, #tpu.memory_space<hbm>>
    %dma_start3A_62 = arith.constant 0 : i32
    %dma_start3A_63 = tpu.memref_slice %arg4[%add3A_59, %dma_start3A_62] : memref<12288x768xf32, #tpu.memory_space<hbm>> -> memref<64x768xf32, #tpu.memory_space<hbm>>
    tpu.enqueue_dma source(%arg6 : memref<64x768xf32, #tpu.memory_space<vmem>>) target(%dma_start3A_63 : memref<64x768xf32, #tpu.memory_space<hbm>>) target_semaphore(%arg10 : memref<!tpu.dma_semaphore, #tpu.memory_space<semaphore_mem>>)
    %dma_wait3A_64 = arith.constant 0 : i32
    %dma_wait3A_65 = tpu.memref_slice %arg4[%add3A_59, %dma_wait3A_64] : memref<12288x768xf32, #tpu.memory_space<hbm>> -> memref<64x768xf32, #tpu.memory_space<hbm>>
    %dma_wait3A_66 = arith.constant 0 : i32
    %dma_wait3A_67 = tpu.memref_slice %arg4[%add3A_59, %dma_wait3A_66] : memref<12288x768xf32, #tpu.memory_space<hbm>> -> memref<64x768xf32, #tpu.memory_space<hbm>>
    tpu.wait_dma2 semaphore(%arg10 : memref<!tpu.dma_semaphore, #tpu.memory_space<semaphore_mem>>) src(%arg6 : memref<64x768xf32, #tpu.memory_space<vmem>>) dst(%dma_wait3A_67 : memref<64x768xf32, #tpu.memory_space<hbm>>)
    %dma_start3A_68 = arith.constant 256 : i32
    %dma_start3A_69 = tpu.memref_slice %arg5[%dma_start3A_68] : memref<384xi32, #tpu.memory_space<vmem>> -> memref<64xi32, #tpu.memory_space<vmem>>
    %dma_start3A_70 = arith.constant 0 : i32
    %dma_start3A_71 = arith.constant 0 : i32
    %dma_start3A_72 = tpu.memref_slice %arg2[%dma_start3A_70, %dma_start3A_71] : memref<100000x768xf32, #tpu.memory_space<hbm>> -> memref<100000x768xf32, #tpu.memory_space<hbm>>
    tpu.enqueue_indirect_dma source(%dma_start3A_72 : memref<100000x768xf32, #tpu.memory_space<hbm>>) target(%arg6 : memref<64x768xf32, #tpu.memory_space<vmem>>) offsets(%dma_start3A_69 : memref<64xi32, #tpu.memory_space<vmem>>) semaphore(%arg8 : memref<!tpu.dma_semaphore, #tpu.memory_space<semaphore_mem>>)
    %dma_wait3A_73 = arith.constant 192 : i32
    %dma_wait3A_74 = tpu.memref_slice %arg5[%dma_wait3A_73] : memref<384xi32, #tpu.memory_space<vmem>> -> memref<64xi32, #tpu.memory_space<vmem>>
    %dma_wait3A_75 = arith.constant 0 : i32
    %dma_wait3A_76 = arith.constant 0 : i32
    %dma_wait3A_77 = tpu.memref_slice %arg2[%dma_wait3A_75, %dma_wait3A_76] : memref<100000x768xf32, #tpu.memory_space<hbm>> -> memref<100000x768xf32, #tpu.memory_space<hbm>>
    tpu.wait_indirect_dma semaphore(%arg9 : memref<!tpu.dma_semaphore, #tpu.memory_space<semaphore_mem>>) src(%dma_wait3A_77 : memref<100000x768xf32, #tpu.memory_space<hbm>>) dst(%arg7 : memref<64x768xf32, #tpu.memory_space<vmem>>)
    %add3A_78 = arith.constant 192 : i32
    %add3A_79 = arith.addi %mul3A_2, %add3A_78 : i32
    %dma_start3A_80 = arith.constant 0 : i32
    %dma_start3A_81 = tpu.memref_slice %arg4[%add3A_79, %dma_start3A_80] : memref<12288x768xf32, #tpu.memory_space<hbm>> -> memref<64x768xf32, #tpu.memory_space<hbm>>
    %dma_start3A_82 = arith.constant 0 : i32
    %dma_start3A_83 = tpu.memref_slice %arg4[%add3A_79, %dma_start3A_82] : memref<12288x768xf32, #tpu.memory_space<hbm>> -> memref<64x768xf32, #tpu.memory_space<hbm>>
    tpu.enqueue_dma source(%arg7 : memref<64x768xf32, #tpu.memory_space<vmem>>) target(%dma_start3A_83 : memref<64x768xf32, #tpu.memory_space<hbm>>) target_semaphore(%arg11 : memref<!tpu.dma_semaphore, #tpu.memory_space<semaphore_mem>>)
    %dma_wait3A_84 = arith.constant 0 : i32
    %dma_wait3A_85 = tpu.memref_slice %arg4[%add3A_79, %dma_wait3A_84] : memref<12288x768xf32, #tpu.memory_space<hbm>> -> memref<64x768xf32, #tpu.memory_space<hbm>>
    %dma_wait3A_86 = arith.constant 0 : i32
    %dma_wait3A_87 = tpu.memref_slice %arg4[%add3A_79, %dma_wait3A_86] : memref<12288x768xf32, #tpu.memory_space<hbm>> -> memref<64x768xf32, #tpu.memory_space<hbm>>
    tpu.wait_dma2 semaphore(%arg11 : memref<!tpu.dma_semaphore, #tpu.memory_space<semaphore_mem>>) src(%arg7 : memref<64x768xf32, #tpu.memory_space<vmem>>) dst(%dma_wait3A_87 : memref<64x768xf32, #tpu.memory_space<hbm>>)
    %dma_start3A_88 = arith.constant 320 : i32
    %dma_start3A_89 = tpu.memref_slice %arg5[%dma_start3A_88] : memref<384xi32, #tpu.memory_space<vmem>> -> memref<64xi32, #tpu.memory_space<vmem>>
    %dma_start3A_90 = arith.constant 0 : i32
    %dma_start3A_91 = arith.constant 0 : i32
    %dma_start3A_92 = tpu.memref_slice %arg2[%dma_start3A_90, %dma_start3A_91] : memref<100000x768xf32, #tpu.memory_space<hbm>> -> memref<100000x768xf32, #tpu.memory_space<hbm>>
    tpu.enqueue_indirect_dma source(%dma_start3A_92 : memref<100000x768xf32, #tpu.memory_space<hbm>>) target(%arg7 : memref<64x768xf32, #tpu.memory_space<vmem>>) offsets(%dma_start3A_89 : memref<64xi32, #tpu.memory_space<vmem>>) semaphore(%arg9 : memref<!tpu.dma_semaphore, #tpu.memory_space<semaphore_mem>>)
    %dma_wait3A_93 = arith.constant 256 : i32
    %dma_wait3A_94 = tpu.memref_slice %arg5[%dma_wait3A_93] : memref<384xi32, #tpu.memory_space<vmem>> -> memref<64xi32, #tpu.memory_space<vmem>>
    %dma_wait3A_95 = arith.constant 0 : i32
    %dma_wait3A_96 = arith.constant 0 : i32
    %dma_wait3A_97 = tpu.memref_slice %arg2[%dma_wait3A_95, %dma_wait3A_96] : memref<100000x768xf32, #tpu.memory_space<hbm>> -> memref<100000x768xf32, #tpu.memory_space<hbm>>
    tpu.wait_indirect_dma semaphore(%arg8 : memref<!tpu.dma_semaphore, #tpu.memory_space<semaphore_mem>>) src(%dma_wait3A_97 : memref<100000x768xf32, #tpu.memory_space<hbm>>) dst(%arg6 : memref<64x768xf32, #tpu.memory_space<vmem>>)
    %add3A_98 = arith.constant 256 : i32
    %add3A_99 = arith.addi %mul3A_2, %add3A_98 : i32
    %dma_start3A_100 = arith.constant 0 : i32
    %dma_start3A_101 = tpu.memref_slice %arg4[%add3A_99, %dma_start3A_100] : memref<12288x768xf32, #tpu.memory_space<hbm>> -> memref<64x768xf32, #tpu.memory_space<hbm>>
    %dma_start3A_102 = arith.constant 0 : i32
    %dma_start3A_103 = tpu.memref_slice %arg4[%add3A_99, %dma_start3A_102] : memref<12288x768xf32, #tpu.memory_space<hbm>> -> memref<64x768xf32, #tpu.memory_space<hbm>>
    tpu.enqueue_dma source(%arg6 : memref<64x768xf32, #tpu.memory_space<vmem>>) target(%dma_start3A_103 : memref<64x768xf32, #tpu.memory_space<hbm>>) target_semaphore(%arg10 : memref<!tpu.dma_semaphore, #tpu.memory_space<semaphore_mem>>)
    %dma_wait3A_104 = arith.constant 320 : i32
    %dma_wait3A_105 = tpu.memref_slice %arg5[%dma_wait3A_104] : memref<384xi32, #tpu.memory_space<vmem>> -> memref<64xi32, #tpu.memory_space<vmem>>
    %dma_wait3A_106 = arith.constant 0 : i32
    %dma_wait3A_107 = arith.constant 0 : i32
    %dma_wait3A_108 = tpu.memref_slice %arg2[%dma_wait3A_106, %dma_wait3A_107] : memref<100000x768xf32, #tpu.memory_space<hbm>> -> memref<100000x768xf32, #tpu.memory_space<hbm>>
    tpu.wait_indirect_dma semaphore(%arg9 : memref<!tpu.dma_semaphore, #tpu.memory_space<semaphore_mem>>) src(%dma_wait3A_108 : memref<100000x768xf32, #tpu.memory_space<hbm>>) dst(%arg7 : memref<64x768xf32, #tpu.memory_space<vmem>>)
    %add3A_109 = arith.constant 320 : i32
    %add3A_110 = arith.addi %mul3A_2, %add3A_109 : i32
    %dma_start3A_111 = arith.constant 0 : i32
    %dma_start3A_112 = tpu.memref_slice %arg4[%add3A_110, %dma_start3A_111] : memref<12288x768xf32, #tpu.memory_space<hbm>> -> memref<64x768xf32, #tpu.memory_space<hbm>>
    %dma_start3A_113 = arith.constant 0 : i32
    %dma_start3A_114 = tpu.memref_slice %arg4[%add3A_110, %dma_start3A_113] : memref<12288x768xf32, #tpu.memory_space<hbm>> -> memref<64x768xf32, #tpu.memory_space<hbm>>
    tpu.enqueue_dma source(%arg7 : memref<64x768xf32, #tpu.memory_space<vmem>>) target(%dma_start3A_114 : memref<64x768xf32, #tpu.memory_space<hbm>>) target_semaphore(%arg11 : memref<!tpu.dma_semaphore, #tpu.memory_space<semaphore_mem>>)
    %dma_wait3A_115 = arith.constant 0 : i32
    %dma_wait3A_116 = tpu.memref_slice %arg4[%add3A_99, %dma_wait3A_115] : memref<12288x768xf32, #tpu.memory_space<hbm>> -> memref<64x768xf32, #tpu.memory_space<hbm>>
    %dma_wait3A_117 = arith.constant 0 : i32
    %dma_wait3A_118 = tpu.memref_slice %arg4[%add3A_99, %dma_wait3A_117] : memref<12288x768xf32, #tpu.memory_space<hbm>> -> memref<64x768xf32, #tpu.memory_space<hbm>>
    tpu.wait_dma2 semaphore(%arg10 : memref<!tpu.dma_semaphore, #tpu.memory_space<semaphore_mem>>) src(%arg6 : memref<64x768xf32, #tpu.memory_space<vmem>>) dst(%dma_wait3A_118 : memref<64x768xf32, #tpu.memory_space<hbm>>)
    %dma_wait3A_119 = arith.constant 0 : i32
    %dma_wait3A_120 = tpu.memref_slice %arg4[%add3A_110, %dma_wait3A_119] : memref<12288x768xf32, #tpu.memory_space<hbm>> -> memref<64x768xf32, #tpu.memory_space<hbm>>
    %dma_wait3A_121 = arith.constant 0 : i32
    %dma_wait3A_122 = tpu.memref_slice %arg4[%add3A_110, %dma_wait3A_121] : memref<12288x768xf32, #tpu.memory_space<hbm>> -> memref<64x768xf32, #tpu.memory_space<hbm>>
    tpu.wait_dma2 semaphore(%arg11 : memref<!tpu.dma_semaphore, #tpu.memory_space<semaphore_mem>>) src(%arg7 : memref<64x768xf32, #tpu.memory_space<vmem>>) dst(%dma_wait3A_122 : memref<64x768xf32, #tpu.memory_space<hbm>>)
    return
  }
}

module attributes {stable_mosaic.version = 14 : i64} {
  func.func @_tc_body_first(%arg0: i32, %arg1: memref<512x768xf32, #tpu.memory_space<vmem>>, %arg2: memref<15x1x1x512xi16, #tpu.memory_space<vmem>>, %arg3: memref<512x11xf32, #tpu.memory_space<vmem>>, %arg4: memref<139x768xbf16, #tpu.memory_space<vmem>>, %arg5: memref<264x96xbf16, #tpu.memory_space<vmem>>, %arg6: memref<264x96xbf16, #tpu.memory_space<vmem>>, %arg7: memref<392x72xbf16, #tpu.memory_space<vmem>>, %arg8: memref<392x72xbf16, #tpu.memory_space<vmem>>, %arg9: memref<1x768xf32, #tpu.memory_space<vmem>>, %arg10: memref<1x768xf32, #tpu.memory_space<vmem>>, %arg11: memref<512x768xf32, #tpu.memory_space<vmem>>) attributes {dimension_semantics = [#tpu.dimension_semantics<arbitrary>], iteration_bounds = array<i64: 10>, scalar_prefetch = 0 : i64, scratch_operands = 0 : i64, tpu.core_type = #tpu.core_type<tc>, window_params = [{transform_indices = @transform_0, window_bounds = array<i64: 512, 768>}, {transform_indices = @transform_1, window_bounds = array<i64: 15, 1, 1, 512>}, {transform_indices = @transform_2, window_bounds = array<i64: 512, 11>}, {pipeline_mode = #tpu.pipeline_mode<synchronous>, transform_indices = @transform_3, window_bounds = array<i64: 139, 768>}, {pipeline_mode = #tpu.pipeline_mode<synchronous>, transform_indices = @transform_4, window_bounds = array<i64: 264, 96>}, {pipeline_mode = #tpu.pipeline_mode<synchronous>, transform_indices = @transform_5, window_bounds = array<i64: 264, 96>}, {pipeline_mode = #tpu.pipeline_mode<synchronous>, transform_indices = @transform_6, window_bounds = array<i64: 392, 72>}, {pipeline_mode = #tpu.pipeline_mode<synchronous>, transform_indices = @transform_7, window_bounds = array<i64: 392, 72>}, {pipeline_mode = #tpu.pipeline_mode<synchronous>, transform_indices = @transform_8, window_bounds = array<i64: 1, 768>}, {pipeline_mode = #tpu.pipeline_mode<synchronous>, transform_indices = @transform_9, window_bounds = array<i64: 1, 768>}, {transform_indices = @transform_10, window_bounds = array<i64: 512, 768>}]} {
    %iota3A = tpu.iota {dimensions = array<i32: 1>} : vector<512x128xi32>
    %lt3A = arith.constant 16 : i32
    %lt3A_0 = vector.broadcast %lt3A : i32 to vector<512x128xi32>
    %lt3A_1 = arith.cmpi slt, %iota3A, %lt3A_0 : vector<512x128xi32>
    %get3A = arith.constant 0 : index
    %get3A_2 = arith.constant 0 : index
    %get3A_3 = arith.constant 0 : index
    %get3A_4 = arith.constant 0 : index
    %get3A_5 = vector.load %arg2[%get3A, %get3A_2, %get3A_3, %get3A_4] : memref<15x1x1x512xi16, #tpu.memory_space<vmem>>, vector<1x1x1x512xi16>
    %get3A_6 = vector.shape_cast %get3A_5 : vector<1x1x1x512xi16> to vector<512xi16>
    %convert_element_type3A = arith.extsi %get3A_6 : vector<512xi16> to vector<512xi32>
    %broadcast_in_dim3A = vector.shape_cast %convert_element_type3A : vector<512xi32> to vector<512x1xi32>
    %lt3A_7 = arith.constant 32 : i32
    %lt3A_8 = vector.broadcast %lt3A_7 : i32 to vector<512x128xi32>
    %lt3A_9 = arith.cmpi slt, %iota3A, %lt3A_8 : vector<512x128xi32>
    %get3A_10 = arith.constant 1 : index
    %get3A_11 = arith.constant 0 : index
    %get3A_12 = arith.constant 0 : index
    %get3A_13 = arith.constant 0 : index
    %get3A_14 = vector.load %arg2[%get3A_10, %get3A_11, %get3A_12, %get3A_13] : memref<15x1x1x512xi16, #tpu.memory_space<vmem>>, vector<1x1x1x512xi16>
    %get3A_15 = vector.shape_cast %get3A_14 : vector<1x1x1x512xi16> to vector<512xi16>
    %convert_element_type3A_16 = arith.extsi %get3A_15 : vector<512xi16> to vector<512xi32>
    %broadcast_in_dim3A_17 = vector.shape_cast %convert_element_type3A_16 : vector<512xi32> to vector<512x1xi32>
    %add3A = arith.constant 16 : i32
    %add3A_18 = vector.broadcast %add3A : i32 to vector<512x1xi32>
    %add3A_19 = arith.addi %broadcast_in_dim3A_17, %add3A_18 : vector<512x1xi32>
    %lt3A_20 = arith.constant 48 : i32
    %lt3A_21 = vector.broadcast %lt3A_20 : i32 to vector<512x128xi32>
    %lt3A_22 = arith.cmpi slt, %iota3A, %lt3A_21 : vector<512x128xi32>
    %get3A_23 = arith.constant 2 : index
    %get3A_24 = arith.constant 0 : index
    %get3A_25 = arith.constant 0 : index
    %get3A_26 = arith.constant 0 : index
    %get3A_27 = vector.load %arg2[%get3A_23, %get3A_24, %get3A_25, %get3A_26] : memref<15x1x1x512xi16, #tpu.memory_space<vmem>>, vector<1x1x1x512xi16>
    %get3A_28 = vector.shape_cast %get3A_27 : vector<1x1x1x512xi16> to vector<512xi16>
    %convert_element_type3A_29 = arith.extsi %get3A_28 : vector<512xi16> to vector<512xi32>
    %broadcast_in_dim3A_30 = vector.shape_cast %convert_element_type3A_29 : vector<512xi32> to vector<512x1xi32>
    %add3A_31 = arith.constant 32 : i32
    %add3A_32 = vector.broadcast %add3A_31 : i32 to vector<512x1xi32>
    %add3A_33 = arith.addi %broadcast_in_dim3A_30, %add3A_32 : vector<512x1xi32>
    %lt3A_34 = arith.constant 64 : i32
    %lt3A_35 = vector.broadcast %lt3A_34 : i32 to vector<512x128xi32>
    %lt3A_36 = arith.cmpi slt, %iota3A, %lt3A_35 : vector<512x128xi32>
    %get3A_37 = arith.constant 3 : index
    %get3A_38 = arith.constant 0 : index
    %get3A_39 = arith.constant 0 : index
    %get3A_40 = arith.constant 0 : index
    %get3A_41 = vector.load %arg2[%get3A_37, %get3A_38, %get3A_39, %get3A_40] : memref<15x1x1x512xi16, #tpu.memory_space<vmem>>, vector<1x1x1x512xi16>
    %get3A_42 = vector.shape_cast %get3A_41 : vector<1x1x1x512xi16> to vector<512xi16>
    %convert_element_type3A_43 = arith.extsi %get3A_42 : vector<512xi16> to vector<512xi32>
    %broadcast_in_dim3A_44 = vector.shape_cast %convert_element_type3A_43 : vector<512xi32> to vector<512x1xi32>
    %add3A_45 = arith.constant 48 : i32
    %add3A_46 = vector.broadcast %add3A_45 : i32 to vector<512x1xi32>
    %add3A_47 = arith.addi %broadcast_in_dim3A_44, %add3A_46 : vector<512x1xi32>
    %get3A_48 = arith.constant 4 : index
    %get3A_49 = arith.constant 0 : index
    %get3A_50 = arith.constant 0 : index
    %get3A_51 = arith.constant 0 : index
    %get3A_52 = vector.load %arg2[%get3A_48, %get3A_49, %get3A_50, %get3A_51] : memref<15x1x1x512xi16, #tpu.memory_space<vmem>>, vector<1x1x1x512xi16>
    %get3A_53 = vector.shape_cast %get3A_52 : vector<1x1x1x512xi16> to vector<512xi16>
    %convert_element_type3A_54 = arith.extsi %get3A_53 : vector<512xi16> to vector<512xi32>
    %broadcast_in_dim3A_55 = vector.shape_cast %convert_element_type3A_54 : vector<512xi32> to vector<512x1xi32>
    %add3A_56 = arith.constant 64 : i32
    %add3A_57 = vector.broadcast %add3A_56 : i32 to vector<512x1xi32>
    %add3A_58 = arith.addi %broadcast_in_dim3A_55, %add3A_57 : vector<512x1xi32>
    %broadcast_in_dim3A_59 = vector.shape_cast %add3A_47 : vector<512x1xi32> to vector<512x1xi32>
    %broadcast_in_dim3A_60 = vector.broadcast %broadcast_in_dim3A_59 : vector<512x1xi32> to vector<512x128xi32>
    %broadcast_in_dim3A_61 = vector.shape_cast %add3A_58 : vector<512x1xi32> to vector<512x1xi32>
    %broadcast_in_dim3A_62 = vector.broadcast %broadcast_in_dim3A_61 : vector<512x1xi32> to vector<512x128xi32>
    %select_n3A = arith.select %lt3A_36, %broadcast_in_dim3A_60, %broadcast_in_dim3A_62 : vector<512x128xi1>, vector<512x128xi32>
    %broadcast_in_dim3A_63 = vector.shape_cast %add3A_33 : vector<512x1xi32> to vector<512x1xi32>
    %broadcast_in_dim3A_64 = vector.broadcast %broadcast_in_dim3A_63 : vector<512x1xi32> to vector<512x128xi32>
    %select_n3A_65 = arith.select %lt3A_22, %broadcast_in_dim3A_64, %select_n3A : vector<512x128xi1>, vector<512x128xi32>
    %broadcast_in_dim3A_66 = vector.shape_cast %add3A_19 : vector<512x1xi32> to vector<512x1xi32>
    %broadcast_in_dim3A_67 = vector.broadcast %broadcast_in_dim3A_66 : vector<512x1xi32> to vector<512x128xi32>
    %select_n3A_68 = arith.select %lt3A_9, %broadcast_in_dim3A_67, %select_n3A_65 : vector<512x128xi1>, vector<512x128xi32>
    %broadcast_in_dim3A_69 = vector.shape_cast %broadcast_in_dim3A : vector<512x1xi32> to vector<512x1xi32>
    %broadcast_in_dim3A_70 = vector.broadcast %broadcast_in_dim3A_69 : vector<512x1xi32> to vector<512x128xi32>
    %select_n3A_71 = arith.select %lt3A_1, %broadcast_in_dim3A_70, %select_n3A_68 : vector<512x128xi1>, vector<512x128xi32>
    %eq3A = arith.cmpi eq, %iota3A, %select_n3A_71 : vector<512x128xi32>
    %convert_element_type3A_72 = arith.extui %eq3A : vector<512x128xi1> to vector<512x128xi32>
    %convert_element_type3A_73 = arith.sitofp %convert_element_type3A_72 : vector<512x128xi32> to vector<512x128xf32>
    %convert_element_type3A_74 = arith.truncf %convert_element_type3A_73 : vector<512x128xf32> to vector<512x128xbf16>
    %get3A_75 = arith.constant 0 : index
    %get3A_76 = arith.constant 0 : index
    %get3A_77 = vector.load %arg3[%get3A_75, %get3A_76] : memref<512x11xf32, #tpu.memory_space<vmem>>, vector<512x11xf32>
    %convert_element_type3A_78 = arith.truncf %get3A_77 : vector<512x11xf32> to vector<512x11xbf16>
    %concatenate3A = tpu.concatenate %convert_element_type3A_74, %convert_element_type3A_78 in 1 : vector<512x128xbf16>, vector<512x11xbf16> -> vector<512x139xbf16>
    %get3A_79 = arith.constant 0 : index
    %get3A_80 = arith.constant 0 : index
    %get3A_81 = vector.load %arg4[%get3A_79, %get3A_80] : memref<139x768xbf16, #tpu.memory_space<vmem>>, vector<139x768xbf16>
    %dot_general3A = arith.constant dense<0.000000e+00> : vector<512x768xf32>
    %dot_general3A_82 = tpu.matmul %concatenate3A, %get3A_81, %dot_general3A {dimension_numbers = #tpu.dot_dimension_numbers<[1], [0], [0], [1], [0, 0, 1, 1], [], []>, transpose_lhs_hint = false} : vector<512x139xbf16>, vector<139x768xbf16>, vector<512x768xf32> -> vector<512x768xf32>
    %iota3A_83 = tpu.iota {dimensions = array<i32: 1>} : vector<512x264xi32>
    %get3A_84 = arith.constant 5 : index
    %get3A_85 = arith.constant 0 : index
    %get3A_86 = arith.constant 0 : index
    %get3A_87 = arith.constant 0 : index
    %get3A_88 = vector.load %arg2[%get3A_84, %get3A_85, %get3A_86, %get3A_87] : memref<15x1x1x512xi16, #tpu.memory_space<vmem>>, vector<1x1x1x512xi16>
    %get3A_89 = vector.shape_cast %get3A_88 : vector<1x1x1x512xi16> to vector<512xi16>
    %convert_element_type3A_90 = arith.extsi %get3A_89 : vector<512xi16> to vector<512xi32>
    %broadcast_in_dim3A_91 = vector.shape_cast %convert_element_type3A_90 : vector<512xi32> to vector<512x1xi32>
    %eq3A_92 = vector.broadcast %broadcast_in_dim3A_91 : vector<512x1xi32> to vector<512x264xi32>
    %eq3A_93 = arith.cmpi eq, %iota3A_83, %eq3A_92 : vector<512x264xi32>
    %convert_element_type3A_94 = arith.extui %eq3A_93 : vector<512x264xi1> to vector<512x264xi32>
    %convert_element_type3A_95 = arith.sitofp %convert_element_type3A_94 : vector<512x264xi32> to vector<512x264xf32>
    %convert_element_type3A_96 = arith.truncf %convert_element_type3A_95 : vector<512x264xf32> to vector<512x264xbf16>
    %get3A_97 = arith.constant 0 : index
    %get3A_98 = arith.constant 0 : index
    %get3A_99 = vector.load %arg5[%get3A_97, %get3A_98] : memref<264x96xbf16, #tpu.memory_space<vmem>>, vector<264x96xbf16>
    %dot_general3A_100 = arith.constant dense<0.000000e+00> : vector<512x96xf32>
    %dot_general3A_101 = tpu.matmul %convert_element_type3A_96, %get3A_99, %dot_general3A_100 {dimension_numbers = #tpu.dot_dimension_numbers<[1], [0], [0], [1], [0, 0, 1, 1], [], []>, transpose_lhs_hint = false} : vector<512x264xbf16>, vector<264x96xbf16>, vector<512x96xf32> -> vector<512x96xf32>
    %iota3A_102 = tpu.iota {dimensions = array<i32: 1>} : vector<512x264xi32>
    %get3A_103 = arith.constant 6 : index
    %get3A_104 = arith.constant 0 : index
    %get3A_105 = arith.constant 0 : index
    %get3A_106 = arith.constant 0 : index
    %get3A_107 = vector.load %arg2[%get3A_103, %get3A_104, %get3A_105, %get3A_106] : memref<15x1x1x512xi16, #tpu.memory_space<vmem>>, vector<1x1x1x512xi16>
    %get3A_108 = vector.shape_cast %get3A_107 : vector<1x1x1x512xi16> to vector<512xi16>
    %convert_element_type3A_109 = arith.extsi %get3A_108 : vector<512xi16> to vector<512xi32>
    %broadcast_in_dim3A_110 = vector.shape_cast %convert_element_type3A_109 : vector<512xi32> to vector<512x1xi32>
    %eq3A_111 = vector.broadcast %broadcast_in_dim3A_110 : vector<512x1xi32> to vector<512x264xi32>
    %eq3A_112 = arith.cmpi eq, %iota3A_102, %eq3A_111 : vector<512x264xi32>
    %convert_element_type3A_113 = arith.extui %eq3A_112 : vector<512x264xi1> to vector<512x264xi32>
    %convert_element_type3A_114 = arith.sitofp %convert_element_type3A_113 : vector<512x264xi32> to vector<512x264xf32>
    %convert_element_type3A_115 = arith.truncf %convert_element_type3A_114 : vector<512x264xf32> to vector<512x264xbf16>
    %get3A_116 = arith.constant 0 : index
    %get3A_117 = arith.constant 0 : index
    %get3A_118 = vector.load %arg6[%get3A_116, %get3A_117] : memref<264x96xbf16, #tpu.memory_space<vmem>>, vector<264x96xbf16>
    %dot_general3A_119 = arith.constant dense<0.000000e+00> : vector<512x96xf32>
    %dot_general3A_120 = tpu.matmul %convert_element_type3A_115, %get3A_118, %dot_general3A_119 {dimension_numbers = #tpu.dot_dimension_numbers<[1], [0], [0], [1], [0, 0, 1, 1], [], []>, transpose_lhs_hint = false} : vector<512x264xbf16>, vector<264x96xbf16>, vector<512x96xf32> -> vector<512x96xf32>
    %iota3A_121 = tpu.iota {dimensions = array<i32: 1>} : vector<512x392xi32>
    %get3A_122 = arith.constant 7 : index
    %get3A_123 = arith.constant 0 : index
    %get3A_124 = arith.constant 0 : index
    %get3A_125 = arith.constant 0 : index
    %get3A_126 = vector.load %arg2[%get3A_122, %get3A_123, %get3A_124, %get3A_125] : memref<15x1x1x512xi16, #tpu.memory_space<vmem>>, vector<1x1x1x512xi16>
    %get3A_127 = vector.shape_cast %get3A_126 : vector<1x1x1x512xi16> to vector<512xi16>
    %convert_element_type3A_128 = arith.extsi %get3A_127 : vector<512xi16> to vector<512xi32>
    %broadcast_in_dim3A_129 = vector.shape_cast %convert_element_type3A_128 : vector<512xi32> to vector<512x1xi32>
    %eq3A_130 = vector.broadcast %broadcast_in_dim3A_129 : vector<512x1xi32> to vector<512x392xi32>
    %eq3A_131 = arith.cmpi eq, %iota3A_121, %eq3A_130 : vector<512x392xi32>
    %convert_element_type3A_132 = arith.extui %eq3A_131 : vector<512x392xi1> to vector<512x392xi32>
    %convert_element_type3A_133 = arith.sitofp %convert_element_type3A_132 : vector<512x392xi32> to vector<512x392xf32>
    %convert_element_type3A_134 = arith.truncf %convert_element_type3A_133 : vector<512x392xf32> to vector<512x392xbf16>
    %get3A_135 = arith.constant 0 : index
    %get3A_136 = arith.constant 0 : index
    %get3A_137 = vector.load %arg7[%get3A_135, %get3A_136] : memref<392x72xbf16, #tpu.memory_space<vmem>>, vector<392x72xbf16>
    %dot_general3A_138 = arith.constant dense<0.000000e+00> : vector<512x72xf32>
    %dot_general3A_139 = tpu.matmul %convert_element_type3A_134, %get3A_137, %dot_general3A_138 {dimension_numbers = #tpu.dot_dimension_numbers<[1], [0], [0], [1], [0, 0, 1, 1], [], []>, transpose_lhs_hint = false} : vector<512x392xbf16>, vector<392x72xbf16>, vector<512x72xf32> -> vector<512x72xf32>
    %iota3A_140 = tpu.iota {dimensions = array<i32: 1>} : vector<512x392xi32>
    %get3A_141 = arith.constant 8 : index
    %get3A_142 = arith.constant 0 : index
    %get3A_143 = arith.constant 0 : index
    %get3A_144 = arith.constant 0 : index
    %get3A_145 = vector.load %arg2[%get3A_141, %get3A_142, %get3A_143, %get3A_144] : memref<15x1x1x512xi16, #tpu.memory_space<vmem>>, vector<1x1x1x512xi16>
    %get3A_146 = vector.shape_cast %get3A_145 : vector<1x1x1x512xi16> to vector<512xi16>
    %convert_element_type3A_147 = arith.extsi %get3A_146 : vector<512xi16> to vector<512xi32>
    %broadcast_in_dim3A_148 = vector.shape_cast %convert_element_type3A_147 : vector<512xi32> to vector<512x1xi32>
    %eq3A_149 = vector.broadcast %broadcast_in_dim3A_148 : vector<512x1xi32> to vector<512x392xi32>
    %eq3A_150 = arith.cmpi eq, %iota3A_140, %eq3A_149 : vector<512x392xi32>
    %convert_element_type3A_151 = arith.extui %eq3A_150 : vector<512x392xi1> to vector<512x392xi32>
    %convert_element_type3A_152 = arith.sitofp %convert_element_type3A_151 : vector<512x392xi32> to vector<512x392xf32>
    %convert_element_type3A_153 = arith.truncf %convert_element_type3A_152 : vector<512x392xf32> to vector<512x392xbf16>
    %get3A_154 = arith.constant 0 : index
    %get3A_155 = arith.constant 0 : index
    %get3A_156 = vector.load %arg7[%get3A_154, %get3A_155] : memref<392x72xbf16, #tpu.memory_space<vmem>>, vector<392x72xbf16>
    %dot_general3A_157 = arith.constant dense<0.000000e+00> : vector<512x72xf32>
    %dot_general3A_158 = tpu.matmul %convert_element_type3A_153, %get3A_156, %dot_general3A_157 {dimension_numbers = #tpu.dot_dimension_numbers<[1], [0], [0], [1], [0, 0, 1, 1], [], []>, transpose_lhs_hint = false} : vector<512x392xbf16>, vector<392x72xbf16>, vector<512x72xf32> -> vector<512x72xf32>
    %iota3A_159 = tpu.iota {dimensions = array<i32: 1>} : vector<512x392xi32>
    %get3A_160 = arith.constant 9 : index
    %get3A_161 = arith.constant 0 : index
    %get3A_162 = arith.constant 0 : index
    %get3A_163 = arith.constant 0 : index
    %get3A_164 = vector.load %arg2[%get3A_160, %get3A_161, %get3A_162, %get3A_163] : memref<15x1x1x512xi16, #tpu.memory_space<vmem>>, vector<1x1x1x512xi16>
    %get3A_165 = vector.shape_cast %get3A_164 : vector<1x1x1x512xi16> to vector<512xi16>
    %convert_element_type3A_166 = arith.extsi %get3A_165 : vector<512xi16> to vector<512xi32>
    %broadcast_in_dim3A_167 = vector.shape_cast %convert_element_type3A_166 : vector<512xi32> to vector<512x1xi32>
    %eq3A_168 = vector.broadcast %broadcast_in_dim3A_167 : vector<512x1xi32> to vector<512x392xi32>
    %eq3A_169 = arith.cmpi eq, %iota3A_159, %eq3A_168 : vector<512x392xi32>
    %convert_element_type3A_170 = arith.extui %eq3A_169 : vector<512x392xi1> to vector<512x392xi32>
    %convert_element_type3A_171 = arith.sitofp %convert_element_type3A_170 : vector<512x392xi32> to vector<512x392xf32>
    %convert_element_type3A_172 = arith.truncf %convert_element_type3A_171 : vector<512x392xf32> to vector<512x392xbf16>
    %get3A_173 = arith.constant 0 : index
    %get3A_174 = arith.constant 0 : index
    %get3A_175 = vector.load %arg7[%get3A_173, %get3A_174] : memref<392x72xbf16, #tpu.memory_space<vmem>>, vector<392x72xbf16>
    %dot_general3A_176 = arith.constant dense<0.000000e+00> : vector<512x72xf32>
    %dot_general3A_177 = tpu.matmul %convert_element_type3A_172, %get3A_175, %dot_general3A_176 {dimension_numbers = #tpu.dot_dimension_numbers<[1], [0], [0], [1], [0, 0, 1, 1], [], []>, transpose_lhs_hint = false} : vector<512x392xbf16>, vector<392x72xbf16>, vector<512x72xf32> -> vector<512x72xf32>
    %iota3A_178 = tpu.iota {dimensions = array<i32: 1>} : vector<512x392xi32>
    %get3A_179 = arith.constant 10 : index
    %get3A_180 = arith.constant 0 : index
    %get3A_181 = arith.constant 0 : index
    %get3A_182 = arith.constant 0 : index
    %get3A_183 = vector.load %arg2[%get3A_179, %get3A_180, %get3A_181, %get3A_182] : memref<15x1x1x512xi16, #tpu.memory_space<vmem>>, vector<1x1x1x512xi16>
    %get3A_184 = vector.shape_cast %get3A_183 : vector<1x1x1x512xi16> to vector<512xi16>
    %convert_element_type3A_185 = arith.extsi %get3A_184 : vector<512xi16> to vector<512xi32>
    %broadcast_in_dim3A_186 = vector.shape_cast %convert_element_type3A_185 : vector<512xi32> to vector<512x1xi32>
    %eq3A_187 = vector.broadcast %broadcast_in_dim3A_186 : vector<512x1xi32> to vector<512x392xi32>
    %eq3A_188 = arith.cmpi eq, %iota3A_178, %eq3A_187 : vector<512x392xi32>
    %convert_element_type3A_189 = arith.extui %eq3A_188 : vector<512x392xi1> to vector<512x392xi32>
    %convert_element_type3A_190 = arith.sitofp %convert_element_type3A_189 : vector<512x392xi32> to vector<512x392xf32>
    %convert_element_type3A_191 = arith.truncf %convert_element_type3A_190 : vector<512x392xf32> to vector<512x392xbf16>
    %get3A_192 = arith.constant 0 : index
    %get3A_193 = arith.constant 0 : index
    %get3A_194 = vector.load %arg7[%get3A_192, %get3A_193] : memref<392x72xbf16, #tpu.memory_space<vmem>>, vector<392x72xbf16>
    %dot_general3A_195 = arith.constant dense<0.000000e+00> : vector<512x72xf32>
    %dot_general3A_196 = tpu.matmul %convert_element_type3A_191, %get3A_194, %dot_general3A_195 {dimension_numbers = #tpu.dot_dimension_numbers<[1], [0], [0], [1], [0, 0, 1, 1], [], []>, transpose_lhs_hint = false} : vector<512x392xbf16>, vector<392x72xbf16>, vector<512x72xf32> -> vector<512x72xf32>
    %iota3A_197 = tpu.iota {dimensions = array<i32: 1>} : vector<512x392xi32>
    %get3A_198 = arith.constant 11 : index
    %get3A_199 = arith.constant 0 : index
    %get3A_200 = arith.constant 0 : index
    %get3A_201 = arith.constant 0 : index
    %get3A_202 = vector.load %arg2[%get3A_198, %get3A_199, %get3A_200, %get3A_201] : memref<15x1x1x512xi16, #tpu.memory_space<vmem>>, vector<1x1x1x512xi16>
    %get3A_203 = vector.shape_cast %get3A_202 : vector<1x1x1x512xi16> to vector<512xi16>
    %convert_element_type3A_204 = arith.extsi %get3A_203 : vector<512xi16> to vector<512xi32>
    %broadcast_in_dim3A_205 = vector.shape_cast %convert_element_type3A_204 : vector<512xi32> to vector<512x1xi32>
    %eq3A_206 = vector.broadcast %broadcast_in_dim3A_205 : vector<512x1xi32> to vector<512x392xi32>
    %eq3A_207 = arith.cmpi eq, %iota3A_197, %eq3A_206 : vector<512x392xi32>
    %convert_element_type3A_208 = arith.extui %eq3A_207 : vector<512x392xi1> to vector<512x392xi32>
    %convert_element_type3A_209 = arith.sitofp %convert_element_type3A_208 : vector<512x392xi32> to vector<512x392xf32>
    %convert_element_type3A_210 = arith.truncf %convert_element_type3A_209 : vector<512x392xf32> to vector<512x392xbf16>
    %get3A_211 = arith.constant 0 : index
    %get3A_212 = arith.constant 0 : index
    %get3A_213 = vector.load %arg8[%get3A_211, %get3A_212] : memref<392x72xbf16, #tpu.memory_space<vmem>>, vector<392x72xbf16>
    %dot_general3A_214 = arith.constant dense<0.000000e+00> : vector<512x72xf32>
    %dot_general3A_215 = tpu.matmul %convert_element_type3A_210, %get3A_213, %dot_general3A_214 {dimension_numbers = #tpu.dot_dimension_numbers<[1], [0], [0], [1], [0, 0, 1, 1], [], []>, transpose_lhs_hint = false} : vector<512x392xbf16>, vector<392x72xbf16>, vector<512x72xf32> -> vector<512x72xf32>
    %iota3A_216 = tpu.iota {dimensions = array<i32: 1>} : vector<512x392xi32>
    %get3A_217 = arith.constant 12 : index
    %get3A_218 = arith.constant 0 : index
    %get3A_219 = arith.constant 0 : index
    %get3A_220 = arith.constant 0 : index
    %get3A_221 = vector.load %arg2[%get3A_217, %get3A_218, %get3A_219, %get3A_220] : memref<15x1x1x512xi16, #tpu.memory_space<vmem>>, vector<1x1x1x512xi16>
    %get3A_222 = vector.shape_cast %get3A_221 : vector<1x1x1x512xi16> to vector<512xi16>
    %convert_element_type3A_223 = arith.extsi %get3A_222 : vector<512xi16> to vector<512xi32>
    %broadcast_in_dim3A_224 = vector.shape_cast %convert_element_type3A_223 : vector<512xi32> to vector<512x1xi32>
    %eq3A_225 = vector.broadcast %broadcast_in_dim3A_224 : vector<512x1xi32> to vector<512x392xi32>
    %eq3A_226 = arith.cmpi eq, %iota3A_216, %eq3A_225 : vector<512x392xi32>
    %convert_element_type3A_227 = arith.extui %eq3A_226 : vector<512x392xi1> to vector<512x392xi32>
    %convert_element_type3A_228 = arith.sitofp %convert_element_type3A_227 : vector<512x392xi32> to vector<512x392xf32>
    %convert_element_type3A_229 = arith.truncf %convert_element_type3A_228 : vector<512x392xf32> to vector<512x392xbf16>
    %get3A_230 = arith.constant 0 : index
    %get3A_231 = arith.constant 0 : index
    %get3A_232 = vector.load %arg8[%get3A_230, %get3A_231] : memref<392x72xbf16, #tpu.memory_space<vmem>>, vector<392x72xbf16>
    %dot_general3A_233 = arith.constant dense<0.000000e+00> : vector<512x72xf32>
    %dot_general3A_234 = tpu.matmul %convert_element_type3A_229, %get3A_232, %dot_general3A_233 {dimension_numbers = #tpu.dot_dimension_numbers<[1], [0], [0], [1], [0, 0, 1, 1], [], []>, transpose_lhs_hint = false} : vector<512x392xbf16>, vector<392x72xbf16>, vector<512x72xf32> -> vector<512x72xf32>
    %iota3A_235 = tpu.iota {dimensions = array<i32: 1>} : vector<512x392xi32>
    %get3A_236 = arith.constant 13 : index
    %get3A_237 = arith.constant 0 : index
    %get3A_238 = arith.constant 0 : index
    %get3A_239 = arith.constant 0 : index
    %get3A_240 = vector.load %arg2[%get3A_236, %get3A_237, %get3A_238, %get3A_239] : memref<15x1x1x512xi16, #tpu.memory_space<vmem>>, vector<1x1x1x512xi16>
    %get3A_241 = vector.shape_cast %get3A_240 : vector<1x1x1x512xi16> to vector<512xi16>
    %convert_element_type3A_242 = arith.extsi %get3A_241 : vector<512xi16> to vector<512xi32>
    %broadcast_in_dim3A_243 = vector.shape_cast %convert_element_type3A_242 : vector<512xi32> to vector<512x1xi32>
    %eq3A_244 = vector.broadcast %broadcast_in_dim3A_243 : vector<512x1xi32> to vector<512x392xi32>
    %eq3A_245 = arith.cmpi eq, %iota3A_235, %eq3A_244 : vector<512x392xi32>
    %convert_element_type3A_246 = arith.extui %eq3A_245 : vector<512x392xi1> to vector<512x392xi32>
    %convert_element_type3A_247 = arith.sitofp %convert_element_type3A_246 : vector<512x392xi32> to vector<512x392xf32>
    %convert_element_type3A_248 = arith.truncf %convert_element_type3A_247 : vector<512x392xf32> to vector<512x392xbf16>
    %get3A_249 = arith.constant 0 : index
    %get3A_250 = arith.constant 0 : index
    %get3A_251 = vector.load %arg8[%get3A_249, %get3A_250] : memref<392x72xbf16, #tpu.memory_space<vmem>>, vector<392x72xbf16>
    %dot_general3A_252 = arith.constant dense<0.000000e+00> : vector<512x72xf32>
    %dot_general3A_253 = tpu.matmul %convert_element_type3A_248, %get3A_251, %dot_general3A_252 {dimension_numbers = #tpu.dot_dimension_numbers<[1], [0], [0], [1], [0, 0, 1, 1], [], []>, transpose_lhs_hint = false} : vector<512x392xbf16>, vector<392x72xbf16>, vector<512x72xf32> -> vector<512x72xf32>
    %iota3A_254 = tpu.iota {dimensions = array<i32: 1>} : vector<512x392xi32>
    %get3A_255 = arith.constant 14 : index
    %get3A_256 = arith.constant 0 : index
    %get3A_257 = arith.constant 0 : index
    %get3A_258 = arith.constant 0 : index
    %get3A_259 = vector.load %arg2[%get3A_255, %get3A_256, %get3A_257, %get3A_258] : memref<15x1x1x512xi16, #tpu.memory_space<vmem>>, vector<1x1x1x512xi16>
    %get3A_260 = vector.shape_cast %get3A_259 : vector<1x1x1x512xi16> to vector<512xi16>
    %convert_element_type3A_261 = arith.extsi %get3A_260 : vector<512xi16> to vector<512xi32>
    %broadcast_in_dim3A_262 = vector.shape_cast %convert_element_type3A_261 : vector<512xi32> to vector<512x1xi32>
    %eq3A_263 = vector.broadcast %broadcast_in_dim3A_262 : vector<512x1xi32> to vector<512x392xi32>
    %eq3A_264 = arith.cmpi eq, %iota3A_254, %eq3A_263 : vector<512x392xi32>
    %convert_element_type3A_265 = arith.extui %eq3A_264 : vector<512x392xi1> to vector<512x392xi32>
    %convert_element_type3A_266 = arith.sitofp %convert_element_type3A_265 : vector<512x392xi32> to vector<512x392xf32>
    %convert_element_type3A_267 = arith.truncf %convert_element_type3A_266 : vector<512x392xf32> to vector<512x392xbf16>
    %get3A_268 = arith.constant 0 : index
    %get3A_269 = arith.constant 0 : index
    %get3A_270 = vector.load %arg8[%get3A_268, %get3A_269] : memref<392x72xbf16, #tpu.memory_space<vmem>>, vector<392x72xbf16>
    %dot_general3A_271 = arith.constant dense<0.000000e+00> : vector<512x72xf32>
    %dot_general3A_272 = tpu.matmul %convert_element_type3A_267, %get3A_270, %dot_general3A_271 {dimension_numbers = #tpu.dot_dimension_numbers<[1], [0], [0], [1], [0, 0, 1, 1], [], []>, transpose_lhs_hint = false} : vector<512x392xbf16>, vector<392x72xbf16>, vector<512x72xf32> -> vector<512x72xf32>
    %concatenate3A_273 = tpu.concatenate %dot_general3A_101, %dot_general3A_139, %dot_general3A_158, %dot_general3A_177, %dot_general3A_196, %dot_general3A_120, %dot_general3A_215, %dot_general3A_234, %dot_general3A_253, %dot_general3A_272 in 1 : vector<512x96xf32>, vector<512x72xf32>, vector<512x72xf32>, vector<512x72xf32>, vector<512x72xf32>, vector<512x96xf32>, vector<512x72xf32>, vector<512x72xf32>, vector<512x72xf32>, vector<512x72xf32> -> vector<512x768xf32>
    %get3A_274 = arith.constant 0 : index
    %get3A_275 = arith.constant 0 : index
    %get3A_276 = vector.load %arg1[%get3A_274, %get3A_275] : memref<512x768xf32, #tpu.memory_space<vmem>>, vector<512x768xf32>
    %add3A_277 = arith.addf %get3A_276, %dot_general3A_82 : vector<512x768xf32>
    %add3A_278 = arith.addf %add3A_277, %concatenate3A_273 : vector<512x768xf32>
    %reduce_sum3A = arith.constant dense<0.000000e+00> : vector<512xf32>
    %reduce_sum3A_279 = vector.multi_reduction <add>, %add3A_278, %reduce_sum3A [1] : vector<512x768xf32> to vector<512xf32>
    %broadcast_in_dim3A_280 = vector.shape_cast %reduce_sum3A_279 : vector<512xf32> to vector<512x1xf32>
    %div3A = arith.constant 7.680000e+02 : f32
    %div3A_281 = vector.broadcast %div3A : f32 to vector<512x1xf32>
    %div3A_282 = arith.divf %broadcast_in_dim3A_280, %div3A_281 : vector<512x1xf32>
    %sub3A = vector.broadcast %div3A_282 : vector<512x1xf32> to vector<512x768xf32>
    %sub3A_283 = arith.subf %add3A_278, %sub3A : vector<512x768xf32>
    %mul3A = arith.mulf %sub3A_283, %sub3A_283 : vector<512x768xf32>
    %reduce_sum3A_284 = arith.constant dense<0.000000e+00> : vector<512xf32>
    %reduce_sum3A_285 = vector.multi_reduction <add>, %mul3A, %reduce_sum3A_284 [1] : vector<512x768xf32> to vector<512xf32>
    %broadcast_in_dim3A_286 = vector.shape_cast %reduce_sum3A_285 : vector<512xf32> to vector<512x1xf32>
    %div3A_287 = arith.constant 7.680000e+02 : f32
    %div3A_288 = vector.broadcast %div3A_287 : f32 to vector<512x1xf32>
    %div3A_289 = arith.divf %broadcast_in_dim3A_286, %div3A_288 : vector<512x1xf32>
    %add3A_290 = arith.constant 9.99999996E-13 : f32
    %add3A_291 = vector.broadcast %add3A_290 : f32 to vector<512x1xf32>
    %add3A_292 = arith.addf %div3A_289, %add3A_291 : vector<512x1xf32>
    %rsqrt3A = math.rsqrt %add3A_292 : vector<512x1xf32>
    %mul3A_293 = vector.broadcast %rsqrt3A : vector<512x1xf32> to vector<512x768xf32>
    %mul3A_294 = arith.mulf %sub3A_283, %mul3A_293 : vector<512x768xf32>
    %get3A_295 = arith.constant 0 : index
    %get3A_296 = arith.constant 0 : index
    %get3A_297 = vector.load %arg9[%get3A_295, %get3A_296] : memref<1x768xf32, #tpu.memory_space<vmem>>, vector<1x768xf32>
    %mul3A_298 = vector.broadcast %get3A_297 : vector<1x768xf32> to vector<512x768xf32>
    %mul3A_299 = arith.mulf %mul3A_294, %mul3A_298 : vector<512x768xf32>
    %get3A_300 = arith.constant 0 : index
    %get3A_301 = arith.constant 0 : index
    %get3A_302 = vector.load %arg10[%get3A_300, %get3A_301] : memref<1x768xf32, #tpu.memory_space<vmem>>, vector<1x768xf32>
    %add3A_303 = vector.broadcast %get3A_302 : vector<1x768xf32> to vector<512x768xf32>
    %add3A_304 = arith.addf %mul3A_299, %add3A_303 : vector<512x768xf32>
    %swap3A = arith.constant 0 : index
    %swap3A_305 = arith.constant 0 : index
    %swap3A_306 = vector.load %arg11[%swap3A, %swap3A_305] : memref<512x768xf32, #tpu.memory_space<vmem>>, vector<512x768xf32>
    tpu.vector_store %arg11[%swap3A, %swap3A_305], %add3A_304 {strides = array<i32>} : memref<512x768xf32, #tpu.memory_space<vmem>>, vector<512x768xf32>,
    return
  }
  func.func @transform_0(%arg0: i32) -> (i32, i32) {
    %c0_i32 = arith.constant 0 : i32
    %c0_i32_0 = arith.constant 0 : i32
    return %arg0, %c0_i32 : i32, i32
  }
  func.func @transform_1(%arg0: i32) -> (i32, i32, i32, i32) {
    %add3A = arith.constant 0 : i32
    %add3A_0 = arith.addi %arg0, %add3A : i32
    %c0_i32 = arith.constant 0 : i32
    %c0_i32_1 = arith.constant 0 : i32
    %c0_i32_2 = arith.constant 0 : i32
    %c0_i32_3 = arith.constant 0 : i32
    return %c0_i32, %add3A_0, %c0_i32_1, %c0_i32_2 : i32, i32, i32, i32
  }
  func.func @transform_2(%arg0: i32) -> (i32, i32) {
    %add3A = arith.constant 0 : i32
    %add3A_0 = arith.addi %arg0, %add3A : i32
    %c0_i32 = arith.constant 0 : i32
    %c0_i32_1 = arith.constant 0 : i32
    return %add3A_0, %c0_i32 : i32, i32
  }
  func.func @transform_3(%arg0: i32) -> (i32, i32) {
    %c0_i32 = arith.constant 0 : i32
    %c0_i32_0 = arith.constant 0 : i32
    %c0_i32_1 = arith.constant 0 : i32
    return %c0_i32, %c0_i32_0 : i32, i32
  }
  func.func @transform_4(%arg0: i32) -> (i32, i32) {
    %c0_i32 = arith.constant 0 : i32
    %c0_i32_0 = arith.constant 0 : i32
    %c0_i32_1 = arith.constant 0 : i32
    return %c0_i32, %c0_i32_0 : i32, i32
  }
  func.func @transform_5(%arg0: i32) -> (i32, i32) {
    %c0_i32 = arith.constant 0 : i32
    %c0_i32_0 = arith.constant 0 : i32
    %c0_i32_1 = arith.constant 0 : i32
    return %c0_i32, %c0_i32_0 : i32, i32
  }
  func.func @transform_6(%arg0: i32) -> (i32, i32) {
    %c0_i32 = arith.constant 0 : i32
    %c0_i32_0 = arith.constant 0 : i32
    %c0_i32_1 = arith.constant 0 : i32
    return %c0_i32, %c0_i32_0 : i32, i32
  }
  func.func @transform_7(%arg0: i32) -> (i32, i32) {
    %c0_i32 = arith.constant 0 : i32
    %c0_i32_0 = arith.constant 0 : i32
    %c0_i32_1 = arith.constant 0 : i32
    return %c0_i32, %c0_i32_0 : i32, i32
  }
  func.func @transform_8(%arg0: i32) -> (i32, i32) {
    %c0_i32 = arith.constant 0 : i32
    %c0_i32_0 = arith.constant 0 : i32
    %c0_i32_1 = arith.constant 0 : i32
    return %c0_i32, %c0_i32_0 : i32, i32
  }
  func.func @transform_9(%arg0: i32) -> (i32, i32) {
    %c0_i32 = arith.constant 0 : i32
    %c0_i32_0 = arith.constant 0 : i32
    %c0_i32_1 = arith.constant 0 : i32
    return %c0_i32, %c0_i32_0 : i32, i32
  }
  func.func @transform_10(%arg0: i32) -> (i32, i32) {
    %add3A = arith.constant 0 : i32
    %add3A_0 = arith.addi %arg0, %add3A : i32
    %c0_i32 = arith.constant 0 : i32
    %c0_i32_1 = arith.constant 0 : i32
    return %add3A_0, %c0_i32 : i32, i32
  }
}

module attributes {stable_mosaic.version = 14 : i64} {
  func.func @_tc_body_alias(%arg0: i32, %arg1: memref<25600x768xf32, #tpu.memory_space<any>>, %arg2: memref<512x768xf32, #tpu.memory_space<vmem>>, %arg3: memref<15x1x1x512xi16, #tpu.memory_space<vmem>>, %arg4: memref<512x11xf32, #tpu.memory_space<vmem>>, %arg5: memref<139x768xbf16, #tpu.memory_space<vmem>>, %arg6: memref<264x96xbf16, #tpu.memory_space<vmem>>, %arg7: memref<264x96xbf16, #tpu.memory_space<vmem>>, %arg8: memref<392x72xbf16, #tpu.memory_space<vmem>>, %arg9: memref<392x72xbf16, #tpu.memory_space<vmem>>, %arg10: memref<1x768xf32, #tpu.memory_space<vmem>>, %arg11: memref<1x768xf32, #tpu.memory_space<vmem>>, %arg12: memref<512x768xf32, #tpu.memory_space<vmem>>) attributes {dimension_semantics = [#tpu.dimension_semantics<arbitrary>], iteration_bounds = array<i64: 16>, scalar_prefetch = 0 : i64, scratch_operands = 0 : i64, tpu.core_type = #tpu.core_type<tc>, window_params = [{}, {transform_indices = @transform_1, window_bounds = array<i64: 512, 768>}, {transform_indices = @transform_2, window_bounds = array<i64: 15, 1, 1, 512>}, {transform_indices = @transform_3, window_bounds = array<i64: 512, 11>}, {pipeline_mode = #tpu.pipeline_mode<synchronous>, transform_indices = @transform_4, window_bounds = array<i64: 139, 768>}, {pipeline_mode = #tpu.pipeline_mode<synchronous>, transform_indices = @transform_5, window_bounds = array<i64: 264, 96>}, {pipeline_mode = #tpu.pipeline_mode<synchronous>, transform_indices = @transform_6, window_bounds = array<i64: 264, 96>}, {pipeline_mode = #tpu.pipeline_mode<synchronous>, transform_indices = @transform_7, window_bounds = array<i64: 392, 72>}, {pipeline_mode = #tpu.pipeline_mode<synchronous>, transform_indices = @transform_8, window_bounds = array<i64: 392, 72>}, {pipeline_mode = #tpu.pipeline_mode<synchronous>, transform_indices = @transform_9, window_bounds = array<i64: 1, 768>}, {pipeline_mode = #tpu.pipeline_mode<synchronous>, transform_indices = @transform_10, window_bounds = array<i64: 1, 768>}, {transform_indices = @transform_11, window_bounds = array<i64: 512, 768>}]} {
    %iota3A = tpu.iota {dimensions = array<i32: 1>} : vector<512x128xi32>
    %lt3A = arith.constant 16 : i32
    %lt3A_0 = vector.broadcast %lt3A : i32 to vector<512x128xi32>
    %lt3A_1 = arith.cmpi slt, %iota3A, %lt3A_0 : vector<512x128xi32>
    %get3A = arith.constant 0 : index
    %get3A_2 = arith.constant 0 : index
    %get3A_3 = arith.constant 0 : index
    %get3A_4 = arith.constant 0 : index
    %get3A_5 = vector.load %arg3[%get3A, %get3A_2, %get3A_3, %get3A_4] : memref<15x1x1x512xi16, #tpu.memory_space<vmem>>, vector<1x1x1x512xi16>
    %get3A_6 = vector.shape_cast %get3A_5 : vector<1x1x1x512xi16> to vector<512xi16>
    %convert_element_type3A = arith.extsi %get3A_6 : vector<512xi16> to vector<512xi32>
    %broadcast_in_dim3A = vector.shape_cast %convert_element_type3A : vector<512xi32> to vector<512x1xi32>
    %lt3A_7 = arith.constant 32 : i32
    %lt3A_8 = vector.broadcast %lt3A_7 : i32 to vector<512x128xi32>
    %lt3A_9 = arith.cmpi slt, %iota3A, %lt3A_8 : vector<512x128xi32>
    %get3A_10 = arith.constant 1 : index
    %get3A_11 = arith.constant 0 : index
    %get3A_12 = arith.constant 0 : index
    %get3A_13 = arith.constant 0 : index
    %get3A_14 = vector.load %arg3[%get3A_10, %get3A_11, %get3A_12, %get3A_13] : memref<15x1x1x512xi16, #tpu.memory_space<vmem>>, vector<1x1x1x512xi16>
    %get3A_15 = vector.shape_cast %get3A_14 : vector<1x1x1x512xi16> to vector<512xi16>
    %convert_element_type3A_16 = arith.extsi %get3A_15 : vector<512xi16> to vector<512xi32>
    %broadcast_in_dim3A_17 = vector.shape_cast %convert_element_type3A_16 : vector<512xi32> to vector<512x1xi32>
    %add3A = arith.constant 16 : i32
    %add3A_18 = vector.broadcast %add3A : i32 to vector<512x1xi32>
    %add3A_19 = arith.addi %broadcast_in_dim3A_17, %add3A_18 : vector<512x1xi32>
    %lt3A_20 = arith.constant 48 : i32
    %lt3A_21 = vector.broadcast %lt3A_20 : i32 to vector<512x128xi32>
    %lt3A_22 = arith.cmpi slt, %iota3A, %lt3A_21 : vector<512x128xi32>
    %get3A_23 = arith.constant 2 : index
    %get3A_24 = arith.constant 0 : index
    %get3A_25 = arith.constant 0 : index
    %get3A_26 = arith.constant 0 : index
    %get3A_27 = vector.load %arg3[%get3A_23, %get3A_24, %get3A_25, %get3A_26] : memref<15x1x1x512xi16, #tpu.memory_space<vmem>>, vector<1x1x1x512xi16>
    %get3A_28 = vector.shape_cast %get3A_27 : vector<1x1x1x512xi16> to vector<512xi16>
    %convert_element_type3A_29 = arith.extsi %get3A_28 : vector<512xi16> to vector<512xi32>
    %broadcast_in_dim3A_30 = vector.shape_cast %convert_element_type3A_29 : vector<512xi32> to vector<512x1xi32>
    %add3A_31 = arith.constant 32 : i32
    %add3A_32 = vector.broadcast %add3A_31 : i32 to vector<512x1xi32>
    %add3A_33 = arith.addi %broadcast_in_dim3A_30, %add3A_32 : vector<512x1xi32>
    %lt3A_34 = arith.constant 64 : i32
    %lt3A_35 = vector.broadcast %lt3A_34 : i32 to vector<512x128xi32>
    %lt3A_36 = arith.cmpi slt, %iota3A, %lt3A_35 : vector<512x128xi32>
    %get3A_37 = arith.constant 3 : index
    %get3A_38 = arith.constant 0 : index
    %get3A_39 = arith.constant 0 : index
    %get3A_40 = arith.constant 0 : index
    %get3A_41 = vector.load %arg3[%get3A_37, %get3A_38, %get3A_39, %get3A_40] : memref<15x1x1x512xi16, #tpu.memory_space<vmem>>, vector<1x1x1x512xi16>
    %get3A_42 = vector.shape_cast %get3A_41 : vector<1x1x1x512xi16> to vector<512xi16>
    %convert_element_type3A_43 = arith.extsi %get3A_42 : vector<512xi16> to vector<512xi32>
    %broadcast_in_dim3A_44 = vector.shape_cast %convert_element_type3A_43 : vector<512xi32> to vector<512x1xi32>
    %add3A_45 = arith.constant 48 : i32
    %add3A_46 = vector.broadcast %add3A_45 : i32 to vector<512x1xi32>
    %add3A_47 = arith.addi %broadcast_in_dim3A_44, %add3A_46 : vector<512x1xi32>
    %get3A_48 = arith.constant 4 : index
    %get3A_49 = arith.constant 0 : index
    %get3A_50 = arith.constant 0 : index
    %get3A_51 = arith.constant 0 : index
    %get3A_52 = vector.load %arg3[%get3A_48, %get3A_49, %get3A_50, %get3A_51] : memref<15x1x1x512xi16, #tpu.memory_space<vmem>>, vector<1x1x1x512xi16>
    %get3A_53 = vector.shape_cast %get3A_52 : vector<1x1x1x512xi16> to vector<512xi16>
    %convert_element_type3A_54 = arith.extsi %get3A_53 : vector<512xi16> to vector<512xi32>
    %broadcast_in_dim3A_55 = vector.shape_cast %convert_element_type3A_54 : vector<512xi32> to vector<512x1xi32>
    %add3A_56 = arith.constant 64 : i32
    %add3A_57 = vector.broadcast %add3A_56 : i32 to vector<512x1xi32>
    %add3A_58 = arith.addi %broadcast_in_dim3A_55, %add3A_57 : vector<512x1xi32>
    %broadcast_in_dim3A_59 = vector.shape_cast %add3A_47 : vector<512x1xi32> to vector<512x1xi32>
    %broadcast_in_dim3A_60 = vector.broadcast %broadcast_in_dim3A_59 : vector<512x1xi32> to vector<512x128xi32>
    %broadcast_in_dim3A_61 = vector.shape_cast %add3A_58 : vector<512x1xi32> to vector<512x1xi32>
    %broadcast_in_dim3A_62 = vector.broadcast %broadcast_in_dim3A_61 : vector<512x1xi32> to vector<512x128xi32>
    %select_n3A = arith.select %lt3A_36, %broadcast_in_dim3A_60, %broadcast_in_dim3A_62 : vector<512x128xi1>, vector<512x128xi32>
    %broadcast_in_dim3A_63 = vector.shape_cast %add3A_33 : vector<512x1xi32> to vector<512x1xi32>
    %broadcast_in_dim3A_64 = vector.broadcast %broadcast_in_dim3A_63 : vector<512x1xi32> to vector<512x128xi32>
    %select_n3A_65 = arith.select %lt3A_22, %broadcast_in_dim3A_64, %select_n3A : vector<512x128xi1>, vector<512x128xi32>
    %broadcast_in_dim3A_66 = vector.shape_cast %add3A_19 : vector<512x1xi32> to vector<512x1xi32>
    %broadcast_in_dim3A_67 = vector.broadcast %broadcast_in_dim3A_66 : vector<512x1xi32> to vector<512x128xi32>
    %select_n3A_68 = arith.select %lt3A_9, %broadcast_in_dim3A_67, %select_n3A_65 : vector<512x128xi1>, vector<512x128xi32>
    %broadcast_in_dim3A_69 = vector.shape_cast %broadcast_in_dim3A : vector<512x1xi32> to vector<512x1xi32>
    %broadcast_in_dim3A_70 = vector.broadcast %broadcast_in_dim3A_69 : vector<512x1xi32> to vector<512x128xi32>
    %select_n3A_71 = arith.select %lt3A_1, %broadcast_in_dim3A_70, %select_n3A_68 : vector<512x128xi1>, vector<512x128xi32>
    %eq3A = arith.cmpi eq, %iota3A, %select_n3A_71 : vector<512x128xi32>
    %convert_element_type3A_72 = arith.extui %eq3A : vector<512x128xi1> to vector<512x128xi32>
    %convert_element_type3A_73 = arith.sitofp %convert_element_type3A_72 : vector<512x128xi32> to vector<512x128xf32>
    %convert_element_type3A_74 = arith.truncf %convert_element_type3A_73 : vector<512x128xf32> to vector<512x128xbf16>
    %get3A_75 = arith.constant 0 : index
    %get3A_76 = arith.constant 0 : index
    %get3A_77 = vector.load %arg4[%get3A_75, %get3A_76] : memref<512x11xf32, #tpu.memory_space<vmem>>, vector<512x11xf32>
    %convert_element_type3A_78 = arith.truncf %get3A_77 : vector<512x11xf32> to vector<512x11xbf16>
    %concatenate3A = tpu.concatenate %convert_element_type3A_74, %convert_element_type3A_78 in 1 : vector<512x128xbf16>, vector<512x11xbf16> -> vector<512x139xbf16>
    %get3A_79 = arith.constant 0 : index
    %get3A_80 = arith.constant 0 : index
    %get3A_81 = vector.load %arg5[%get3A_79, %get3A_80] : memref<139x768xbf16, #tpu.memory_space<vmem>>, vector<139x768xbf16>
    %dot_general3A = arith.constant dense<0.000000e+00> : vector<512x768xf32>
    %dot_general3A_82 = tpu.matmul %concatenate3A, %get3A_81, %dot_general3A {dimension_numbers = #tpu.dot_dimension_numbers<[1], [0], [0], [1], [0, 0, 1, 1], [], []>, transpose_lhs_hint = false} : vector<512x139xbf16>, vector<139x768xbf16>, vector<512x768xf32> -> vector<512x768xf32>
    %iota3A_83 = tpu.iota {dimensions = array<i32: 1>} : vector<512x264xi32>
    %get3A_84 = arith.constant 5 : index
    %get3A_85 = arith.constant 0 : index
    %get3A_86 = arith.constant 0 : index
    %get3A_87 = arith.constant 0 : index
    %get3A_88 = vector.load %arg3[%get3A_84, %get3A_85, %get3A_86, %get3A_87] : memref<15x1x1x512xi16, #tpu.memory_space<vmem>>, vector<1x1x1x512xi16>
    %get3A_89 = vector.shape_cast %get3A_88 : vector<1x1x1x512xi16> to vector<512xi16>
    %convert_element_type3A_90 = arith.extsi %get3A_89 : vector<512xi16> to vector<512xi32>
    %broadcast_in_dim3A_91 = vector.shape_cast %convert_element_type3A_90 : vector<512xi32> to vector<512x1xi32>
    %eq3A_92 = vector.broadcast %broadcast_in_dim3A_91 : vector<512x1xi32> to vector<512x264xi32>
    %eq3A_93 = arith.cmpi eq, %iota3A_83, %eq3A_92 : vector<512x264xi32>
    %convert_element_type3A_94 = arith.extui %eq3A_93 : vector<512x264xi1> to vector<512x264xi32>
    %convert_element_type3A_95 = arith.sitofp %convert_element_type3A_94 : vector<512x264xi32> to vector<512x264xf32>
    %convert_element_type3A_96 = arith.truncf %convert_element_type3A_95 : vector<512x264xf32> to vector<512x264xbf16>
    %get3A_97 = arith.constant 0 : index
    %get3A_98 = arith.constant 0 : index
    %get3A_99 = vector.load %arg6[%get3A_97, %get3A_98] : memref<264x96xbf16, #tpu.memory_space<vmem>>, vector<264x96xbf16>
    %dot_general3A_100 = arith.constant dense<0.000000e+00> : vector<512x96xf32>
    %dot_general3A_101 = tpu.matmul %convert_element_type3A_96, %get3A_99, %dot_general3A_100 {dimension_numbers = #tpu.dot_dimension_numbers<[1], [0], [0], [1], [0, 0, 1, 1], [], []>, transpose_lhs_hint = false} : vector<512x264xbf16>, vector<264x96xbf16>, vector<512x96xf32> -> vector<512x96xf32>
    %iota3A_102 = tpu.iota {dimensions = array<i32: 1>} : vector<512x264xi32>
    %get3A_103 = arith.constant 6 : index
    %get3A_104 = arith.constant 0 : index
    %get3A_105 = arith.constant 0 : index
    %get3A_106 = arith.constant 0 : index
    %get3A_107 = vector.load %arg3[%get3A_103, %get3A_104, %get3A_105, %get3A_106] : memref<15x1x1x512xi16, #tpu.memory_space<vmem>>, vector<1x1x1x512xi16>
    %get3A_108 = vector.shape_cast %get3A_107 : vector<1x1x1x512xi16> to vector<512xi16>
    %convert_element_type3A_109 = arith.extsi %get3A_108 : vector<512xi16> to vector<512xi32>
    %broadcast_in_dim3A_110 = vector.shape_cast %convert_element_type3A_109 : vector<512xi32> to vector<512x1xi32>
    %eq3A_111 = vector.broadcast %broadcast_in_dim3A_110 : vector<512x1xi32> to vector<512x264xi32>
    %eq3A_112 = arith.cmpi eq, %iota3A_102, %eq3A_111 : vector<512x264xi32>
    %convert_element_type3A_113 = arith.extui %eq3A_112 : vector<512x264xi1> to vector<512x264xi32>
    %convert_element_type3A_114 = arith.sitofp %convert_element_type3A_113 : vector<512x264xi32> to vector<512x264xf32>
    %convert_element_type3A_115 = arith.truncf %convert_element_type3A_114 : vector<512x264xf32> to vector<512x264xbf16>
    %get3A_116 = arith.constant 0 : index
    %get3A_117 = arith.constant 0 : index
    %get3A_118 = vector.load %arg7[%get3A_116, %get3A_117] : memref<264x96xbf16, #tpu.memory_space<vmem>>, vector<264x96xbf16>
    %dot_general3A_119 = arith.constant dense<0.000000e+00> : vector<512x96xf32>
    %dot_general3A_120 = tpu.matmul %convert_element_type3A_115, %get3A_118, %dot_general3A_119 {dimension_numbers = #tpu.dot_dimension_numbers<[1], [0], [0], [1], [0, 0, 1, 1], [], []>, transpose_lhs_hint = false} : vector<512x264xbf16>, vector<264x96xbf16>, vector<512x96xf32> -> vector<512x96xf32>
    %iota3A_121 = tpu.iota {dimensions = array<i32: 1>} : vector<512x392xi32>
    %get3A_122 = arith.constant 7 : index
    %get3A_123 = arith.constant 0 : index
    %get3A_124 = arith.constant 0 : index
    %get3A_125 = arith.constant 0 : index
    %get3A_126 = vector.load %arg3[%get3A_122, %get3A_123, %get3A_124, %get3A_125] : memref<15x1x1x512xi16, #tpu.memory_space<vmem>>, vector<1x1x1x512xi16>
    %get3A_127 = vector.shape_cast %get3A_126 : vector<1x1x1x512xi16> to vector<512xi16>
    %convert_element_type3A_128 = arith.extsi %get3A_127 : vector<512xi16> to vector<512xi32>
    %broadcast_in_dim3A_129 = vector.shape_cast %convert_element_type3A_128 : vector<512xi32> to vector<512x1xi32>
    %eq3A_130 = vector.broadcast %broadcast_in_dim3A_129 : vector<512x1xi32> to vector<512x392xi32>
    %eq3A_131 = arith.cmpi eq, %iota3A_121, %eq3A_130 : vector<512x392xi32>
    %convert_element_type3A_132 = arith.extui %eq3A_131 : vector<512x392xi1> to vector<512x392xi32>
    %convert_element_type3A_133 = arith.sitofp %convert_element_type3A_132 : vector<512x392xi32> to vector<512x392xf32>
    %convert_element_type3A_134 = arith.truncf %convert_element_type3A_133 : vector<512x392xf32> to vector<512x392xbf16>
    %get3A_135 = arith.constant 0 : index
    %get3A_136 = arith.constant 0 : index
    %get3A_137 = vector.load %arg8[%get3A_135, %get3A_136] : memref<392x72xbf16, #tpu.memory_space<vmem>>, vector<392x72xbf16>
    %dot_general3A_138 = arith.constant dense<0.000000e+00> : vector<512x72xf32>
    %dot_general3A_139 = tpu.matmul %convert_element_type3A_134, %get3A_137, %dot_general3A_138 {dimension_numbers = #tpu.dot_dimension_numbers<[1], [0], [0], [1], [0, 0, 1, 1], [], []>, transpose_lhs_hint = false} : vector<512x392xbf16>, vector<392x72xbf16>, vector<512x72xf32> -> vector<512x72xf32>
    %iota3A_140 = tpu.iota {dimensions = array<i32: 1>} : vector<512x392xi32>
    %get3A_141 = arith.constant 8 : index
    %get3A_142 = arith.constant 0 : index
    %get3A_143 = arith.constant 0 : index
    %get3A_144 = arith.constant 0 : index
    %get3A_145 = vector.load %arg3[%get3A_141, %get3A_142, %get3A_143, %get3A_144] : memref<15x1x1x512xi16, #tpu.memory_space<vmem>>, vector<1x1x1x512xi16>
    %get3A_146 = vector.shape_cast %get3A_145 : vector<1x1x1x512xi16> to vector<512xi16>
    %convert_element_type3A_147 = arith.extsi %get3A_146 : vector<512xi16> to vector<512xi32>
    %broadcast_in_dim3A_148 = vector.shape_cast %convert_element_type3A_147 : vector<512xi32> to vector<512x1xi32>
    %eq3A_149 = vector.broadcast %broadcast_in_dim3A_148 : vector<512x1xi32> to vector<512x392xi32>
    %eq3A_150 = arith.cmpi eq, %iota3A_140, %eq3A_149 : vector<512x392xi32>
    %convert_element_type3A_151 = arith.extui %eq3A_150 : vector<512x392xi1> to vector<512x392xi32>
    %convert_element_type3A_152 = arith.sitofp %convert_element_type3A_151 : vector<512x392xi32> to vector<512x392xf32>
    %convert_element_type3A_153 = arith.truncf %convert_element_type3A_152 : vector<512x392xf32> to vector<512x392xbf16>
    %get3A_154 = arith.constant 0 : index
    %get3A_155 = arith.constant 0 : index
    %get3A_156 = vector.load %arg8[%get3A_154, %get3A_155] : memref<392x72xbf16, #tpu.memory_space<vmem>>, vector<392x72xbf16>
    %dot_general3A_157 = arith.constant dense<0.000000e+00> : vector<512x72xf32>
    %dot_general3A_158 = tpu.matmul %convert_element_type3A_153, %get3A_156, %dot_general3A_157 {dimension_numbers = #tpu.dot_dimension_numbers<[1], [0], [0], [1], [0, 0, 1, 1], [], []>, transpose_lhs_hint = false} : vector<512x392xbf16>, vector<392x72xbf16>, vector<512x72xf32> -> vector<512x72xf32>
    %iota3A_159 = tpu.iota {dimensions = array<i32: 1>} : vector<512x392xi32>
    %get3A_160 = arith.constant 9 : index
    %get3A_161 = arith.constant 0 : index
    %get3A_162 = arith.constant 0 : index
    %get3A_163 = arith.constant 0 : index
    %get3A_164 = vector.load %arg3[%get3A_160, %get3A_161, %get3A_162, %get3A_163] : memref<15x1x1x512xi16, #tpu.memory_space<vmem>>, vector<1x1x1x512xi16>
    %get3A_165 = vector.shape_cast %get3A_164 : vector<1x1x1x512xi16> to vector<512xi16>
    %convert_element_type3A_166 = arith.extsi %get3A_165 : vector<512xi16> to vector<512xi32>
    %broadcast_in_dim3A_167 = vector.shape_cast %convert_element_type3A_166 : vector<512xi32> to vector<512x1xi32>
    %eq3A_168 = vector.broadcast %broadcast_in_dim3A_167 : vector<512x1xi32> to vector<512x392xi32>
    %eq3A_169 = arith.cmpi eq, %iota3A_159, %eq3A_168 : vector<512x392xi32>
    %convert_element_type3A_170 = arith.extui %eq3A_169 : vector<512x392xi1> to vector<512x392xi32>
    %convert_element_type3A_171 = arith.sitofp %convert_element_type3A_170 : vector<512x392xi32> to vector<512x392xf32>
    %convert_element_type3A_172 = arith.truncf %convert_element_type3A_171 : vector<512x392xf32> to vector<512x392xbf16>
    %get3A_173 = arith.constant 0 : index
    %get3A_174 = arith.constant 0 : index
    %get3A_175 = vector.load %arg8[%get3A_173, %get3A_174] : memref<392x72xbf16, #tpu.memory_space<vmem>>, vector<392x72xbf16>
    %dot_general3A_176 = arith.constant dense<0.000000e+00> : vector<512x72xf32>
    %dot_general3A_177 = tpu.matmul %convert_element_type3A_172, %get3A_175, %dot_general3A_176 {dimension_numbers = #tpu.dot_dimension_numbers<[1], [0], [0], [1], [0, 0, 1, 1], [], []>, transpose_lhs_hint = false} : vector<512x392xbf16>, vector<392x72xbf16>, vector<512x72xf32> -> vector<512x72xf32>
    %iota3A_178 = tpu.iota {dimensions = array<i32: 1>} : vector<512x392xi32>
    %get3A_179 = arith.constant 10 : index
    %get3A_180 = arith.constant 0 : index
    %get3A_181 = arith.constant 0 : index
    %get3A_182 = arith.constant 0 : index
    %get3A_183 = vector.load %arg3[%get3A_179, %get3A_180, %get3A_181, %get3A_182] : memref<15x1x1x512xi16, #tpu.memory_space<vmem>>, vector<1x1x1x512xi16>
    %get3A_184 = vector.shape_cast %get3A_183 : vector<1x1x1x512xi16> to vector<512xi16>
    %convert_element_type3A_185 = arith.extsi %get3A_184 : vector<512xi16> to vector<512xi32>
    %broadcast_in_dim3A_186 = vector.shape_cast %convert_element_type3A_185 : vector<512xi32> to vector<512x1xi32>
    %eq3A_187 = vector.broadcast %broadcast_in_dim3A_186 : vector<512x1xi32> to vector<512x392xi32>
    %eq3A_188 = arith.cmpi eq, %iota3A_178, %eq3A_187 : vector<512x392xi32>
    %convert_element_type3A_189 = arith.extui %eq3A_188 : vector<512x392xi1> to vector<512x392xi32>
    %convert_element_type3A_190 = arith.sitofp %convert_element_type3A_189 : vector<512x392xi32> to vector<512x392xf32>
    %convert_element_type3A_191 = arith.truncf %convert_element_type3A_190 : vector<512x392xf32> to vector<512x392xbf16>
    %get3A_192 = arith.constant 0 : index
    %get3A_193 = arith.constant 0 : index
    %get3A_194 = vector.load %arg8[%get3A_192, %get3A_193] : memref<392x72xbf16, #tpu.memory_space<vmem>>, vector<392x72xbf16>
    %dot_general3A_195 = arith.constant dense<0.000000e+00> : vector<512x72xf32>
    %dot_general3A_196 = tpu.matmul %convert_element_type3A_191, %get3A_194, %dot_general3A_195 {dimension_numbers = #tpu.dot_dimension_numbers<[1], [0], [0], [1], [0, 0, 1, 1], [], []>, transpose_lhs_hint = false} : vector<512x392xbf16>, vector<392x72xbf16>, vector<512x72xf32> -> vector<512x72xf32>
    %iota3A_197 = tpu.iota {dimensions = array<i32: 1>} : vector<512x392xi32>
    %get3A_198 = arith.constant 11 : index
    %get3A_199 = arith.constant 0 : index
    %get3A_200 = arith.constant 0 : index
    %get3A_201 = arith.constant 0 : index
    %get3A_202 = vector.load %arg3[%get3A_198, %get3A_199, %get3A_200, %get3A_201] : memref<15x1x1x512xi16, #tpu.memory_space<vmem>>, vector<1x1x1x512xi16>
    %get3A_203 = vector.shape_cast %get3A_202 : vector<1x1x1x512xi16> to vector<512xi16>
    %convert_element_type3A_204 = arith.extsi %get3A_203 : vector<512xi16> to vector<512xi32>
    %broadcast_in_dim3A_205 = vector.shape_cast %convert_element_type3A_204 : vector<512xi32> to vector<512x1xi32>
    %eq3A_206 = vector.broadcast %broadcast_in_dim3A_205 : vector<512x1xi32> to vector<512x392xi32>
    %eq3A_207 = arith.cmpi eq, %iota3A_197, %eq3A_206 : vector<512x392xi32>
    %convert_element_type3A_208 = arith.extui %eq3A_207 : vector<512x392xi1> to vector<512x392xi32>
    %convert_element_type3A_209 = arith.sitofp %convert_element_type3A_208 : vector<512x392xi32> to vector<512x392xf32>
    %convert_element_type3A_210 = arith.truncf %convert_element_type3A_209 : vector<512x392xf32> to vector<512x392xbf16>
    %get3A_211 = arith.constant 0 : index
    %get3A_212 = arith.constant 0 : index
    %get3A_213 = vector.load %arg9[%get3A_211, %get3A_212] : memref<392x72xbf16, #tpu.memory_space<vmem>>, vector<392x72xbf16>
    %dot_general3A_214 = arith.constant dense<0.000000e+00> : vector<512x72xf32>
    %dot_general3A_215 = tpu.matmul %convert_element_type3A_210, %get3A_213, %dot_general3A_214 {dimension_numbers = #tpu.dot_dimension_numbers<[1], [0], [0], [1], [0, 0, 1, 1], [], []>, transpose_lhs_hint = false} : vector<512x392xbf16>, vector<392x72xbf16>, vector<512x72xf32> -> vector<512x72xf32>
    %iota3A_216 = tpu.iota {dimensions = array<i32: 1>} : vector<512x392xi32>
    %get3A_217 = arith.constant 12 : index
    %get3A_218 = arith.constant 0 : index
    %get3A_219 = arith.constant 0 : index
    %get3A_220 = arith.constant 0 : index
    %get3A_221 = vector.load %arg3[%get3A_217, %get3A_218, %get3A_219, %get3A_220] : memref<15x1x1x512xi16, #tpu.memory_space<vmem>>, vector<1x1x1x512xi16>
    %get3A_222 = vector.shape_cast %get3A_221 : vector<1x1x1x512xi16> to vector<512xi16>
    %convert_element_type3A_223 = arith.extsi %get3A_222 : vector<512xi16> to vector<512xi32>
    %broadcast_in_dim3A_224 = vector.shape_cast %convert_element_type3A_223 : vector<512xi32> to vector<512x1xi32>
    %eq3A_225 = vector.broadcast %broadcast_in_dim3A_224 : vector<512x1xi32> to vector<512x392xi32>
    %eq3A_226 = arith.cmpi eq, %iota3A_216, %eq3A_225 : vector<512x392xi32>
    %convert_element_type3A_227 = arith.extui %eq3A_226 : vector<512x392xi1> to vector<512x392xi32>
    %convert_element_type3A_228 = arith.sitofp %convert_element_type3A_227 : vector<512x392xi32> to vector<512x392xf32>
    %convert_element_type3A_229 = arith.truncf %convert_element_type3A_228 : vector<512x392xf32> to vector<512x392xbf16>
    %get3A_230 = arith.constant 0 : index
    %get3A_231 = arith.constant 0 : index
    %get3A_232 = vector.load %arg9[%get3A_230, %get3A_231] : memref<392x72xbf16, #tpu.memory_space<vmem>>, vector<392x72xbf16>
    %dot_general3A_233 = arith.constant dense<0.000000e+00> : vector<512x72xf32>
    %dot_general3A_234 = tpu.matmul %convert_element_type3A_229, %get3A_232, %dot_general3A_233 {dimension_numbers = #tpu.dot_dimension_numbers<[1], [0], [0], [1], [0, 0, 1, 1], [], []>, transpose_lhs_hint = false} : vector<512x392xbf16>, vector<392x72xbf16>, vector<512x72xf32> -> vector<512x72xf32>
    %iota3A_235 = tpu.iota {dimensions = array<i32: 1>} : vector<512x392xi32>
    %get3A_236 = arith.constant 13 : index
    %get3A_237 = arith.constant 0 : index
    %get3A_238 = arith.constant 0 : index
    %get3A_239 = arith.constant 0 : index
    %get3A_240 = vector.load %arg3[%get3A_236, %get3A_237, %get3A_238, %get3A_239] : memref<15x1x1x512xi16, #tpu.memory_space<vmem>>, vector<1x1x1x512xi16>
    %get3A_241 = vector.shape_cast %get3A_240 : vector<1x1x1x512xi16> to vector<512xi16>
    %convert_element_type3A_242 = arith.extsi %get3A_241 : vector<512xi16> to vector<512xi32>
    %broadcast_in_dim3A_243 = vector.shape_cast %convert_element_type3A_242 : vector<512xi32> to vector<512x1xi32>
    %eq3A_244 = vector.broadcast %broadcast_in_dim3A_243 : vector<512x1xi32> to vector<512x392xi32>
    %eq3A_245 = arith.cmpi eq, %iota3A_235, %eq3A_244 : vector<512x392xi32>
    %convert_element_type3A_246 = arith.extui %eq3A_245 : vector<512x392xi1> to vector<512x392xi32>
    %convert_element_type3A_247 = arith.sitofp %convert_element_type3A_246 : vector<512x392xi32> to vector<512x392xf32>
    %convert_element_type3A_248 = arith.truncf %convert_element_type3A_247 : vector<512x392xf32> to vector<512x392xbf16>
    %get3A_249 = arith.constant 0 : index
    %get3A_250 = arith.constant 0 : index
    %get3A_251 = vector.load %arg9[%get3A_249, %get3A_250] : memref<392x72xbf16, #tpu.memory_space<vmem>>, vector<392x72xbf16>
    %dot_general3A_252 = arith.constant dense<0.000000e+00> : vector<512x72xf32>
    %dot_general3A_253 = tpu.matmul %convert_element_type3A_248, %get3A_251, %dot_general3A_252 {dimension_numbers = #tpu.dot_dimension_numbers<[1], [0], [0], [1], [0, 0, 1, 1], [], []>, transpose_lhs_hint = false} : vector<512x392xbf16>, vector<392x72xbf16>, vector<512x72xf32> -> vector<512x72xf32>
    %iota3A_254 = tpu.iota {dimensions = array<i32: 1>} : vector<512x392xi32>
    %get3A_255 = arith.constant 14 : index
    %get3A_256 = arith.constant 0 : index
    %get3A_257 = arith.constant 0 : index
    %get3A_258 = arith.constant 0 : index
    %get3A_259 = vector.load %arg3[%get3A_255, %get3A_256, %get3A_257, %get3A_258] : memref<15x1x1x512xi16, #tpu.memory_space<vmem>>, vector<1x1x1x512xi16>
    %get3A_260 = vector.shape_cast %get3A_259 : vector<1x1x1x512xi16> to vector<512xi16>
    %convert_element_type3A_261 = arith.extsi %get3A_260 : vector<512xi16> to vector<512xi32>
    %broadcast_in_dim3A_262 = vector.shape_cast %convert_element_type3A_261 : vector<512xi32> to vector<512x1xi32>
    %eq3A_263 = vector.broadcast %broadcast_in_dim3A_262 : vector<512x1xi32> to vector<512x392xi32>
    %eq3A_264 = arith.cmpi eq, %iota3A_254, %eq3A_263 : vector<512x392xi32>
    %convert_element_type3A_265 = arith.extui %eq3A_264 : vector<512x392xi1> to vector<512x392xi32>
    %convert_element_type3A_266 = arith.sitofp %convert_element_type3A_265 : vector<512x392xi32> to vector<512x392xf32>
    %convert_element_type3A_267 = arith.truncf %convert_element_type3A_266 : vector<512x392xf32> to vector<512x392xbf16>
    %get3A_268 = arith.constant 0 : index
    %get3A_269 = arith.constant 0 : index
    %get3A_270 = vector.load %arg9[%get3A_268, %get3A_269] : memref<392x72xbf16, #tpu.memory_space<vmem>>, vector<392x72xbf16>
    %dot_general3A_271 = arith.constant dense<0.000000e+00> : vector<512x72xf32>
    %dot_general3A_272 = tpu.matmul %convert_element_type3A_267, %get3A_270, %dot_general3A_271 {dimension_numbers = #tpu.dot_dimension_numbers<[1], [0], [0], [1], [0, 0, 1, 1], [], []>, transpose_lhs_hint = false} : vector<512x392xbf16>, vector<392x72xbf16>, vector<512x72xf32> -> vector<512x72xf32>
    %concatenate3A_273 = tpu.concatenate %dot_general3A_101, %dot_general3A_139, %dot_general3A_158, %dot_general3A_177, %dot_general3A_196, %dot_general3A_120, %dot_general3A_215, %dot_general3A_234, %dot_general3A_253, %dot_general3A_272 in 1 : vector<512x96xf32>, vector<512x72xf32>, vector<512x72xf32>, vector<512x72xf32>, vector<512x72xf32>, vector<512x96xf32>, vector<512x72xf32>, vector<512x72xf32>, vector<512x72xf32>, vector<512x72xf32> -> vector<512x768xf32>
    %get3A_274 = arith.constant 0 : index
    %get3A_275 = arith.constant 0 : index
    %get3A_276 = vector.load %arg2[%get3A_274, %get3A_275] : memref<512x768xf32, #tpu.memory_space<vmem>>, vector<512x768xf32>
    %add3A_277 = arith.addf %get3A_276, %dot_general3A_82 : vector<512x768xf32>
    %add3A_278 = arith.addf %add3A_277, %concatenate3A_273 : vector<512x768xf32>
    %reduce_sum3A = arith.constant dense<0.000000e+00> : vector<512xf32>
    %reduce_sum3A_279 = vector.multi_reduction <add>, %add3A_278, %reduce_sum3A [1] : vector<512x768xf32> to vector<512xf32>
    %broadcast_in_dim3A_280 = vector.shape_cast %reduce_sum3A_279 : vector<512xf32> to vector<512x1xf32>
    %div3A = arith.constant 7.680000e+02 : f32
    %div3A_281 = vector.broadcast %div3A : f32 to vector<512x1xf32>
    %div3A_282 = arith.divf %broadcast_in_dim3A_280, %div3A_281 : vector<512x1xf32>
    %sub3A = vector.broadcast %div3A_282 : vector<512x1xf32> to vector<512x768xf32>
    %sub3A_283 = arith.subf %add3A_278, %sub3A : vector<512x768xf32>
    %mul3A = arith.mulf %sub3A_283, %sub3A_283 : vector<512x768xf32>
    %reduce_sum3A_284 = arith.constant dense<0.000000e+00> : vector<512xf32>
    %reduce_sum3A_285 = vector.multi_reduction <add>, %mul3A, %reduce_sum3A_284 [1] : vector<512x768xf32> to vector<512xf32>
    %broadcast_in_dim3A_286 = vector.shape_cast %reduce_sum3A_285 : vector<512xf32> to vector<512x1xf32>
    %div3A_287 = arith.constant 7.680000e+02 : f32
    %div3A_288 = vector.broadcast %div3A_287 : f32 to vector<512x1xf32>
    %div3A_289 = arith.divf %broadcast_in_dim3A_286, %div3A_288 : vector<512x1xf32>
    %add3A_290 = arith.constant 9.99999996E-13 : f32
    %add3A_291 = vector.broadcast %add3A_290 : f32 to vector<512x1xf32>
    %add3A_292 = arith.addf %div3A_289, %add3A_291 : vector<512x1xf32>
    %rsqrt3A = math.rsqrt %add3A_292 : vector<512x1xf32>
    %mul3A_293 = vector.broadcast %rsqrt3A : vector<512x1xf32> to vector<512x768xf32>
    %mul3A_294 = arith.mulf %sub3A_283, %mul3A_293 : vector<512x768xf32>
    %get3A_295 = arith.constant 0 : index
    %get3A_296 = arith.constant 0 : index
    %get3A_297 = vector.load %arg10[%get3A_295, %get3A_296] : memref<1x768xf32, #tpu.memory_space<vmem>>, vector<1x768xf32>
    %mul3A_298 = vector.broadcast %get3A_297 : vector<1x768xf32> to vector<512x768xf32>
    %mul3A_299 = arith.mulf %mul3A_294, %mul3A_298 : vector<512x768xf32>
    %get3A_300 = arith.constant 0 : index
    %get3A_301 = arith.constant 0 : index
    %get3A_302 = vector.load %arg11[%get3A_300, %get3A_301] : memref<1x768xf32, #tpu.memory_space<vmem>>, vector<1x768xf32>
    %add3A_303 = vector.broadcast %get3A_302 : vector<1x768xf32> to vector<512x768xf32>
    %add3A_304 = arith.addf %mul3A_299, %add3A_303 : vector<512x768xf32>
    %swap3A = arith.constant 0 : index
    %swap3A_305 = arith.constant 0 : index
    %swap3A_306 = vector.load %arg12[%swap3A, %swap3A_305] : memref<512x768xf32, #tpu.memory_space<vmem>>, vector<512x768xf32>
    tpu.vector_store %arg12[%swap3A, %swap3A_305], %add3A_304 {strides = array<i32>} : memref<512x768xf32, #tpu.memory_space<vmem>>, vector<512x768xf32>,
    return
  }
  func.func @transform_1(%arg0: i32) -> (i32, i32) {
    %c0_i32 = arith.constant 0 : i32
    %c0_i32_0 = arith.constant 0 : i32
    return %arg0, %c0_i32 : i32, i32
  }
  func.func @transform_2(%arg0: i32) -> (i32, i32, i32, i32) {
    %add3A = arith.constant 10 : i32
    %add3A_0 = arith.addi %arg0, %add3A : i32
    %c0_i32 = arith.constant 0 : i32
    %c0_i32_1 = arith.constant 0 : i32
    %c0_i32_2 = arith.constant 0 : i32
    %c0_i32_3 = arith.constant 0 : i32
    return %c0_i32, %add3A_0, %c0_i32_1, %c0_i32_2 : i32, i32, i32, i32
  }
  func.func @transform_3(%arg0: i32) -> (i32, i32) {
    %add3A = arith.constant 10 : i32
    %add3A_0 = arith.addi %arg0, %add3A : i32
    %c0_i32 = arith.constant 0 : i32
    %c0_i32_1 = arith.constant 0 : i32
    return %add3A_0, %c0_i32 : i32, i32
  }
  func.func @transform_4(%arg0: i32) -> (i32, i32) {
    %c0_i32 = arith.constant 0 : i32
    %c0_i32_0 = arith.constant 0 : i32
    %c0_i32_1 = arith.constant 0 : i32
    return %c0_i32, %c0_i32_0 : i32, i32
  }
  func.func @transform_5(%arg0: i32) -> (i32, i32) {
    %c0_i32 = arith.constant 0 : i32
    %c0_i32_0 = arith.constant 0 : i32
    %c0_i32_1 = arith.constant 0 : i32
    return %c0_i32, %c0_i32_0 : i32, i32
  }
  func.func @transform_6(%arg0: i32) -> (i32, i32) {
    %c0_i32 = arith.constant 0 : i32
    %c0_i32_0 = arith.constant 0 : i32
    %c0_i32_1 = arith.constant 0 : i32
    return %c0_i32, %c0_i32_0 : i32, i32
  }
  func.func @transform_7(%arg0: i32) -> (i32, i32) {
    %c0_i32 = arith.constant 0 : i32
    %c0_i32_0 = arith.constant 0 : i32
    %c0_i32_1 = arith.constant 0 : i32
    return %c0_i32, %c0_i32_0 : i32, i32
  }
  func.func @transform_8(%arg0: i32) -> (i32, i32) {
    %c0_i32 = arith.constant 0 : i32
    %c0_i32_0 = arith.constant 0 : i32
    %c0_i32_1 = arith.constant 0 : i32
    return %c0_i32, %c0_i32_0 : i32, i32
  }
  func.func @transform_9(%arg0: i32) -> (i32, i32) {
    %c0_i32 = arith.constant 0 : i32
    %c0_i32_0 = arith.constant 0 : i32
    %c0_i32_1 = arith.constant 0 : i32
    return %c0_i32, %c0_i32_0 : i32, i32
  }
  func.func @transform_10(%arg0: i32) -> (i32, i32) {
    %c0_i32 = arith.constant 0 : i32
    %c0_i32_0 = arith.constant 0 : i32
    %c0_i32_1 = arith.constant 0 : i32
    return %c0_i32, %c0_i32_0 : i32, i32
  }
  func.func @transform_11(%arg0: i32) -> (i32, i32) {
    %add3A = arith.constant 10 : i32
    %add3A_0 = arith.addi %arg0, %add3A : i32
    %c0_i32 = arith.constant 0 : i32
    %c0_i32_1 = arith.constant 0 : i32
    return %add3A_0, %c0_i32 : i32, i32
  }
}

module attributes {stable_mosaic.version = 14 : i64} {
  func.func @_tc_body_alias(%arg0: i32, %arg1: memref<25600x768xf32, #tpu.memory_space<any>>, %arg2: memref<512x768xf32, #tpu.memory_space<vmem>>, %arg3: memref<15x1x1x512xi16, #tpu.memory_space<vmem>>, %arg4: memref<512x11xf32, #tpu.memory_space<vmem>>, %arg5: memref<139x768xbf16, #tpu.memory_space<vmem>>, %arg6: memref<264x96xbf16, #tpu.memory_space<vmem>>, %arg7: memref<264x96xbf16, #tpu.memory_space<vmem>>, %arg8: memref<392x72xbf16, #tpu.memory_space<vmem>>, %arg9: memref<392x72xbf16, #tpu.memory_space<vmem>>, %arg10: memref<1x768xf32, #tpu.memory_space<vmem>>, %arg11: memref<1x768xf32, #tpu.memory_space<vmem>>, %arg12: memref<512x768xf32, #tpu.memory_space<vmem>>) attributes {dimension_semantics = [#tpu.dimension_semantics<arbitrary>], iteration_bounds = array<i64: 24>, scalar_prefetch = 0 : i64, scratch_operands = 0 : i64, tpu.core_type = #tpu.core_type<tc>, window_params = [{}, {transform_indices = @transform_1, window_bounds = array<i64: 512, 768>}, {transform_indices = @transform_2, window_bounds = array<i64: 15, 1, 1, 512>}, {transform_indices = @transform_3, window_bounds = array<i64: 512, 11>}, {pipeline_mode = #tpu.pipeline_mode<synchronous>, transform_indices = @transform_4, window_bounds = array<i64: 139, 768>}, {pipeline_mode = #tpu.pipeline_mode<synchronous>, transform_indices = @transform_5, window_bounds = array<i64: 264, 96>}, {pipeline_mode = #tpu.pipeline_mode<synchronous>, transform_indices = @transform_6, window_bounds = array<i64: 264, 96>}, {pipeline_mode = #tpu.pipeline_mode<synchronous>, transform_indices = @transform_7, window_bounds = array<i64: 392, 72>}, {pipeline_mode = #tpu.pipeline_mode<synchronous>, transform_indices = @transform_8, window_bounds = array<i64: 392, 72>}, {pipeline_mode = #tpu.pipeline_mode<synchronous>, transform_indices = @transform_9, window_bounds = array<i64: 1, 768>}, {pipeline_mode = #tpu.pipeline_mode<synchronous>, transform_indices = @transform_10, window_bounds = array<i64: 1, 768>}, {transform_indices = @transform_11, window_bounds = array<i64: 512, 768>}]} {
    %iota3A = tpu.iota {dimensions = array<i32: 1>} : vector<512x128xi32>
    %lt3A = arith.constant 16 : i32
    %lt3A_0 = vector.broadcast %lt3A : i32 to vector<512x128xi32>
    %lt3A_1 = arith.cmpi slt, %iota3A, %lt3A_0 : vector<512x128xi32>
    %get3A = arith.constant 0 : index
    %get3A_2 = arith.constant 0 : index
    %get3A_3 = arith.constant 0 : index
    %get3A_4 = arith.constant 0 : index
    %get3A_5 = vector.load %arg3[%get3A, %get3A_2, %get3A_3, %get3A_4] : memref<15x1x1x512xi16, #tpu.memory_space<vmem>>, vector<1x1x1x512xi16>
    %get3A_6 = vector.shape_cast %get3A_5 : vector<1x1x1x512xi16> to vector<512xi16>
    %convert_element_type3A = arith.extsi %get3A_6 : vector<512xi16> to vector<512xi32>
    %broadcast_in_dim3A = vector.shape_cast %convert_element_type3A : vector<512xi32> to vector<512x1xi32>
    %lt3A_7 = arith.constant 32 : i32
    %lt3A_8 = vector.broadcast %lt3A_7 : i32 to vector<512x128xi32>
    %lt3A_9 = arith.cmpi slt, %iota3A, %lt3A_8 : vector<512x128xi32>
    %get3A_10 = arith.constant 1 : index
    %get3A_11 = arith.constant 0 : index
    %get3A_12 = arith.constant 0 : index
    %get3A_13 = arith.constant 0 : index
    %get3A_14 = vector.load %arg3[%get3A_10, %get3A_11, %get3A_12, %get3A_13] : memref<15x1x1x512xi16, #tpu.memory_space<vmem>>, vector<1x1x1x512xi16>
    %get3A_15 = vector.shape_cast %get3A_14 : vector<1x1x1x512xi16> to vector<512xi16>
    %convert_element_type3A_16 = arith.extsi %get3A_15 : vector<512xi16> to vector<512xi32>
    %broadcast_in_dim3A_17 = vector.shape_cast %convert_element_type3A_16 : vector<512xi32> to vector<512x1xi32>
    %add3A = arith.constant 16 : i32
    %add3A_18 = vector.broadcast %add3A : i32 to vector<512x1xi32>
    %add3A_19 = arith.addi %broadcast_in_dim3A_17, %add3A_18 : vector<512x1xi32>
    %lt3A_20 = arith.constant 48 : i32
    %lt3A_21 = vector.broadcast %lt3A_20 : i32 to vector<512x128xi32>
    %lt3A_22 = arith.cmpi slt, %iota3A, %lt3A_21 : vector<512x128xi32>
    %get3A_23 = arith.constant 2 : index
    %get3A_24 = arith.constant 0 : index
    %get3A_25 = arith.constant 0 : index
    %get3A_26 = arith.constant 0 : index
    %get3A_27 = vector.load %arg3[%get3A_23, %get3A_24, %get3A_25, %get3A_26] : memref<15x1x1x512xi16, #tpu.memory_space<vmem>>, vector<1x1x1x512xi16>
    %get3A_28 = vector.shape_cast %get3A_27 : vector<1x1x1x512xi16> to vector<512xi16>
    %convert_element_type3A_29 = arith.extsi %get3A_28 : vector<512xi16> to vector<512xi32>
    %broadcast_in_dim3A_30 = vector.shape_cast %convert_element_type3A_29 : vector<512xi32> to vector<512x1xi32>
    %add3A_31 = arith.constant 32 : i32
    %add3A_32 = vector.broadcast %add3A_31 : i32 to vector<512x1xi32>
    %add3A_33 = arith.addi %broadcast_in_dim3A_30, %add3A_32 : vector<512x1xi32>
    %lt3A_34 = arith.constant 64 : i32
    %lt3A_35 = vector.broadcast %lt3A_34 : i32 to vector<512x128xi32>
    %lt3A_36 = arith.cmpi slt, %iota3A, %lt3A_35 : vector<512x128xi32>
    %get3A_37 = arith.constant 3 : index
    %get3A_38 = arith.constant 0 : index
    %get3A_39 = arith.constant 0 : index
    %get3A_40 = arith.constant 0 : index
    %get3A_41 = vector.load %arg3[%get3A_37, %get3A_38, %get3A_39, %get3A_40] : memref<15x1x1x512xi16, #tpu.memory_space<vmem>>, vector<1x1x1x512xi16>
    %get3A_42 = vector.shape_cast %get3A_41 : vector<1x1x1x512xi16> to vector<512xi16>
    %convert_element_type3A_43 = arith.extsi %get3A_42 : vector<512xi16> to vector<512xi32>
    %broadcast_in_dim3A_44 = vector.shape_cast %convert_element_type3A_43 : vector<512xi32> to vector<512x1xi32>
    %add3A_45 = arith.constant 48 : i32
    %add3A_46 = vector.broadcast %add3A_45 : i32 to vector<512x1xi32>
    %add3A_47 = arith.addi %broadcast_in_dim3A_44, %add3A_46 : vector<512x1xi32>
    %get3A_48 = arith.constant 4 : index
    %get3A_49 = arith.constant 0 : index
    %get3A_50 = arith.constant 0 : index
    %get3A_51 = arith.constant 0 : index
    %get3A_52 = vector.load %arg3[%get3A_48, %get3A_49, %get3A_50, %get3A_51] : memref<15x1x1x512xi16, #tpu.memory_space<vmem>>, vector<1x1x1x512xi16>
    %get3A_53 = vector.shape_cast %get3A_52 : vector<1x1x1x512xi16> to vector<512xi16>
    %convert_element_type3A_54 = arith.extsi %get3A_53 : vector<512xi16> to vector<512xi32>
    %broadcast_in_dim3A_55 = vector.shape_cast %convert_element_type3A_54 : vector<512xi32> to vector<512x1xi32>
    %add3A_56 = arith.constant 64 : i32
    %add3A_57 = vector.broadcast %add3A_56 : i32 to vector<512x1xi32>
    %add3A_58 = arith.addi %broadcast_in_dim3A_55, %add3A_57 : vector<512x1xi32>
    %broadcast_in_dim3A_59 = vector.shape_cast %add3A_47 : vector<512x1xi32> to vector<512x1xi32>
    %broadcast_in_dim3A_60 = vector.broadcast %broadcast_in_dim3A_59 : vector<512x1xi32> to vector<512x128xi32>
    %broadcast_in_dim3A_61 = vector.shape_cast %add3A_58 : vector<512x1xi32> to vector<512x1xi32>
    %broadcast_in_dim3A_62 = vector.broadcast %broadcast_in_dim3A_61 : vector<512x1xi32> to vector<512x128xi32>
    %select_n3A = arith.select %lt3A_36, %broadcast_in_dim3A_60, %broadcast_in_dim3A_62 : vector<512x128xi1>, vector<512x128xi32>
    %broadcast_in_dim3A_63 = vector.shape_cast %add3A_33 : vector<512x1xi32> to vector<512x1xi32>
    %broadcast_in_dim3A_64 = vector.broadcast %broadcast_in_dim3A_63 : vector<512x1xi32> to vector<512x128xi32>
    %select_n3A_65 = arith.select %lt3A_22, %broadcast_in_dim3A_64, %select_n3A : vector<512x128xi1>, vector<512x128xi32>
    %broadcast_in_dim3A_66 = vector.shape_cast %add3A_19 : vector<512x1xi32> to vector<512x1xi32>
    %broadcast_in_dim3A_67 = vector.broadcast %broadcast_in_dim3A_66 : vector<512x1xi32> to vector<512x128xi32>
    %select_n3A_68 = arith.select %lt3A_9, %broadcast_in_dim3A_67, %select_n3A_65 : vector<512x128xi1>, vector<512x128xi32>
    %broadcast_in_dim3A_69 = vector.shape_cast %broadcast_in_dim3A : vector<512x1xi32> to vector<512x1xi32>
    %broadcast_in_dim3A_70 = vector.broadcast %broadcast_in_dim3A_69 : vector<512x1xi32> to vector<512x128xi32>
    %select_n3A_71 = arith.select %lt3A_1, %broadcast_in_dim3A_70, %select_n3A_68 : vector<512x128xi1>, vector<512x128xi32>
    %eq3A = arith.cmpi eq, %iota3A, %select_n3A_71 : vector<512x128xi32>
    %convert_element_type3A_72 = arith.extui %eq3A : vector<512x128xi1> to vector<512x128xi32>
    %convert_element_type3A_73 = arith.sitofp %convert_element_type3A_72 : vector<512x128xi32> to vector<512x128xf32>
    %convert_element_type3A_74 = arith.truncf %convert_element_type3A_73 : vector<512x128xf32> to vector<512x128xbf16>
    %get3A_75 = arith.constant 0 : index
    %get3A_76 = arith.constant 0 : index
    %get3A_77 = vector.load %arg4[%get3A_75, %get3A_76] : memref<512x11xf32, #tpu.memory_space<vmem>>, vector<512x11xf32>
    %convert_element_type3A_78 = arith.truncf %get3A_77 : vector<512x11xf32> to vector<512x11xbf16>
    %concatenate3A = tpu.concatenate %convert_element_type3A_74, %convert_element_type3A_78 in 1 : vector<512x128xbf16>, vector<512x11xbf16> -> vector<512x139xbf16>
    %get3A_79 = arith.constant 0 : index
    %get3A_80 = arith.constant 0 : index
    %get3A_81 = vector.load %arg5[%get3A_79, %get3A_80] : memref<139x768xbf16, #tpu.memory_space<vmem>>, vector<139x768xbf16>
    %dot_general3A = arith.constant dense<0.000000e+00> : vector<512x768xf32>
    %dot_general3A_82 = tpu.matmul %concatenate3A, %get3A_81, %dot_general3A {dimension_numbers = #tpu.dot_dimension_numbers<[1], [0], [0], [1], [0, 0, 1, 1], [], []>, transpose_lhs_hint = false} : vector<512x139xbf16>, vector<139x768xbf16>, vector<512x768xf32> -> vector<512x768xf32>
    %iota3A_83 = tpu.iota {dimensions = array<i32: 1>} : vector<512x264xi32>
    %get3A_84 = arith.constant 5 : index
    %get3A_85 = arith.constant 0 : index
    %get3A_86 = arith.constant 0 : index
    %get3A_87 = arith.constant 0 : index
    %get3A_88 = vector.load %arg3[%get3A_84, %get3A_85, %get3A_86, %get3A_87] : memref<15x1x1x512xi16, #tpu.memory_space<vmem>>, vector<1x1x1x512xi16>
    %get3A_89 = vector.shape_cast %get3A_88 : vector<1x1x1x512xi16> to vector<512xi16>
    %convert_element_type3A_90 = arith.extsi %get3A_89 : vector<512xi16> to vector<512xi32>
    %broadcast_in_dim3A_91 = vector.shape_cast %convert_element_type3A_90 : vector<512xi32> to vector<512x1xi32>
    %eq3A_92 = vector.broadcast %broadcast_in_dim3A_91 : vector<512x1xi32> to vector<512x264xi32>
    %eq3A_93 = arith.cmpi eq, %iota3A_83, %eq3A_92 : vector<512x264xi32>
    %convert_element_type3A_94 = arith.extui %eq3A_93 : vector<512x264xi1> to vector<512x264xi32>
    %convert_element_type3A_95 = arith.sitofp %convert_element_type3A_94 : vector<512x264xi32> to vector<512x264xf32>
    %convert_element_type3A_96 = arith.truncf %convert_element_type3A_95 : vector<512x264xf32> to vector<512x264xbf16>
    %get3A_97 = arith.constant 0 : index
    %get3A_98 = arith.constant 0 : index
    %get3A_99 = vector.load %arg6[%get3A_97, %get3A_98] : memref<264x96xbf16, #tpu.memory_space<vmem>>, vector<264x96xbf16>
    %dot_general3A_100 = arith.constant dense<0.000000e+00> : vector<512x96xf32>
    %dot_general3A_101 = tpu.matmul %convert_element_type3A_96, %get3A_99, %dot_general3A_100 {dimension_numbers = #tpu.dot_dimension_numbers<[1], [0], [0], [1], [0, 0, 1, 1], [], []>, transpose_lhs_hint = false} : vector<512x264xbf16>, vector<264x96xbf16>, vector<512x96xf32> -> vector<512x96xf32>
    %iota3A_102 = tpu.iota {dimensions = array<i32: 1>} : vector<512x264xi32>
    %get3A_103 = arith.constant 6 : index
    %get3A_104 = arith.constant 0 : index
    %get3A_105 = arith.constant 0 : index
    %get3A_106 = arith.constant 0 : index
    %get3A_107 = vector.load %arg3[%get3A_103, %get3A_104, %get3A_105, %get3A_106] : memref<15x1x1x512xi16, #tpu.memory_space<vmem>>, vector<1x1x1x512xi16>
    %get3A_108 = vector.shape_cast %get3A_107 : vector<1x1x1x512xi16> to vector<512xi16>
    %convert_element_type3A_109 = arith.extsi %get3A_108 : vector<512xi16> to vector<512xi32>
    %broadcast_in_dim3A_110 = vector.shape_cast %convert_element_type3A_109 : vector<512xi32> to vector<512x1xi32>
    %eq3A_111 = vector.broadcast %broadcast_in_dim3A_110 : vector<512x1xi32> to vector<512x264xi32>
    %eq3A_112 = arith.cmpi eq, %iota3A_102, %eq3A_111 : vector<512x264xi32>
    %convert_element_type3A_113 = arith.extui %eq3A_112 : vector<512x264xi1> to vector<512x264xi32>
    %convert_element_type3A_114 = arith.sitofp %convert_element_type3A_113 : vector<512x264xi32> to vector<512x264xf32>
    %convert_element_type3A_115 = arith.truncf %convert_element_type3A_114 : vector<512x264xf32> to vector<512x264xbf16>
    %get3A_116 = arith.constant 0 : index
    %get3A_117 = arith.constant 0 : index
    %get3A_118 = vector.load %arg7[%get3A_116, %get3A_117] : memref<264x96xbf16, #tpu.memory_space<vmem>>, vector<264x96xbf16>
    %dot_general3A_119 = arith.constant dense<0.000000e+00> : vector<512x96xf32>
    %dot_general3A_120 = tpu.matmul %convert_element_type3A_115, %get3A_118, %dot_general3A_119 {dimension_numbers = #tpu.dot_dimension_numbers<[1], [0], [0], [1], [0, 0, 1, 1], [], []>, transpose_lhs_hint = false} : vector<512x264xbf16>, vector<264x96xbf16>, vector<512x96xf32> -> vector<512x96xf32>
    %iota3A_121 = tpu.iota {dimensions = array<i32: 1>} : vector<512x392xi32>
    %get3A_122 = arith.constant 7 : index
    %get3A_123 = arith.constant 0 : index
    %get3A_124 = arith.constant 0 : index
    %get3A_125 = arith.constant 0 : index
    %get3A_126 = vector.load %arg3[%get3A_122, %get3A_123, %get3A_124, %get3A_125] : memref<15x1x1x512xi16, #tpu.memory_space<vmem>>, vector<1x1x1x512xi16>
    %get3A_127 = vector.shape_cast %get3A_126 : vector<1x1x1x512xi16> to vector<512xi16>
    %convert_element_type3A_128 = arith.extsi %get3A_127 : vector<512xi16> to vector<512xi32>
    %broadcast_in_dim3A_129 = vector.shape_cast %convert_element_type3A_128 : vector<512xi32> to vector<512x1xi32>
    %eq3A_130 = vector.broadcast %broadcast_in_dim3A_129 : vector<512x1xi32> to vector<512x392xi32>
    %eq3A_131 = arith.cmpi eq, %iota3A_121, %eq3A_130 : vector<512x392xi32>
    %convert_element_type3A_132 = arith.extui %eq3A_131 : vector<512x392xi1> to vector<512x392xi32>
    %convert_element_type3A_133 = arith.sitofp %convert_element_type3A_132 : vector<512x392xi32> to vector<512x392xf32>
    %convert_element_type3A_134 = arith.truncf %convert_element_type3A_133 : vector<512x392xf32> to vector<512x392xbf16>
    %get3A_135 = arith.constant 0 : index
    %get3A_136 = arith.constant 0 : index
    %get3A_137 = vector.load %arg8[%get3A_135, %get3A_136] : memref<392x72xbf16, #tpu.memory_space<vmem>>, vector<392x72xbf16>
    %dot_general3A_138 = arith.constant dense<0.000000e+00> : vector<512x72xf32>
    %dot_general3A_139 = tpu.matmul %convert_element_type3A_134, %get3A_137, %dot_general3A_138 {dimension_numbers = #tpu.dot_dimension_numbers<[1], [0], [0], [1], [0, 0, 1, 1], [], []>, transpose_lhs_hint = false} : vector<512x392xbf16>, vector<392x72xbf16>, vector<512x72xf32> -> vector<512x72xf32>
    %iota3A_140 = tpu.iota {dimensions = array<i32: 1>} : vector<512x392xi32>
    %get3A_141 = arith.constant 8 : index
    %get3A_142 = arith.constant 0 : index
    %get3A_143 = arith.constant 0 : index
    %get3A_144 = arith.constant 0 : index
    %get3A_145 = vector.load %arg3[%get3A_141, %get3A_142, %get3A_143, %get3A_144] : memref<15x1x1x512xi16, #tpu.memory_space<vmem>>, vector<1x1x1x512xi16>
    %get3A_146 = vector.shape_cast %get3A_145 : vector<1x1x1x512xi16> to vector<512xi16>
    %convert_element_type3A_147 = arith.extsi %get3A_146 : vector<512xi16> to vector<512xi32>
    %broadcast_in_dim3A_148 = vector.shape_cast %convert_element_type3A_147 : vector<512xi32> to vector<512x1xi32>
    %eq3A_149 = vector.broadcast %broadcast_in_dim3A_148 : vector<512x1xi32> to vector<512x392xi32>
    %eq3A_150 = arith.cmpi eq, %iota3A_140, %eq3A_149 : vector<512x392xi32>
    %convert_element_type3A_151 = arith.extui %eq3A_150 : vector<512x392xi1> to vector<512x392xi32>
    %convert_element_type3A_152 = arith.sitofp %convert_element_type3A_151 : vector<512x392xi32> to vector<512x392xf32>
    %convert_element_type3A_153 = arith.truncf %convert_element_type3A_152 : vector<512x392xf32> to vector<512x392xbf16>
    %get3A_154 = arith.constant 0 : index
    %get3A_155 = arith.constant 0 : index
    %get3A_156 = vector.load %arg8[%get3A_154, %get3A_155] : memref<392x72xbf16, #tpu.memory_space<vmem>>, vector<392x72xbf16>
    %dot_general3A_157 = arith.constant dense<0.000000e+00> : vector<512x72xf32>
    %dot_general3A_158 = tpu.matmul %convert_element_type3A_153, %get3A_156, %dot_general3A_157 {dimension_numbers = #tpu.dot_dimension_numbers<[1], [0], [0], [1], [0, 0, 1, 1], [], []>, transpose_lhs_hint = false} : vector<512x392xbf16>, vector<392x72xbf16>, vector<512x72xf32> -> vector<512x72xf32>
    %iota3A_159 = tpu.iota {dimensions = array<i32: 1>} : vector<512x392xi32>
    %get3A_160 = arith.constant 9 : index
    %get3A_161 = arith.constant 0 : index
    %get3A_162 = arith.constant 0 : index
    %get3A_163 = arith.constant 0 : index
    %get3A_164 = vector.load %arg3[%get3A_160, %get3A_161, %get3A_162, %get3A_163] : memref<15x1x1x512xi16, #tpu.memory_space<vmem>>, vector<1x1x1x512xi16>
    %get3A_165 = vector.shape_cast %get3A_164 : vector<1x1x1x512xi16> to vector<512xi16>
    %convert_element_type3A_166 = arith.extsi %get3A_165 : vector<512xi16> to vector<512xi32>
    %broadcast_in_dim3A_167 = vector.shape_cast %convert_element_type3A_166 : vector<512xi32> to vector<512x1xi32>
    %eq3A_168 = vector.broadcast %broadcast_in_dim3A_167 : vector<512x1xi32> to vector<512x392xi32>
    %eq3A_169 = arith.cmpi eq, %iota3A_159, %eq3A_168 : vector<512x392xi32>
    %convert_element_type3A_170 = arith.extui %eq3A_169 : vector<512x392xi1> to vector<512x392xi32>
    %convert_element_type3A_171 = arith.sitofp %convert_element_type3A_170 : vector<512x392xi32> to vector<512x392xf32>
    %convert_element_type3A_172 = arith.truncf %convert_element_type3A_171 : vector<512x392xf32> to vector<512x392xbf16>
    %get3A_173 = arith.constant 0 : index
    %get3A_174 = arith.constant 0 : index
    %get3A_175 = vector.load %arg8[%get3A_173, %get3A_174] : memref<392x72xbf16, #tpu.memory_space<vmem>>, vector<392x72xbf16>
    %dot_general3A_176 = arith.constant dense<0.000000e+00> : vector<512x72xf32>
    %dot_general3A_177 = tpu.matmul %convert_element_type3A_172, %get3A_175, %dot_general3A_176 {dimension_numbers = #tpu.dot_dimension_numbers<[1], [0], [0], [1], [0, 0, 1, 1], [], []>, transpose_lhs_hint = false} : vector<512x392xbf16>, vector<392x72xbf16>, vector<512x72xf32> -> vector<512x72xf32>
    %iota3A_178 = tpu.iota {dimensions = array<i32: 1>} : vector<512x392xi32>
    %get3A_179 = arith.constant 10 : index
    %get3A_180 = arith.constant 0 : index
    %get3A_181 = arith.constant 0 : index
    %get3A_182 = arith.constant 0 : index
    %get3A_183 = vector.load %arg3[%get3A_179, %get3A_180, %get3A_181, %get3A_182] : memref<15x1x1x512xi16, #tpu.memory_space<vmem>>, vector<1x1x1x512xi16>
    %get3A_184 = vector.shape_cast %get3A_183 : vector<1x1x1x512xi16> to vector<512xi16>
    %convert_element_type3A_185 = arith.extsi %get3A_184 : vector<512xi16> to vector<512xi32>
    %broadcast_in_dim3A_186 = vector.shape_cast %convert_element_type3A_185 : vector<512xi32> to vector<512x1xi32>
    %eq3A_187 = vector.broadcast %broadcast_in_dim3A_186 : vector<512x1xi32> to vector<512x392xi32>
    %eq3A_188 = arith.cmpi eq, %iota3A_178, %eq3A_187 : vector<512x392xi32>
    %convert_element_type3A_189 = arith.extui %eq3A_188 : vector<512x392xi1> to vector<512x392xi32>
    %convert_element_type3A_190 = arith.sitofp %convert_element_type3A_189 : vector<512x392xi32> to vector<512x392xf32>
    %convert_element_type3A_191 = arith.truncf %convert_element_type3A_190 : vector<512x392xf32> to vector<512x392xbf16>
    %get3A_192 = arith.constant 0 : index
    %get3A_193 = arith.constant 0 : index
    %get3A_194 = vector.load %arg8[%get3A_192, %get3A_193] : memref<392x72xbf16, #tpu.memory_space<vmem>>, vector<392x72xbf16>
    %dot_general3A_195 = arith.constant dense<0.000000e+00> : vector<512x72xf32>
    %dot_general3A_196 = tpu.matmul %convert_element_type3A_191, %get3A_194, %dot_general3A_195 {dimension_numbers = #tpu.dot_dimension_numbers<[1], [0], [0], [1], [0, 0, 1, 1], [], []>, transpose_lhs_hint = false} : vector<512x392xbf16>, vector<392x72xbf16>, vector<512x72xf32> -> vector<512x72xf32>
    %iota3A_197 = tpu.iota {dimensions = array<i32: 1>} : vector<512x392xi32>
    %get3A_198 = arith.constant 11 : index
    %get3A_199 = arith.constant 0 : index
    %get3A_200 = arith.constant 0 : index
    %get3A_201 = arith.constant 0 : index
    %get3A_202 = vector.load %arg3[%get3A_198, %get3A_199, %get3A_200, %get3A_201] : memref<15x1x1x512xi16, #tpu.memory_space<vmem>>, vector<1x1x1x512xi16>
    %get3A_203 = vector.shape_cast %get3A_202 : vector<1x1x1x512xi16> to vector<512xi16>
    %convert_element_type3A_204 = arith.extsi %get3A_203 : vector<512xi16> to vector<512xi32>
    %broadcast_in_dim3A_205 = vector.shape_cast %convert_element_type3A_204 : vector<512xi32> to vector<512x1xi32>
    %eq3A_206 = vector.broadcast %broadcast_in_dim3A_205 : vector<512x1xi32> to vector<512x392xi32>
    %eq3A_207 = arith.cmpi eq, %iota3A_197, %eq3A_206 : vector<512x392xi32>
    %convert_element_type3A_208 = arith.extui %eq3A_207 : vector<512x392xi1> to vector<512x392xi32>
    %convert_element_type3A_209 = arith.sitofp %convert_element_type3A_208 : vector<512x392xi32> to vector<512x392xf32>
    %convert_element_type3A_210 = arith.truncf %convert_element_type3A_209 : vector<512x392xf32> to vector<512x392xbf16>
    %get3A_211 = arith.constant 0 : index
    %get3A_212 = arith.constant 0 : index
    %get3A_213 = vector.load %arg9[%get3A_211, %get3A_212] : memref<392x72xbf16, #tpu.memory_space<vmem>>, vector<392x72xbf16>
    %dot_general3A_214 = arith.constant dense<0.000000e+00> : vector<512x72xf32>
    %dot_general3A_215 = tpu.matmul %convert_element_type3A_210, %get3A_213, %dot_general3A_214 {dimension_numbers = #tpu.dot_dimension_numbers<[1], [0], [0], [1], [0, 0, 1, 1], [], []>, transpose_lhs_hint = false} : vector<512x392xbf16>, vector<392x72xbf16>, vector<512x72xf32> -> vector<512x72xf32>
    %iota3A_216 = tpu.iota {dimensions = array<i32: 1>} : vector<512x392xi32>
    %get3A_217 = arith.constant 12 : index
    %get3A_218 = arith.constant 0 : index
    %get3A_219 = arith.constant 0 : index
    %get3A_220 = arith.constant 0 : index
    %get3A_221 = vector.load %arg3[%get3A_217, %get3A_218, %get3A_219, %get3A_220] : memref<15x1x1x512xi16, #tpu.memory_space<vmem>>, vector<1x1x1x512xi16>
    %get3A_222 = vector.shape_cast %get3A_221 : vector<1x1x1x512xi16> to vector<512xi16>
    %convert_element_type3A_223 = arith.extsi %get3A_222 : vector<512xi16> to vector<512xi32>
    %broadcast_in_dim3A_224 = vector.shape_cast %convert_element_type3A_223 : vector<512xi32> to vector<512x1xi32>
    %eq3A_225 = vector.broadcast %broadcast_in_dim3A_224 : vector<512x1xi32> to vector<512x392xi32>
    %eq3A_226 = arith.cmpi eq, %iota3A_216, %eq3A_225 : vector<512x392xi32>
    %convert_element_type3A_227 = arith.extui %eq3A_226 : vector<512x392xi1> to vector<512x392xi32>
    %convert_element_type3A_228 = arith.sitofp %convert_element_type3A_227 : vector<512x392xi32> to vector<512x392xf32>
    %convert_element_type3A_229 = arith.truncf %convert_element_type3A_228 : vector<512x392xf32> to vector<512x392xbf16>
    %get3A_230 = arith.constant 0 : index
    %get3A_231 = arith.constant 0 : index
    %get3A_232 = vector.load %arg9[%get3A_230, %get3A_231] : memref<392x72xbf16, #tpu.memory_space<vmem>>, vector<392x72xbf16>
    %dot_general3A_233 = arith.constant dense<0.000000e+00> : vector<512x72xf32>
    %dot_general3A_234 = tpu.matmul %convert_element_type3A_229, %get3A_232, %dot_general3A_233 {dimension_numbers = #tpu.dot_dimension_numbers<[1], [0], [0], [1], [0, 0, 1, 1], [], []>, transpose_lhs_hint = false} : vector<512x392xbf16>, vector<392x72xbf16>, vector<512x72xf32> -> vector<512x72xf32>
    %iota3A_235 = tpu.iota {dimensions = array<i32: 1>} : vector<512x392xi32>
    %get3A_236 = arith.constant 13 : index
    %get3A_237 = arith.constant 0 : index
    %get3A_238 = arith.constant 0 : index
    %get3A_239 = arith.constant 0 : index
    %get3A_240 = vector.load %arg3[%get3A_236, %get3A_237, %get3A_238, %get3A_239] : memref<15x1x1x512xi16, #tpu.memory_space<vmem>>, vector<1x1x1x512xi16>
    %get3A_241 = vector.shape_cast %get3A_240 : vector<1x1x1x512xi16> to vector<512xi16>
    %convert_element_type3A_242 = arith.extsi %get3A_241 : vector<512xi16> to vector<512xi32>
    %broadcast_in_dim3A_243 = vector.shape_cast %convert_element_type3A_242 : vector<512xi32> to vector<512x1xi32>
    %eq3A_244 = vector.broadcast %broadcast_in_dim3A_243 : vector<512x1xi32> to vector<512x392xi32>
    %eq3A_245 = arith.cmpi eq, %iota3A_235, %eq3A_244 : vector<512x392xi32>
    %convert_element_type3A_246 = arith.extui %eq3A_245 : vector<512x392xi1> to vector<512x392xi32>
    %convert_element_type3A_247 = arith.sitofp %convert_element_type3A_246 : vector<512x392xi32> to vector<512x392xf32>
    %convert_element_type3A_248 = arith.truncf %convert_element_type3A_247 : vector<512x392xf32> to vector<512x392xbf16>
    %get3A_249 = arith.constant 0 : index
    %get3A_250 = arith.constant 0 : index
    %get3A_251 = vector.load %arg9[%get3A_249, %get3A_250] : memref<392x72xbf16, #tpu.memory_space<vmem>>, vector<392x72xbf16>
    %dot_general3A_252 = arith.constant dense<0.000000e+00> : vector<512x72xf32>
    %dot_general3A_253 = tpu.matmul %convert_element_type3A_248, %get3A_251, %dot_general3A_252 {dimension_numbers = #tpu.dot_dimension_numbers<[1], [0], [0], [1], [0, 0, 1, 1], [], []>, transpose_lhs_hint = false} : vector<512x392xbf16>, vector<392x72xbf16>, vector<512x72xf32> -> vector<512x72xf32>
    %iota3A_254 = tpu.iota {dimensions = array<i32: 1>} : vector<512x392xi32>
    %get3A_255 = arith.constant 14 : index
    %get3A_256 = arith.constant 0 : index
    %get3A_257 = arith.constant 0 : index
    %get3A_258 = arith.constant 0 : index
    %get3A_259 = vector.load %arg3[%get3A_255, %get3A_256, %get3A_257, %get3A_258] : memref<15x1x1x512xi16, #tpu.memory_space<vmem>>, vector<1x1x1x512xi16>
    %get3A_260 = vector.shape_cast %get3A_259 : vector<1x1x1x512xi16> to vector<512xi16>
    %convert_element_type3A_261 = arith.extsi %get3A_260 : vector<512xi16> to vector<512xi32>
    %broadcast_in_dim3A_262 = vector.shape_cast %convert_element_type3A_261 : vector<512xi32> to vector<512x1xi32>
    %eq3A_263 = vector.broadcast %broadcast_in_dim3A_262 : vector<512x1xi32> to vector<512x392xi32>
    %eq3A_264 = arith.cmpi eq, %iota3A_254, %eq3A_263 : vector<512x392xi32>
    %convert_element_type3A_265 = arith.extui %eq3A_264 : vector<512x392xi1> to vector<512x392xi32>
    %convert_element_type3A_266 = arith.sitofp %convert_element_type3A_265 : vector<512x392xi32> to vector<512x392xf32>
    %convert_element_type3A_267 = arith.truncf %convert_element_type3A_266 : vector<512x392xf32> to vector<512x392xbf16>
    %get3A_268 = arith.constant 0 : index
    %get3A_269 = arith.constant 0 : index
    %get3A_270 = vector.load %arg9[%get3A_268, %get3A_269] : memref<392x72xbf16, #tpu.memory_space<vmem>>, vector<392x72xbf16>
    %dot_general3A_271 = arith.constant dense<0.000000e+00> : vector<512x72xf32>
    %dot_general3A_272 = tpu.matmul %convert_element_type3A_267, %get3A_270, %dot_general3A_271 {dimension_numbers = #tpu.dot_dimension_numbers<[1], [0], [0], [1], [0, 0, 1, 1], [], []>, transpose_lhs_hint = false} : vector<512x392xbf16>, vector<392x72xbf16>, vector<512x72xf32> -> vector<512x72xf32>
    %concatenate3A_273 = tpu.concatenate %dot_general3A_101, %dot_general3A_139, %dot_general3A_158, %dot_general3A_177, %dot_general3A_196, %dot_general3A_120, %dot_general3A_215, %dot_general3A_234, %dot_general3A_253, %dot_general3A_272 in 1 : vector<512x96xf32>, vector<512x72xf32>, vector<512x72xf32>, vector<512x72xf32>, vector<512x72xf32>, vector<512x96xf32>, vector<512x72xf32>, vector<512x72xf32>, vector<512x72xf32>, vector<512x72xf32> -> vector<512x768xf32>
    %get3A_274 = arith.constant 0 : index
    %get3A_275 = arith.constant 0 : index
    %get3A_276 = vector.load %arg2[%get3A_274, %get3A_275] : memref<512x768xf32, #tpu.memory_space<vmem>>, vector<512x768xf32>
    %add3A_277 = arith.addf %get3A_276, %dot_general3A_82 : vector<512x768xf32>
    %add3A_278 = arith.addf %add3A_277, %concatenate3A_273 : vector<512x768xf32>
    %reduce_sum3A = arith.constant dense<0.000000e+00> : vector<512xf32>
    %reduce_sum3A_279 = vector.multi_reduction <add>, %add3A_278, %reduce_sum3A [1] : vector<512x768xf32> to vector<512xf32>
    %broadcast_in_dim3A_280 = vector.shape_cast %reduce_sum3A_279 : vector<512xf32> to vector<512x1xf32>
    %div3A = arith.constant 7.680000e+02 : f32
    %div3A_281 = vector.broadcast %div3A : f32 to vector<512x1xf32>
    %div3A_282 = arith.divf %broadcast_in_dim3A_280, %div3A_281 : vector<512x1xf32>
    %sub3A = vector.broadcast %div3A_282 : vector<512x1xf32> to vector<512x768xf32>
    %sub3A_283 = arith.subf %add3A_278, %sub3A : vector<512x768xf32>
    %mul3A = arith.mulf %sub3A_283, %sub3A_283 : vector<512x768xf32>
    %reduce_sum3A_284 = arith.constant dense<0.000000e+00> : vector<512xf32>
    %reduce_sum3A_285 = vector.multi_reduction <add>, %mul3A, %reduce_sum3A_284 [1] : vector<512x768xf32> to vector<512xf32>
    %broadcast_in_dim3A_286 = vector.shape_cast %reduce_sum3A_285 : vector<512xf32> to vector<512x1xf32>
    %div3A_287 = arith.constant 7.680000e+02 : f32
    %div3A_288 = vector.broadcast %div3A_287 : f32 to vector<512x1xf32>
    %div3A_289 = arith.divf %broadcast_in_dim3A_286, %div3A_288 : vector<512x1xf32>
    %add3A_290 = arith.constant 9.99999996E-13 : f32
    %add3A_291 = vector.broadcast %add3A_290 : f32 to vector<512x1xf32>
    %add3A_292 = arith.addf %div3A_289, %add3A_291 : vector<512x1xf32>
    %rsqrt3A = math.rsqrt %add3A_292 : vector<512x1xf32>
    %mul3A_293 = vector.broadcast %rsqrt3A : vector<512x1xf32> to vector<512x768xf32>
    %mul3A_294 = arith.mulf %sub3A_283, %mul3A_293 : vector<512x768xf32>
    %get3A_295 = arith.constant 0 : index
    %get3A_296 = arith.constant 0 : index
    %get3A_297 = vector.load %arg10[%get3A_295, %get3A_296] : memref<1x768xf32, #tpu.memory_space<vmem>>, vector<1x768xf32>
    %mul3A_298 = vector.broadcast %get3A_297 : vector<1x768xf32> to vector<512x768xf32>
    %mul3A_299 = arith.mulf %mul3A_294, %mul3A_298 : vector<512x768xf32>
    %get3A_300 = arith.constant 0 : index
    %get3A_301 = arith.constant 0 : index
    %get3A_302 = vector.load %arg11[%get3A_300, %get3A_301] : memref<1x768xf32, #tpu.memory_space<vmem>>, vector<1x768xf32>
    %add3A_303 = vector.broadcast %get3A_302 : vector<1x768xf32> to vector<512x768xf32>
    %add3A_304 = arith.addf %mul3A_299, %add3A_303 : vector<512x768xf32>
    %swap3A = arith.constant 0 : index
    %swap3A_305 = arith.constant 0 : index
    %swap3A_306 = vector.load %arg12[%swap3A, %swap3A_305] : memref<512x768xf32, #tpu.memory_space<vmem>>, vector<512x768xf32>
    tpu.vector_store %arg12[%swap3A, %swap3A_305], %add3A_304 {strides = array<i32>} : memref<512x768xf32, #tpu.memory_space<vmem>>, vector<512x768xf32>,
    return
  }
  func.func @transform_1(%arg0: i32) -> (i32, i32) {
    %c0_i32 = arith.constant 0 : i32
    %c0_i32_0 = arith.constant 0 : i32
    return %arg0, %c0_i32 : i32, i32
  }
  func.func @transform_2(%arg0: i32) -> (i32, i32, i32, i32) {
    %add3A = arith.constant 26 : i32
    %add3A_0 = arith.addi %arg0, %add3A : i32
    %c0_i32 = arith.constant 0 : i32
    %c0_i32_1 = arith.constant 0 : i32
    %c0_i32_2 = arith.constant 0 : i32
    %c0_i32_3 = arith.constant 0 : i32
    return %c0_i32, %add3A_0, %c0_i32_1, %c0_i32_2 : i32, i32, i32, i32
  }
  func.func @transform_3(%arg0: i32) -> (i32, i32) {
    %add3A = arith.constant 26 : i32
    %add3A_0 = arith.addi %arg0, %add3A : i32
    %c0_i32 = arith.constant 0 : i32
    %c0_i32_1 = arith.constant 0 : i32
    return %add3A_0, %c0_i32 : i32, i32
  }
  func.func @transform_4(%arg0: i32) -> (i32, i32) {
    %c0_i32 = arith.constant 0 : i32
    %c0_i32_0 = arith.constant 0 : i32
    %c0_i32_1 = arith.constant 0 : i32
    return %c0_i32, %c0_i32_0 : i32, i32
  }
  func.func @transform_5(%arg0: i32) -> (i32, i32) {
    %c0_i32 = arith.constant 0 : i32
    %c0_i32_0 = arith.constant 0 : i32
    %c0_i32_1 = arith.constant 0 : i32
    return %c0_i32, %c0_i32_0 : i32, i32
  }
  func.func @transform_6(%arg0: i32) -> (i32, i32) {
    %c0_i32 = arith.constant 0 : i32
    %c0_i32_0 = arith.constant 0 : i32
    %c0_i32_1 = arith.constant 0 : i32
    return %c0_i32, %c0_i32_0 : i32, i32
  }
  func.func @transform_7(%arg0: i32) -> (i32, i32) {
    %c0_i32 = arith.constant 0 : i32
    %c0_i32_0 = arith.constant 0 : i32
    %c0_i32_1 = arith.constant 0 : i32
    return %c0_i32, %c0_i32_0 : i32, i32
  }
  func.func @transform_8(%arg0: i32) -> (i32, i32) {
    %c0_i32 = arith.constant 0 : i32
    %c0_i32_0 = arith.constant 0 : i32
    %c0_i32_1 = arith.constant 0 : i32
    return %c0_i32, %c0_i32_0 : i32, i32
  }
  func.func @transform_9(%arg0: i32) -> (i32, i32) {
    %c0_i32 = arith.constant 0 : i32
    %c0_i32_0 = arith.constant 0 : i32
    %c0_i32_1 = arith.constant 0 : i32
    return %c0_i32, %c0_i32_0 : i32, i32
  }
  func.func @transform_10(%arg0: i32) -> (i32, i32) {
    %c0_i32 = arith.constant 0 : i32
    %c0_i32_0 = arith.constant 0 : i32
    %c0_i32_1 = arith.constant 0 : i32
    return %c0_i32, %c0_i32_0 : i32, i32
  }
  func.func @transform_11(%arg0: i32) -> (i32, i32) {
    %add3A = arith.constant 26 : i32
    %add3A_0 = arith.addi %arg0, %add3A : i32
    %c0_i32 = arith.constant 0 : i32
    %c0_i32_1 = arith.constant 0 : i32
    return %add3A_0, %c0_i32 : i32, i32
  }
}

</mosaic_0001>

<sc_bundles>
// kernel: kernel.11.cloned.1.call-start
scs
__scs_entry_jumppad:
0x0: {  	(pc) =	sbr.rel $0x88, $3  }
0x1: {  	(tag) =	ssettag $0x0;
	lr =	simm.s32 $0x1  }
0x2: {  	[smem:$0x3F89] =	sst lr;
	_ =	strace $0xD0000000  }
0x3: {  	_ = 	snop  }
0x4: {  	_ = 	snop  }
0x5: {  	_ = 	snop  }
0x6: {  	_ = 	snop  }
0x7: {  	_ = 	snop  }
__scs_overlays_trampoline_lowered:
0x8: {  	[smem:$0x3F98] =	sst s0  }
0x9: {  	[smem:$0x3F99] =	sst s1  }
0xa: {  	[smem:$0x3F9A] =	sst s2  }
0xb: {  	[smem:$0x3F9B] =	sst s3  }
0xc: {  	[smem:$0x3F9C] =	sst s4  }
0xd: {  	[smem:$0x3F9D] =	sst s5  }
0xe: {  	[smem:$0x3F9E] =	sst s6  }
0xf: {  	[smem:$0x3F9F] =	sst s7  }
0x10: {  	[smem:$0x3FA0] =	sst s8  }
0x11: {  	[smem:$0x3FA1] =	sst s9;
	s0 =	simm.s32 @!p0 $0x0  }
0x12: {  	s1 =	sld [smem:$0x3F87];
	s0 =	simm.s32 @p0 $0x1  }
0x13: {  	[smem:$0x3FA2] =	sst s0;
	s0 =	simm.s32 @!p1 $0x0  }
0x14: {  	s2 =	sld [smem:$0x3F86];
	s0 =	simm.s32 @p1 $0x1  }
0x15: {  	[smem:$0x3FA3] =	sst s0;
	s0 =	simm.s32 @!p2 $0x0  }
0x16: {  	s3 =	sld [smem:$0x3FDB];
	s0 =	simm.s32 @p2 $0x1  }
0x17: {  	s4 =	simm.s32 $0x1BF5;
	[smem:$0x3FA5] =	sst s0  }
0x18: {  	s0 =	sld [smem:$0x3F88];
	_ =	swait.ge [sflag:s4], $0x0  }
0x19: {  	s7 =	sld [smem:$0x3F89]  }
0x1a: {  	s8 =	sadd.s32 $0xFFFFE003, lr  }
0x1b: {  	s9 =	sadd.s32 $0xFFFFFEF7, lr;
	s5 =	simm.s32 $0xFFFFFFFF;
	p2 =	slt.u32 s8, $0xFFFFF086  }
0x1c: {  	p1 =	slt.u32 s9, $0xF7A;
	s5 =	simm.s32 @!p2 $0x0  }
0x1d: {  	s5 =	simm.s32 @p1 $0x1;
	p0 =	seq.s32 s7, s2  }
0x1e: {  	s7 =	smul.u32 @!p0 $0xF7A, s2;
	p2 =	seq.s32 @!p0 s5, $0x0  }
0x1f: {  	s9 =	smul.u32 $0xF7A, s1;
	s8 =	simm.s32 @!p0 $0x1BF5;
	p2 =	por !p2, p0  }
0x20: {  	[sflag:s8] =	ssyncset.s32 @!p0 $0xFFFFF086;
	s6 =	sadd.s32 @!p0 s3, s7;
	s7 =	simm.s32 @!p0 $0x108  }
0x21: {  	s3 =	sadd.s32 s3, s9;
	s6 =	sadd.s32 @!p0 $0x88, s6;
	s7 =	simm.s32 @p2 $0x1082  }
0x22: {  	[simem:s7], [sflag:s8] =	dma.local @!p0 [hbm:s6], $0xF7A  }
0x23: {  	s9 =	sor.u32 $0xD0000000, s2;
	s6 =	simm.s32 $0x108;
	_ =	swait.ge @!p0 [sflag:s8], $0x0  }
0x24: {  	s3 =	sadd.s32 $0x88, s3;
	s6 =	simm.s32 @!p1 $0x1082;
	[sflag:s4] =	ssyncset.s32 $0xFFFFF086  }
0x25: {  	[simem:s6], [sflag:s4] =	dma.local [hbm:s3], $0xF7A  }
0x26: {  	[smem:$0x3F89] =	sst s1;
	(tag) =	ssettag s2;
	_ =	strace s9  }
0x27: {  	s1 =	sld [smem:$0x3F99]  }
0x28: {  	s2 =	sld [smem:$0x3F9A]  }
0x29: {  	s4 =	sld [smem:$0x3F9C]  }
0x2a: {  	p0 =	seq.s32 s5, $0x0;
	s5 =	sld [smem:$0x3F9D]  }
0x2b: {  	s6 =	sld [smem:$0x3F9E]  }
0x2c: {  	s7 =	sld [smem:$0x3F9F]  }
0x2d: {  	s3 =	simm.s32 $0x108;
	s8 =	sld [smem:$0x3FA0]  }
0x2e: {  	s3 =	simm.s32 @!p0 $0x1082;
	s9 =	sld [smem:$0x3FA1]  }
0x2f: {  	lr =	sadd.s32 s0, s3;
	s0 =	sld [smem:$0x3F98]  }
0x30: {  	s3 =	sld [smem:$0x3F9B]  }
0x31: {  	[smem:$0x3FA4] =	sst s10  }
0x32: {  	s10 =	sld [smem:$0x3FA2];
	_ =	sdelay $0x3  }
0x33: {  	p0 =	seq.s32 s10, $0x1;
	s10 =	sld [smem:$0x3FA4];
	_ =	sdelay $0x3  }
0x34: {  	[smem:$0x3FA4] =	sst s10  }
0x35: {  	s10 =	sld [smem:$0x3FA3];
	_ =	sdelay $0x3  }
0x36: {  	p1 =	seq.s32 s10, $0x1;
	s10 =	sld [smem:$0x3FA4];
	_ =	sdelay $0x3  }
0x37: {  	[smem:$0x3FA4] =	sst s10  }
0x38: {  	s10 =	sld [smem:$0x3FA5]  }
0x39: {  	_ = 	snop;
	(pc) =	sbr.ind lr, $3  }
0x3a: {  	_ = 	snop  }
0x3b: {  	_ = 	snop  }
0x3c: {  	p2 =	seq.s32 s10, $0x1;
	s10 =	sld [smem:$0x3FA4]  }
0x3d: {  	_ =	shalt  }
0x3e: {  	_ =	shalt  }
0x3f: {  	_ =	shalt  }
0x40: {  	_ =	shalt  }
0x41: {  	_ =	shalt  }
0x42: {  	_ =	shalt  }
0x43: {  	_ =	shalt  }
0x44: {  	_ =	shalt  }
0x45: {  	_ =	shalt  }
0x46: {  	_ =	shalt  }
0x47: {  	_ =	shalt  }
0x48: {  	_ =	shalt  }
0x49: {  	_ =	shalt  }
0x4a: {  	_ =	shalt  }
0x4b: {  	_ =	shalt  }
0x4c: {  	_ =	shalt  }
0x4d: {  	_ =	shalt  }
0x4e: {  	_ =	shalt  }
0x4f: {  	_ =	shalt  }
0x50: {  	_ =	shalt  }
0x51: {  	_ =	shalt  }
0x52: {  	_ =	shalt  }
0x53: {  	_ =	shalt  }
0x54: {  	_ =	shalt  }
0x55: {  	_ =	shalt  }
0x56: {  	_ =	shalt  }
0x57: {  	_ =	shalt  }
0x58: {  	_ =	shalt  }
0x59: {  	_ =	shalt  }
0x5a: {  	_ =	shalt  }
0x5b: {  	_ =	shalt  }
0x5c: {  	_ =	shalt  }
0x5d: {  	_ =	shalt  }
0x5e: {  	_ =	shalt  }
0x5f: {  	_ =	shalt  }
0x60: {  	_ =	shalt  }
0x61: {  	_ =	shalt  }
0x62: {  	_ =	shalt  }
0x63: {  	_ =	shalt  }
0x64: {  	_ =	shalt  }
0x65: {  	_ =	shalt  }
0x66: {  	_ =	shalt  }
0x67: {  	_ =	shalt  }
0x68: {  	_ =	shalt  }
0x69: {  	_ =	shalt  }
0x6a: {  	_ =	shalt  }
0x6b: {  	_ =	shalt  }
0x6c: {  	_ =	shalt  }
0x6d: {  	_ =	shalt  }
0x6e: {  	_ =	shalt  }
0x6f: {  	_ =	shalt  }
0x70: {  	_ =	shalt  }
0x71: {  	_ =	shalt  }
0x72: {  	_ =	shalt  }
0x73: {  	_ =	shalt  }
0x74: {  	_ =	shalt  }
0x75: {  	_ =	shalt  }
0x76: {  	_ =	shalt  }
0x77: {  	_ =	shalt  }
0x78: {  	_ =	shalt  }
0x79: {  	_ =	shalt  }
0x7a: {  	_ =	shalt  }
0x7b: {  	_ =	shalt  }
0x7c: {  	_ =	shalt  }
0x7d: {  	_ =	shalt  }
0x7e: {  	_ =	shalt  }
0x7f: {  	_ =	shalt  }
0x80: {  	_ =	shalt  }
0x81: {  	_ =	shalt  }
0x82: {  	_ =	shalt  }
0x83: {  	_ =	shalt  }
0x84: {  	_ =	shalt  }
0x85: {  	_ =	shalt  }
0x86: {  	_ =	shalt  }
0x87: {  	_ =	shalt  }
.Lfunc_end0:
.L_simem_size_0:
called_computation.1_lowered:
.L_overlay_start_0:
0x88: {  	s2 =	sld [smem:$0x3FD9]  }
0x89: {  	s3 =	sld [smem:$0x3FFE];
	_ =	sdelay $0x1  }
0x8a: {  	s1 =	srdreg.scid  }
0x8b: {  	s0 =	sand.u32 $0x1, s1  }
0x8c: {  	s17 =	sshll.u32 s0, $0xA;
	s2 =	sadd.s32 s3, s2  }
0x8d: {  	s2 =	sadd.s32 s2, s17  }
0x8e: {  	[smem:$0x3FB0] =	sst s2  }
0x8f: {  	_ = 	snop  }
0x90: {  	s18 =	sld [smem:$0x3FBE];
	(tm) =	ssettm $0x1  }
0x91: {  	s19 =	sld [smem:$0x3FFB];
	_ =	sdelay $0x3  }
0x92: {  	_ =	strace s19  }
0x93: {  	s2 =	sld [smem:$0x3FFC];
	_ =	sdelay $0x3  }
0x94: {  	_ =	strace s2  }
0x95: {  	s2 =	sld [smem:$0x3FFD];
	_ =	sdelay $0x3  }
0x96: {  	_ =	strace s2  }
0x97: {  	_ =	strace $0x8FFFFFFF  }
0x98: {  	s20 =	sld [smem:$0x3FDB];
	_ =	sdelay $0x1  }
0x99: {  	s4 =	simm.s32 $_scs_section_size  }
0x9a: {  	s5 =	simm.s32 $_size__tile_overlayer_lowered;
	s6 =	simm.s32 $_tile_overlayer_lowered  }
0x9b: {  	s7 =	simm.s32 $0x1BFF;
	s21 =	sshll.u32 s6, $0x1;
	s4 =	sadd.s32 s4, s20  }
0x9c: {  	s22 =	simm.s32 $0x0;
	s5 =	sshll.u32 s5, $0x1;
	s6 =	sadd.s32 s21, s4  }
0x9d: {  	[timem:s22], [sflag:s7] =	dma.local [hbm:s6], s5  }
0x9e: {  	_ =	swait.ge [sflag:s7], s5  }
0x9f: {  	s5 =	ssub.s32 $0x0, s5;
	[sflag:s7] =	ssyncset.done $0x0  }
0xa0: {  	[sflag:s7] =	ssyncadd.s32 s5;
	_ =	sdelay $0x1  }
0xa1: {  	s23 =	simm.s32 $0x1B8B  }
0xa2: {  	_ =	swait.ge [sflag:s23], $0x1  }
0xa3: {  	[sflag:s23] =	ssyncset.done $0x0  }
0xa4: {  	[sflag:s23] =	ssyncadd.s32 $0xFFFFFFFF  }
0xa5: {  	s5 =	sld [smem:$0x0]  }
0xa6: {  	s6 =	sand.u32 $0xFFFFFFFE, s1  }
0xa7: {  	p0 =	sne.s32 s1, s6  }
0xa8: {  	s6 =	sshll.u32 @p0 s6, $0xE  }
0xa9: {  	s6 =	sadd.s32 @p0 $0x11B8D, s6;
	s7 =	sshll.u32 @p0 s5, $0x11  }
0xaa: {  	s6 =	sor.u32 @p0 s7, s6  }
0xab: {  	[sflag:s6] =	ssyncadd.remote.s32 @p0 $0x1;
	_ =	sdelay $0x1  }
0xac: {  	s6 =	simm.s32 @p0 $0x1B8D  }
0xad: {  	_ =	swait.eq @p0 [sflag:s6], $0x1  }
0xae: {  	[sflag:s6] =	ssyncadd.s32 @p0 $0xFFFFFFFF  }
0xaf: {  	s7 =	sshll.u32 @!p0 s1, $0xE  }
0xb0: {  	s7 =	sor.u32 @!p0 $0x4000, s7;
	s6 =	simm.s32 @!p0 $0x1B8D  }
0xb1: {  	s5 =	sshll.u32 @!p0 s5, $0x11;
	s7 =	sadd.s32 @!p0 $0x11B8D, s7;
	_ =	swait.eq @!p0 [sflag:s6], $0x1  }
0xb2: {  	s5 =	sor.u32 @!p0 s5, s7;
	[sflag:s6] =	ssyncadd.s32 @!p0 $0xFFFFFFFF  }
0xb3: {  	s25 =	simm.s32 $0x1B8E;
	s24 =	sld [smem:$0x3FFE];
	[sflag:s5] =	ssyncadd.remote.s32 @!p0 $0x1  }
0xb4: {  	s26 =	simm.s32 $execute0_lowered;
	[smem:$0x3FD2] =	sst s25  }
0xb5: {  	s6 =	sshll.u32 s26, $0x1;
	_ =	strace $0x80000049;
	[dreg:$0x1] =	wrdreg $0xFFFFFFFF  }
0xb6: {  	s28 =	simm.s32 $_size_execute0_lowered;
	s4 =	sadd.s32 s4, s6;
	[dreg:$0x0] =	wrdreg $0x0  }
0xb7: {  	s6 =	sshll.u32 s28, $0x1;
	[dreg:$0x2] =	wrdreg s4  }
0xb8: {  	[dreg:$0x3] =	wrdreg s6  }
0xb9: {  	[dreg:$0x4] =	wrdreg $0xC0  }
0xba: {  	_ =	task [dreg:s22], $0x5FFFF  }
0xbb: {  	[dreg:$0x1] =	wrdreg $0xFFFFFFFF  }
0xbc: {  	[dreg:$0x0] =	wrdreg $0x60  }
0xbd: {  	[dreg:$0x2] =	wrdreg s18  }
0xbe: {  	[dreg:$0x3] =	wrdreg s24  }
0xbf: {  	[dreg:$0x4] =	wrdreg $0xA  }
0xc0: {  	_ =	task.clear_ibuf [dreg:s22], $0x5FFFF;
	_ =	strace $0x90000049  }
0xc1: {  	s29 =	simm.s32 $0xA;
	_ =	strace $0x8000004B  }
0xc2: {  	_ =	swait.ge [sflag:s29], $0x1  }
0xc3: {  	[sflag:s29] =	ssyncadd.s32 $0xFFFFFFFF  }
0xc4: {  	_ =	strace $0x9000004B  }
0xc5: {  	_ =	sfence  }
0xc6: {  	s30 =	sld [smem:$0x0];
	_ =	sdelay $0x2  }
0xc7: {  	s31 =	sshll.u32 s1, $0xD;
	s1 =	sshrl.u32 s1, $0x2  }
0xc8: {  	s4 =	sand.u32 $0x4000, s31;
	s1 =	sadd.s32 s1, s30  }
0xc9: {  	s0 =	sor.u32 s4, s0;
	s1 =	sshll.u32 s1, $0x11  }
0xca: {  	s0 =	sor.u32 s1, s0  }
0xcb: {  	s0 =	sadd.s32 $0x8F2B, s0  }
0xcc: {  	[sflag:s0] =	ssyncadd.remote.s32 $0x1  }
0xcd: {  	_ =	sfence.sel $0xFFFF  }
0xce: {  	[dreg:$0x0] =	wrdreg $0xFFFFFFFF;
	(pc) =	sbr.abs _section_cstart, $3  }
0xcf: {  	[dreg:$0x1] =	wrdreg $0xFFFFFFFF  }
0xd0: {  	_ =	task.clear_ibuf [dreg:s22], $0x2FFFF;
	_ =	strace $0x9FFFFFFF  }
0xd1: {  	(tm) =	ssettm $0x7FFFFFFF  }
tec
execute0_lowered:
.L_overlay_start_1:
0x0: {  	(tag) =	ssettag $0x1  }
0x1: {  	s0 =	srdreg.scid;
	s2 =	rddreg [dreg:$0x0]  }
0x2: {  	s1 =	stileid.u32;
	s4 =	rddreg [dreg:$0x1]  }
0x3: {  	s15 =	simm.s32 $0x900;
	s16 =	simm.s32 $0x1100;
	s17 =	simm.s32 $0x1900  }
0x4: {  	s18 =	simm.s32 $0x2100;
	s19 =	simm.s32 $0x2900;
	s20 =	simm.s32 $0x3100  }
0x5: {  	s21 =	simm.s32 $0x3900;
	s28 =	simm.s32 $0x6900;
	s29 =	simm.s32 $0x7100  }
0x6: {  	s30 =	simm.s32 $0x7900;
	s31 =	simm.s32 $0x8100;
	s9 =	simm.s32 $0xA100  }
0x7: {  	s10 =	simm.s32 $0xB100;
	s11 =	simm.s32 $0xB900;
	s0 =	sand.u32 $0x1, s0  }
0x8: {  	s12 =	simm.s32 $0xC100;
	s1 =	sshll.u32 s1, $0x9;
	s3 =	sshll.u32 s0, $0x8  }
0x9: {  	s13 =	simm.s32 $0x1;
	s7 =	sadd.s32 $0x7CA00, s4;
	s1 =	sor.u32 s3, s1  }
0xa: {  	s0 =	ssub.s32 $0x2, s0;
	s3 =	simm.s32 $0x0;
	s1 =	sshrl.u32 s1, $0x3  }
0xb: {  	s24 =	sshrl.u32 s0, $0x1;
	[smem:$0x7FF] =	sst s3;
	s5 =	smul.u32 $0x300, s1  }
0xc: {  	s0 =	ssub.s32 s0, s24;
	s6 =	smul.u32 $0x1800, s1;
	s1 =	sadd.s32 s4, s1  }
0xd: {  	s24 =	simm.s32 $0x5100;
	_ =	strace $0x8000004A;
	s1 =	sadd.s32 $0x3E80, s1  }
0xe: {  	s8 =	smax.u32 s0, $0x1;
	s5 =	sadd.s32 s7, s5;
	[dreg:$0x3] =	wrdreg s1  }
0xf: {  	s22 =	sshrl.u32 s6, $0x3;
	s6 =	sadd.s32 $0x200, s2;
	[dreg:$0x7] =	wrdreg s5  }
0x10: {  	s23 =	sadd.s32 $0x1800, s5;
	s4 =	sadd.s32 s7, s22;
	s5 =	sadd.s32 $0x100, s2  }
0x11: {  	v2 =	vlaneseq.u32;
	s22 =	simm.s32 $0x4100;
	[dreg:$0x4] =	wrdreg s23;
	s25 =	sadd.s32 $0x3000, s4  }
0x12: {  	vm0 =	vmmov $0xffff;
	v1 =	vshrl.u32 v2, $0x3;
	s26 =	sadd.s32 $0x4800, s4;
	s23 =	simm.s32 $0x4900;
	[dreg:$0x5] =	wrdreg s25  }
0x13: {  	v0 =	vand.u32 $0x7, v2;
	v2 =	vor.u32 $0x8, v2;
	v1 =	vmul.u32 $0x8, v1;
	[dreg:$0x6] =	wrdreg s26;
	s25 =	simm.s32 $0x5900;
	s26 =	simm.s32 $0x6100  }
.LBB2_1:
0x14: {  	s14 =	rddreg [dreg:$0x3];
	s0 =	simm.s32 $0x5  }
0x15: {  	[tilespmem:s3], [sflag:$0x5] =	stream.linear.gather [hbm4b:s14+s3], $0x100, $0x38;
	[tilespmem:$0x18100] =	vst v63  }
0x16: {  	_ =	swait.ge [sflag:s0], $0x100  }
0x17: {  	[sflag:s0] =	ssyncset.done $0x0  }
0x18: {  	[sflag:s0] =	ssyncadd.s32 $0xFFFFFF00  }
0x19: {  	v3 =	vld [tilespmem:$0x0];
	_ =	sdelay $0x4  }
0x1a: {  	v4 =	vshrl.u32 v3, $0x3  }
0x1b: {  	v4 =	vmul.u32 $0x30, v4  }
0x1c: {  	v3 =	vand.u32 $0x7, v3  }
0x1d: {  	v3 =	vor.u32 v3, v4  }
0x1e: {  	v4 =	vperm.xlane v3, v0;
	_ =	sdelay $0x1  }
0x1f: {  	v4 =	vadd.s32 v1, v4;
	_ =	sdelay $0x3  }
0x20: {  	s1 =	simm.s32 $0x100;
	v3 =	vperm.xlane v3, v2  }
0x21: {  	[tilespmem:s1], [sflag:$0x1] =	stream.indirect_vreg.gather [hbm4b:s2+s3], $0x80, v4, vm0, $0xb8;
	[tilespmem:$0x18100] =	vst v63  }
0x22: {  	v3 =	vadd.s32 v1, v3  }
0x23: {  	[tilespmem:s15], [sflag:$0x1] =	stream.indirect_vreg.gather [hbm4b:s5+s3], $0x80, v4, vm0, $0xb8;
	[tilespmem:$0x18100] =	vst v63  }
0x24: {  	_ = 	snop  }
0x25: {  	[tilespmem:s16], [sflag:$0x1] =	stream.indirect_vreg.gather [hbm4b:s6+s3], $0x80, v4, vm0, $0xb8;
	[tilespmem:$0x18100] =	vst v63  }
0x26: {  	_ = 	snop  }
0x27: {  	[tilespmem:s17], [sflag:$0x1] =	stream.indirect_vreg.gather [hbm4b:s2+s3], $0x80, v3, vm0, $0xb8;
	[tilespmem:$0x18100] =	vst v63  }
0x28: {  	_ = 	snop  }
0x29: {  	[tilespmem:s18], [sflag:$0x1] =	stream.indirect_vreg.gather [hbm4b:s5+s3], $0x80, v3, vm0, $0xb8;
	[tilespmem:$0x18100] =	vst v63  }
0x2a: {  	_ = 	snop  }
0x2b: {  	[tilespmem:s19], [sflag:$0x1] =	stream.indirect_vreg.gather [hbm4b:s6+s3], $0x80, v3, vm0, $0xb8;
	[tilespmem:$0x18100] =	vst v63  }
0x2c: {  	v3 =	vld [tilespmem:$0x10];
	_ =	sdelay $0x4  }
0x2d: {  	v49 =	vshrl.u32 v3, $0x3  }
0x2e: {  	v4 =	vmul.u32 $0x30, v49  }
0x2f: {  	v3 =	vand.u32 $0x7, v3  }
0x30: {  	v3 =	vor.u32 v3, v4  }
0x31: {  	v4 =	vperm.xlane v3, v0;
	_ =	sdelay $0x1  }
0x32: {  	v4 =	vadd.s32 v1, v4;
	_ =	sdelay $0x3  }
0x33: {  	v3 =	vperm.xlane v3, v2  }
0x34: {  	[tilespmem:s20], [sflag:$0x1] =	stream.indirect_vreg.gather [hbm4b:s2+s3], $0x80, v4, vm0, $0xb8;
	[tilespmem:$0x18100] =	vst v63  }
0x35: {  	v3 =	vadd.s32 v1, v3  }
0x36: {  	[tilespmem:s21], [sflag:$0x1] =	stream.indirect_vreg.gather [hbm4b:s5+s3], $0x80, v4, vm0, $0xb8;
	[tilespmem:$0x18100] =	vst v63  }
0x37: {  	_ = 	snop  }
0x38: {  	[tilespmem:s22], [sflag:$0x1] =	stream.indirect_vreg.gather [hbm4b:s6+s3], $0x80, v4, vm0, $0xb8;
	[tilespmem:$0x18100] =	vst v63  }
0x39: {  	_ = 	snop  }
0x3a: {  	[tilespmem:s23], [sflag:$0x1] =	stream.indirect_vreg.gather [hbm4b:s2+s3], $0x80, v3, vm0, $0xb8;
	[tilespmem:$0x18100] =	vst v63  }
0x3b: {  	_ = 	snop  }
0x3c: {  	[tilespmem:s24], [sflag:$0x1] =	stream.indirect_vreg.gather [hbm4b:s5+s3], $0x80, v3, vm0, $0xb8;
	[tilespmem:$0x18100] =	vst v63  }
0x3d: {  	_ = 	snop  }
0x3e: {  	[tilespmem:s25], [sflag:$0x1] =	stream.indirect_vreg.gather [hbm4b:s6+s3], $0x80, v3, vm0, $0xb8;
	[tilespmem:$0x18100] =	vst v63  }
0x3f: {  	v3 =	vld [tilespmem:$0x20];
	_ =	sdelay $0x4  }
0x40: {  	v50 =	vshrl.u32 v3, $0x3  }
0x41: {  	v4 =	vmul.u32 $0x30, v50  }
0x42: {  	v3 =	vand.u32 $0x7, v3  }
0x43: {  	v3 =	vor.u32 v3, v4  }
0x44: {  	v4 =	vperm.xlane v3, v0;
	_ =	sdelay $0x1  }
0x45: {  	v4 =	vadd.s32 v1, v4;
	_ =	sdelay $0x3  }
0x46: {  	v3 =	vperm.xlane v3, v2  }
0x47: {  	[tilespmem:s26], [sflag:$0x1] =	stream.indirect_vreg.gather [hbm4b:s2+s3], $0x80, v4, vm0, $0xb8;
	[tilespmem:$0x18100] =	vst v63  }
0x48: {  	v3 =	vadd.s32 v1, v3  }
0x49: {  	[tilespmem:s28], [sflag:$0x1] =	stream.indirect_vreg.gather [hbm4b:s5+s3], $0x80, v4, vm0, $0xb8;
	[tilespmem:$0x18100] =	vst v63  }
0x4a: {  	_ = 	snop  }
0x4b: {  	[tilespmem:s29], [sflag:$0x1] =	stream.indirect_vreg.gather [hbm4b:s6+s3], $0x80, v4, vm0, $0xb8;
	[tilespmem:$0x18100] =	vst v63  }
0x4c: {  	_ = 	snop  }
0x4d: {  	[tilespmem:s30], [sflag:$0x1] =	stream.indirect_vreg.gather [hbm4b:s2+s3], $0x80, v3, vm0, $0xb8;
	[tilespmem:$0x18100] =	vst v63  }
0x4e: {  	_ = 	snop  }
0x4f: {  	[tilespmem:s31], [sflag:$0x1] =	stream.indirect_vreg.gather [hbm4b:s5+s3], $0x80, v3, vm0, $0xb8;
	[tilespmem:$0x18100] =	vst v63  }
0x50: {  	s1 =	simm.s32 $0x8900  }
0x51: {  	[tilespmem:s1], [sflag:$0x1] =	stream.indirect_vreg.gather [hbm4b:s6+s3], $0x80, v3, vm0, $0xb8;
	[tilespmem:$0x18100] =	vst v63  }
0x52: {  	v3 =	vld [tilespmem:$0x30];
	_ =	sdelay $0x4  }
0x53: {  	v51 =	vshrl.u32 v3, $0x3  }
0x54: {  	v4 =	vmul.u32 $0x30, v51  }
0x55: {  	v3 =	vand.u32 $0x7, v3  }
0x56: {  	v3 =	vor.u32 v3, v4  }
0x57: {  	v4 =	vperm.xlane v3, v0;
	_ =	sdelay $0x1  }
0x58: {  	v4 =	vadd.s32 v1, v4;
	_ =	sdelay $0x3  }
0x59: {  	s4 =	simm.s32 $0x9100;
	v3 =	vperm.xlane v3, v2  }
0x5a: {  	[tilespmem:s4], [sflag:$0x1] =	stream.indirect_vreg.gather [hbm4b:s2+s3], $0x80, v4, vm0, $0xb8;
	[tilespmem:$0x18100] =	vst v63  }
0x5b: {  	s7 =	simm.s32 $0x9900;
	v3 =	vadd.s32 v1, v3  }
0x5c: {  	[tilespmem:s7], [sflag:$0x1] =	stream.indirect_vreg.gather [hbm4b:s5+s3], $0x80, v4, vm0, $0xb8;
	[tilespmem:$0x18100] =	vst v63  }
0x5d: {  	_ = 	snop  }
0x5e: {  	[tilespmem:s9], [sflag:$0x1] =	stream.indirect_vreg.gather [hbm4b:s6+s3], $0x80, v4, vm0, $0xb8;
	[tilespmem:$0x18100] =	vst v63  }
0x5f: {  	s4 =	simm.s32 $0xA900  }
0x60: {  	[tilespmem:s4], [sflag:$0x1] =	stream.indirect_vreg.gather [hbm4b:s2+s3], $0x80, v3, vm0, $0xb8;
	[tilespmem:$0x18100] =	vst v63  }
0x61: {  	_ = 	snop  }
0x62: {  	[tilespmem:s10], [sflag:$0x1] =	stream.indirect_vreg.gather [hbm4b:s5+s3], $0x80, v3, vm0, $0xb8;
	[tilespmem:$0x18100] =	vst v63  }
0x63: {  	_ = 	snop  }
0x64: {  	[tilespmem:s11], [sflag:$0x1] =	stream.indirect_vreg.gather [hbm4b:s6+s3], $0x80, v3, vm0, $0xb8;
	[tilespmem:$0x18100] =	vst v63  }
0x65: {  	v3 =	vld [tilespmem:$0x40];
	_ =	sdelay $0x4  }
0x66: {  	v52 =	vshrl.u32 v3, $0x3  }
0x67: {  	v4 =	vmul.u32 $0x30, v52  }
0x68: {  	v3 =	vand.u32 $0x7, v3  }
0x69: {  	v3 =	vor.u32 v3, v4  }
0x6a: {  	v4 =	vperm.xlane v3, v0;
	_ =	sdelay $0x1  }
0x6b: {  	v4 =	vadd.s32 v1, v4;
	_ =	sdelay $0x3  }
0x6c: {  	v3 =	vperm.xlane v3, v2  }
0x6d: {  	[tilespmem:s12], [sflag:$0x2] =	stream.indirect_vreg.gather [hbm4b:s2+s3], $0x80, v4, vm0, $0xb8;
	[tilespmem:$0x18100] =	vst v63  }
0x6e: {  	s14 =	simm.s32 $0xC900;
	v3 =	vadd.s32 v1, v3  }
0x6f: {  	[tilespmem:s14], [sflag:$0x2] =	stream.indirect_vreg.gather [hbm4b:s5+s3], $0x80, v4, vm0, $0xb8;
	[tilespmem:$0x18100] =	vst v63  }
0x70: {  	s7 =	simm.s32 $0xD100  }
0x71: {  	[tilespmem:s7], [sflag:$0x2] =	stream.indirect_vreg.gather [hbm4b:s6+s3], $0x80, v4, vm0, $0xb8;
	[tilespmem:$0x18100] =	vst v63  }
0x72: {  	s14 =	simm.s32 $0xD900  }
0x73: {  	[tilespmem:s14], [sflag:$0x2] =	stream.indirect_vreg.gather [hbm4b:s2+s3], $0x80, v3, vm0, $0xb8;
	[tilespmem:$0x18100] =	vst v63  }
0x74: {  	s7 =	simm.s32 $0xE100  }
0x75: {  	[tilespmem:s7], [sflag:$0x2] =	stream.indirect_vreg.gather [hbm4b:s5+s3], $0x80, v3, vm0, $0xb8;
	[tilespmem:$0x18100] =	vst v63  }
0x76: {  	s14 =	simm.s32 $0xE900  }
0x77: {  	[tilespmem:s14], [sflag:$0x2] =	stream.indirect_vreg.gather [hbm4b:s6+s3], $0x80, v3, vm0, $0xb8;
	[tilespmem:$0x18100] =	vst v63  }
0x78: {  	v3 =	vld [tilespmem:$0x50];
	_ =	sdelay $0x4  }
0x79: {  	v53 =	vshrl.u32 v3, $0x3  }
0x7a: {  	v4 =	vmul.u32 $0x30, v53  }
0x7b: {  	v3 =	vand.u32 $0x7, v3  }
0x7c: {  	v3 =	vor.u32 v3, v4  }
0x7d: {  	v4 =	vperm.xlane v3, v0;
	_ =	sdelay $0x1  }
0x7e: {  	v4 =	vadd.s32 v1, v4;
	_ =	sdelay $0x3  }
0x7f: {  	s7 =	simm.s32 $0xF100;
	v3 =	vperm.xlane v3, v2  }
0x80: {  	[tilespmem:s7], [sflag:$0x2] =	stream.indirect_vreg.gather [hbm4b:s2+s3], $0x80, v4, vm0, $0xb8;
	[tilespmem:$0x18100] =	vst v63  }
0x81: {  	s14 =	simm.s32 $0xF900;
	v3 =	vadd.s32 v1, v3  }
0x82: {  	[tilespmem:s14], [sflag:$0x2] =	stream.indirect_vreg.gather [hbm4b:s5+s3], $0x80, v4, vm0, $0xb8;
	[tilespmem:$0x18100] =	vst v63  }
0x83: {  	s7 =	simm.s32 $0x10100  }
0x84: {  	[tilespmem:s7], [sflag:$0x2] =	stream.indirect_vreg.gather [hbm4b:s6+s3], $0x80, v4, vm0, $0xb8;
	[tilespmem:$0x18100] =	vst v63  }
0x85: {  	s14 =	simm.s32 $0x10900  }
0x86: {  	[tilespmem:s14], [sflag:$0x2] =	stream.indirect_vreg.gather [hbm4b:s2+s3], $0x80, v3, vm0, $0xb8;
	[tilespmem:$0x18100] =	vst v63  }
0x87: {  	s7 =	simm.s32 $0x11100  }
0x88: {  	[tilespmem:s7], [sflag:$0x2] =	stream.indirect_vreg.gather [hbm4b:s5+s3], $0x80, v3, vm0, $0xb8;
	[tilespmem:$0x18100] =	vst v63  }
0x89: {  	s14 =	simm.s32 $0x11900  }
0x8a: {  	[tilespmem:s14], [sflag:$0x2] =	stream.indirect_vreg.gather [hbm4b:s6+s3], $0x80, v3, vm0, $0xb8;
	[tilespmem:$0x18100] =	vst v63  }
0x8b: {  	v3 =	vld [tilespmem:$0x60];
	_ =	sdelay $0x4  }
0x8c: {  	v54 =	vshrl.u32 v3, $0x3  }
0x8d: {  	v4 =	vmul.u32 $0x30, v54  }
0x8e: {  	v3 =	vand.u32 $0x7, v3  }
0x8f: {  	v3 =	vor.u32 v3, v4  }
0x90: {  	v4 =	vperm.xlane v3, v0;
	_ =	sdelay $0x1  }
0x91: {  	v4 =	vadd.s32 v1, v4;
	_ =	sdelay $0x3  }
0x92: {  	s7 =	simm.s32 $0x12100;
	v3 =	vperm.xlane v3, v2  }
0x93: {  	[tilespmem:s7], [sflag:$0x2] =	stream.indirect_vreg.gather [hbm4b:s2+s3], $0x80, v4, vm0, $0xb8;
	[tilespmem:$0x18100] =	vst v63  }
0x94: {  	s14 =	simm.s32 $0x12900;
	v3 =	vadd.s32 v1, v3  }
0x95: {  	[tilespmem:s14], [sflag:$0x2] =	stream.indirect_vreg.gather [hbm4b:s5+s3], $0x80, v4, vm0, $0xb8;
	[tilespmem:$0x18100] =	vst v63  }
0x96: {  	s7 =	simm.s32 $0x13100  }
0x97: {  	[tilespmem:s7], [sflag:$0x2] =	stream.indirect_vreg.gather [hbm4b:s6+s3], $0x80, v4, vm0, $0xb8;
	[tilespmem:$0x18100] =	vst v63  }
0x98: {  	s14 =	simm.s32 $0x13900  }
0x99: {  	[tilespmem:s14], [sflag:$0x2] =	stream.indirect_vreg.gather [hbm4b:s2+s3], $0x80, v3, vm0, $0xb8;
	[tilespmem:$0x18100] =	vst v63  }
0x9a: {  	s7 =	simm.s32 $0x14100  }
0x9b: {  	[tilespmem:s7], [sflag:$0x2] =	stream.indirect_vreg.gather [hbm4b:s5+s3], $0x80, v3, vm0, $0xb8;
	[tilespmem:$0x18100] =	vst v63  }
0x9c: {  	s14 =	simm.s32 $0x14900  }
0x9d: {  	[tilespmem:s14], [sflag:$0x2] =	stream.indirect_vreg.gather [hbm4b:s6+s3], $0x80, v3, vm0, $0xb8;
	[tilespmem:$0x18100] =	vst v63  }
0x9e: {  	v3 =	vld [tilespmem:$0x70];
	_ =	sdelay $0x4  }
0x9f: {  	v55 =	vshrl.u32 v3, $0x3  }
0xa0: {  	v4 =	vmul.u32 $0x30, v55  }
0xa1: {  	v3 =	vand.u32 $0x7, v3  }
0xa2: {  	v3 =	vor.u32 v3, v4  }
0xa3: {  	v4 =	vperm.xlane v3, v0;
	_ =	sdelay $0x1  }
0xa4: {  	v4 =	vadd.s32 v1, v4;
	_ =	sdelay $0x3  }
0xa5: {  	s7 =	simm.s32 $0x15100;
	v3 =	vperm.xlane v3, v2  }
0xa6: {  	[tilespmem:s7], [sflag:$0x2] =	stream.indirect_vreg.gather [hbm4b:s2+s3], $0x80, v4, vm0, $0xb8;
	[tilespmem:$0x18100] =	vst v63  }
0xa7: {  	s14 =	simm.s32 $0x15900;
	v3 =	vadd.s32 v1, v3  }
0xa8: {  	[tilespmem:s14], [sflag:$0x2] =	stream.indirect_vreg.gather [hbm4b:s5+s3], $0x80, v4, vm0, $0xb8;
	[tilespmem:$0x18100] =	vst v63  }
0xa9: {  	s7 =	simm.s32 $0x16100  }
0xaa: {  	[tilespmem:s7], [sflag:$0x2] =	stream.indirect_vreg.gather [hbm4b:s6+s3], $0x80, v4, vm0, $0xb8;
	[tilespmem:$0x18100] =	vst v63  }
0xab: {  	s14 =	simm.s32 $0x16900  }
0xac: {  	[tilespmem:s14], [sflag:$0x2] =	stream.indirect_vreg.gather [hbm4b:s2+s3], $0x80, v3, vm0, $0xb8;
	[tilespmem:$0x18100] =	vst v63  }
0xad: {  	s7 =	simm.s32 $0x17100  }
0xae: {  	[tilespmem:s7], [sflag:$0x2] =	stream.indirect_vreg.gather [hbm4b:s5+s3], $0x80, v3, vm0, $0xb8;
	[tilespmem:$0x18100] =	vst v63  }
0xaf: {  	s14 =	simm.s32 $0x17900  }
0xb0: {  	[tilespmem:s14], [sflag:$0x2] =	stream.indirect_vreg.gather [hbm4b:s6+s3], $0x80, v3, vm0, $0xb8;
	[tilespmem:$0x18100] =	vst v63  }
0xb1: {  	_ =	swait.ge [sflag:s13], $0xC000  }
0xb2: {  	[sflag:s13] =	ssyncset.done $0x0  }
0xb3: {  	s7 =	simm.s32 $0x100;
	s0 =	rddreg [dreg:$0x7];
	[sflag:s13] =	ssyncadd.s32 $0xFFFF4000  }
0xb4: {  	[hbm4b:s0+s3] =	stream.linear.scatter [tilespmem:s7], [sflag:$0x3], $0xC000, $0x38;
	[tilespmem:$0x18100] =	vst v63  }
0xb5: {  	s0 =	simm.s32 $0x3  }
0xb6: {  	_ =	swait.ge [sflag:s0], $0xC000  }
0xb7: {  	[sflag:s0] =	ssyncset.done $0x0  }
0xb8: {  	[sflag:s0] =	ssyncadd.s32 $0xFFFF4000  }
0xb9: {  	v3 =	vld [tilespmem:$0x80];
	_ =	sdelay $0x4  }
0xba: {  	v56 =	vshrl.u32 v3, $0x3  }
0xbb: {  	v4 =	vmul.u32 $0x30, v56  }
0xbc: {  	v3 =	vand.u32 $0x7, v3  }
0xbd: {  	v3 =	vor.u32 v3, v4  }
0xbe: {  	v4 =	vperm.xlane v3, v0;
	_ =	sdelay $0x1  }
0xbf: {  	v4 =	vadd.s32 v1, v4;
	_ =	sdelay $0x3  }
0xc0: {  	v3 =	vperm.xlane v3, v2  }
0xc1: {  	[tilespmem:s7], [sflag:$0x1] =	stream.indirect_vreg.gather [hbm4b:s2+s3], $0x80, v4, vm0, $0xb8;
	[tilespmem:$0x18100] =	vst v63  }
0xc2: {  	v3 =	vadd.s32 v1, v3  }
0xc3: {  	[tilespmem:s15], [sflag:$0x1] =	stream.indirect_vreg.gather [hbm4b:s5+s3], $0x80, v4, vm0, $0xb8;
	[tilespmem:$0x18100] =	vst v63  }
0xc4: {  	_ = 	snop  }
0xc5: {  	[tilespmem:s16], [sflag:$0x1] =	stream.indirect_vreg.gather [hbm4b:s6+s3], $0x80, v4, vm0, $0xb8;
	[tilespmem:$0x18100] =	vst v63  }
0xc6: {  	_ = 	snop  }
0xc7: {  	[tilespmem:s17], [sflag:$0x1] =	stream.indirect_vreg.gather [hbm4b:s2+s3], $0x80, v3, vm0, $0xb8;
	[tilespmem:$0x18100] =	vst v63  }
0xc8: {  	_ = 	snop  }
0xc9: {  	[tilespmem:s18], [sflag:$0x1] =	stream.indirect_vreg.gather [hbm4b:s5+s3], $0x80, v3, vm0, $0xb8;
	[tilespmem:$0x18100] =	vst v63  }
0xca: {  	_ = 	snop  }
0xcb: {  	[tilespmem:s19], [sflag:$0x1] =	stream.indirect_vreg.gather [hbm4b:s6+s3], $0x80, v3, vm0, $0xb8;
	[tilespmem:$0x18100] =	vst v63  }
0xcc: {  	v3 =	vld [tilespmem:$0x90];
	_ =	sdelay $0x4  }
0xcd: {  	v57 =	vshrl.u32 v3, $0x3  }
0xce: {  	v4 =	vmul.u32 $0x30, v57  }
0xcf: {  	v3 =	vand.u32 $0x7, v3  }
0xd0: {  	v3 =	vor.u32 v3, v4  }
0xd1: {  	v4 =	vperm.xlane v3, v0;
	_ =	sdelay $0x1  }
0xd2: {  	v4 =	vadd.s32 v1, v4;
	_ =	sdelay $0x3  }
0xd3: {  	v3 =	vperm.xlane v3, v2  }
0xd4: {  	[tilespmem:s20], [sflag:$0x1] =	stream.indirect_vreg.gather [hbm4b:s2+s3], $0x80, v4, vm0, $0xb8;
	[tilespmem:$0x18100] =	vst v63  }
0xd5: {  	v3 =	vadd.s32 v1, v3  }
0xd6: {  	[tilespmem:s21], [sflag:$0x1] =	stream.indirect_vreg.gather [hbm4b:s5+s3], $0x80, v4, vm0, $0xb8;
	[tilespmem:$0x18100] =	vst v63  }
0xd7: {  	_ = 	snop  }
0xd8: {  	[tilespmem:s22], [sflag:$0x1] =	stream.indirect_vreg.gather [hbm4b:s6+s3], $0x80, v4, vm0, $0xb8;
	[tilespmem:$0x18100] =	vst v63  }
0xd9: {  	_ = 	snop  }
0xda: {  	[tilespmem:s23], [sflag:$0x1] =	stream.indirect_vreg.gather [hbm4b:s2+s3], $0x80, v3, vm0, $0xb8;
	[tilespmem:$0x18100] =	vst v63  }
0xdb: {  	_ = 	snop  }
0xdc: {  	[tilespmem:s24], [sflag:$0x1] =	stream.indirect_vreg.gather [hbm4b:s5+s3], $0x80, v3, vm0, $0xb8;
	[tilespmem:$0x18100] =	vst v63  }
0xdd: {  	_ = 	snop  }
0xde: {  	[tilespmem:s25], [sflag:$0x1] =	stream.indirect_vreg.gather [hbm4b:s6+s3], $0x80, v3, vm0, $0xb8;
	[tilespmem:$0x18100] =	vst v63  }
0xdf: {  	v3 =	vld [tilespmem:$0xA0];
	_ =	sdelay $0x4  }
0xe0: {  	v58 =	vshrl.u32 v3, $0x3  }
0xe1: {  	v4 =	vmul.u32 $0x30, v58  }
0xe2: {  	v3 =	vand.u32 $0x7, v3  }
0xe3: {  	v3 =	vor.u32 v3, v4  }
0xe4: {  	v4 =	vperm.xlane v3, v0;
	_ =	sdelay $0x1  }
0xe5: {  	v4 =	vadd.s32 v1, v4;
	_ =	sdelay $0x3  }
0xe6: {  	v3 =	vperm.xlane v3, v2  }
0xe7: {  	[tilespmem:s26], [sflag:$0x1] =	stream.indirect_vreg.gather [hbm4b:s2+s3], $0x80, v4, vm0, $0xb8;
	[tilespmem:$0x18100] =	vst v63  }
0xe8: {  	v3 =	vadd.s32 v1, v3  }
0xe9: {  	[tilespmem:s28], [sflag:$0x1] =	stream.indirect_vreg.gather [hbm4b:s5+s3], $0x80, v4, vm0, $0xb8;
	[tilespmem:$0x18100] =	vst v63  }
0xea: {  	_ = 	snop  }
0xeb: {  	[tilespmem:s29], [sflag:$0x1] =	stream.indirect_vreg.gather [hbm4b:s6+s3], $0x80, v4, vm0, $0xb8;
	[tilespmem:$0x18100] =	vst v63  }
0xec: {  	_ = 	snop  }
0xed: {  	[tilespmem:s30], [sflag:$0x1] =	stream.indirect_vreg.gather [hbm4b:s2+s3], $0x80, v3, vm0, $0xb8;
	[tilespmem:$0x18100] =	vst v63  }
0xee: {  	_ = 	snop  }
0xef: {  	[tilespmem:s31], [sflag:$0x1] =	stream.indirect_vreg.gather [hbm4b:s5+s3], $0x80, v3, vm0, $0xb8;
	[tilespmem:$0x18100] =	vst v63  }
0xf0: {  	_ = 	snop  }
0xf1: {  	[tilespmem:s1], [sflag:$0x1] =	stream.indirect_vreg.gather [hbm4b:s6+s3], $0x80, v3, vm0, $0xb8;
	[tilespmem:$0x18100] =	vst v63  }
0xf2: {  	v3 =	vld [tilespmem:$0xB0];
	_ =	sdelay $0x4  }
0xf3: {  	v59 =	vshrl.u32 v3, $0x3  }
0xf4: {  	v4 =	vmul.u32 $0x30, v59  }
0xf5: {  	v3 =	vand.u32 $0x7, v3  }
0xf6: {  	v3 =	vor.u32 v3, v4  }
0xf7: {  	v4 =	vperm.xlane v3, v0;
	_ =	sdelay $0x1  }
0xf8: {  	v4 =	vadd.s32 v1, v4;
	_ =	sdelay $0x3  }
0xf9: {  	s7 =	simm.s32 $0x9100;
	v3 =	vperm.xlane v3, v2  }
0xfa: {  	[tilespmem:s7], [sflag:$0x1] =	stream.indirect_vreg.gather [hbm4b:s2+s3], $0x80, v4, vm0, $0xb8;
	[tilespmem:$0x18100] =	vst v63  }
0xfb: {  	s14 =	simm.s32 $0x9900;
	v3 =	vadd.s32 v1, v3  }
0xfc: {  	[tilespmem:s14], [sflag:$0x1] =	stream.indirect_vreg.gather [hbm4b:s5+s3], $0x80, v4, vm0, $0xb8;
	[tilespmem:$0x18100] =	vst v63  }
0xfd: {  	_ = 	snop  }
0xfe: {  	[tilespmem:s9], [sflag:$0x1] =	stream.indirect_vreg.gather [hbm4b:s6+s3], $0x80, v4, vm0, $0xb8;
	[tilespmem:$0x18100] =	vst v63  }
0xff: {  	_ = 	snop  }
0x100: {  	[tilespmem:s4], [sflag:$0x1] =	stream.indirect_vreg.gather [hbm4b:s2+s3], $0x80, v3, vm0, $0xb8;
	[tilespmem:$0x18100] =	vst v63  }
0x101: {  	_ = 	snop  }
0x102: {  	[tilespmem:s10], [sflag:$0x1] =	stream.indirect_vreg.gather [hbm4b:s5+s3], $0x80, v3, vm0, $0xb8;
	[tilespmem:$0x18100] =	vst v63  }
0x103: {  	s1 =	simm.s32 $0x2  }
0x104: {  	[tilespmem:s11], [sflag:$0x1] =	stream.indirect_vreg.gather [hbm4b:s6+s3], $0x80, v3, vm0, $0xb8;
	[tilespmem:$0x18100] =	vst v63  }
0x105: {  	_ =	swait.ge [sflag:s1], $0xC000  }
0x106: {  	[sflag:s1] =	ssyncset.done $0x0  }
0x107: {  	s4 =	simm.s32 $0x4;
	s7 =	rddreg [dreg:$0x4];
	[sflag:s1] =	ssyncadd.s32 $0xFFFF4000  }
0x108: {  	[hbm4b:s7+s3] =	stream.linear.scatter [tilespmem:s12], [sflag:$0x4], $0xC000, $0x38;
	[tilespmem:$0x18100] =	vst v63  }
0x109: {  	_ =	swait.ge [sflag:s4], $0xC000  }
0x10a: {  	[sflag:s4] =	ssyncset.done $0x0  }
0x10b: {  	[sflag:s4] =	ssyncadd.s32 $0xFFFF4000  }
0x10c: {  	v3 =	vld [tilespmem:$0xC0];
	_ =	sdelay $0x4  }
0x10d: {  	v60 =	vshrl.u32 v3, $0x3  }
0x10e: {  	v4 =	vmul.u32 $0x30, v60  }
0x10f: {  	v3 =	vand.u32 $0x7, v3  }
0x110: {  	v3 =	vor.u32 v3, v4  }
0x111: {  	v4 =	vperm.xlane v3, v0;
	_ =	sdelay $0x1  }
0x112: {  	v4 =	vadd.s32 v1, v4;
	_ =	sdelay $0x3  }
0x113: {  	v3 =	vperm.xlane v3, v2  }
0x114: {  	[tilespmem:s12], [sflag:$0x2] =	stream.indirect_vreg.gather [hbm4b:s2+s3], $0x80, v4, vm0, $0xb8;
	[tilespmem:$0x18100] =	vst v63  }
0x115: {  	s14 =	simm.s32 $0xC900;
	v3 =	vadd.s32 v1, v3  }
0x116: {  	[tilespmem:s14], [sflag:$0x2] =	stream.indirect_vreg.gather [hbm4b:s5+s3], $0x80, v4, vm0, $0xb8;
	[tilespmem:$0x18100] =	vst v63  }
0x117: {  	s14 =	simm.s32 $0xD100  }
0x118: {  	[tilespmem:s14], [sflag:$0x2] =	stream.indirect_vreg.gather [hbm4b:s6+s3], $0x80, v4, vm0, $0xb8;
	[tilespmem:$0x18100] =	vst v63  }
0x119: {  	s14 =	simm.s32 $0xD900  }
0x11a: {  	[tilespmem:s14], [sflag:$0x2] =	stream.indirect_vreg.gather [hbm4b:s2+s3], $0x80, v3, vm0, $0xb8;
	[tilespmem:$0x18100] =	vst v63  }
0x11b: {  	s14 =	simm.s32 $0xE100  }
0x11c: {  	[tilespmem:s14], [sflag:$0x2] =	stream.indirect_vreg.gather [hbm4b:s5+s3], $0x80, v3, vm0, $0xb8;
	[tilespmem:$0x18100] =	vst v63  }
0x11d: {  	s14 =	simm.s32 $0xE900  }
0x11e: {  	[tilespmem:s14], [sflag:$0x2] =	stream.indirect_vreg.gather [hbm4b:s6+s3], $0x80, v3, vm0, $0xb8;
	[tilespmem:$0x18100] =	vst v63  }
0x11f: {  	v3 =	vld [tilespmem:$0xD0];
	_ =	sdelay $0x4  }
0x120: {  	v61 =	vshrl.u32 v3, $0x3  }
0x121: {  	v4 =	vmul.u32 $0x30, v61  }
0x122: {  	v3 =	vand.u32 $0x7, v3  }
0x123: {  	v3 =	vor.u32 v3, v4  }
0x124: {  	v4 =	vperm.xlane v3, v0;
	_ =	sdelay $0x1  }
0x125: {  	v4 =	vadd.s32 v1, v4;
	_ =	sdelay $0x3  }
0x126: {  	s14 =	simm.s32 $0xF100;
	v3 =	vperm.xlane v3, v2  }
0x127: {  	[tilespmem:s14], [sflag:$0x2] =	stream.indirect_vreg.gather [hbm4b:s2+s3], $0x80, v4, vm0, $0xb8;
	[tilespmem:$0x18100] =	vst v63  }
0x128: {  	v3 =	vadd.s32 v1, v3;
	s14 =	simm.s32 $0xF900  }
0x129: {  	[tilespmem:s14], [sflag:$0x2] =	stream.indirect_vreg.gather [hbm4b:s5+s3], $0x80, v4, vm0, $0xb8;
	[tilespmem:$0x18100] =	vst v63  }
0x12a: {  	s14 =	simm.s32 $0x10100  }
0x12b: {  	[tilespmem:s14], [sflag:$0x2] =	stream.indirect_vreg.gather [hbm4b:s6+s3], $0x80, v4, vm0, $0xb8;
	[tilespmem:$0x18100] =	vst v63  }
0x12c: {  	s14 =	simm.s32 $0x10900  }
0x12d: {  	[tilespmem:s14], [sflag:$0x2] =	stream.indirect_vreg.gather [hbm4b:s2+s3], $0x80, v3, vm0, $0xb8;
	[tilespmem:$0x18100] =	vst v63  }
0x12e: {  	s14 =	simm.s32 $0x11100  }
0x12f: {  	[tilespmem:s14], [sflag:$0x2] =	stream.indirect_vreg.gather [hbm4b:s5+s3], $0x80, v3, vm0, $0xb8;
	[tilespmem:$0x18100] =	vst v63  }
0x130: {  	s14 =	simm.s32 $0x11900  }
0x131: {  	[tilespmem:s14], [sflag:$0x2] =	stream.indirect_vreg.gather [hbm4b:s6+s3], $0x80, v3, vm0, $0xb8;
	[tilespmem:$0x18100] =	vst v63  }
0x132: {  	v3 =	vld [tilespmem:$0xE0];
	_ =	sdelay $0x4  }
0x133: {  	v62 =	vshrl.u32 v3, $0x3  }
0x134: {  	v4 =	vmul.u32 $0x30, v62  }
0x135: {  	v3 =	vand.u32 $0x7, v3  }
0x136: {  	v3 =	vor.u32 v3, v4  }
0x137: {  	v4 =	vperm.xlane v3, v0;
	_ =	sdelay $0x1  }
0x138: {  	v4 =	vadd.s32 v1, v4;
	_ =	sdelay $0x3  }
0x139: {  	s14 =	simm.s32 $0x12100;
	v3 =	vperm.xlane v3, v2  }
0x13a: {  	[tilespmem:s14], [sflag:$0x2] =	stream.indirect_vreg.gather [hbm4b:s2+s3], $0x80, v4, vm0, $0xb8;
	[tilespmem:$0x18100] =	vst v63  }
0x13b: {  	v3 =	vadd.s32 v1, v3;
	s14 =	simm.s32 $0x12900  }
0x13c: {  	[tilespmem:s14], [sflag:$0x2] =	stream.indirect_vreg.gather [hbm4b:s5+s3], $0x80, v4, vm0, $0xb8;
	[tilespmem:$0x18100] =	vst v63  }
0x13d: {  	s14 =	simm.s32 $0x13100  }
0x13e: {  	[tilespmem:s14], [sflag:$0x2] =	stream.indirect_vreg.gather [hbm4b:s6+s3], $0x80, v4, vm0, $0xb8;
	[tilespmem:$0x18100] =	vst v63  }
0x13f: {  	s14 =	simm.s32 $0x13900  }
0x140: {  	[tilespmem:s14], [sflag:$0x2] =	stream.indirect_vreg.gather [hbm4b:s2+s3], $0x80, v3, vm0, $0xb8;
	[tilespmem:$0x18100] =	vst v63  }
0x141: {  	s14 =	simm.s32 $0x14100  }
0x142: {  	[tilespmem:s14], [sflag:$0x2] =	stream.indirect_vreg.gather [hbm4b:s5+s3], $0x80, v3, vm0, $0xb8;
	[tilespmem:$0x18100] =	vst v63  }
0x143: {  	s14 =	simm.s32 $0x14900  }
0x144: {  	[tilespmem:s14], [sflag:$0x2] =	stream.indirect_vreg.gather [hbm4b:s6+s3], $0x80, v3, vm0, $0xb8;
	[tilespmem:$0x18100] =	vst v63  }
0x145: {  	v3 =	vld [tilespmem:$0xF0];
	_ =	sdelay $0x4  }
0x146: {  	v63 =	vshrl.u32 v3, $0x3  }
0x147: {  	v4 =	vmul.u32 $0x30, v63  }
0x148: {  	v3 =	vand.u32 $0x7, v3  }
0x149: {  	v3 =	vor.u32 v3, v4  }
0x14a: {  	v4 =	vperm.xlane v3, v0;
	_ =	sdelay $0x1  }
0x14b: {  	v4 =	vadd.s32 v1, v4;
	_ =	sdelay $0x3  }
0x14c: {  	s14 =	simm.s32 $0x15100;
	v3 =	vperm.xlane v3, v2  }
0x14d: {  	[tilespmem:s14], [sflag:$0x2] =	stream.indirect_vreg.gather [hbm4b:s2+s3], $0x80, v4, vm0, $0xb8;
	[tilespmem:$0x18100] =	vst v63  }
0x14e: {  	v3 =	vadd.s32 v1, v3;
	s14 =	simm.s32 $0x15900  }
0x14f: {  	[tilespmem:s14], [sflag:$0x2] =	stream.indirect_vreg.gather [hbm4b:s5+s3], $0x80, v4, vm0, $0xb8;
	[tilespmem:$0x18100] =	vst v63  }
0x150: {  	s14 =	simm.s32 $0x16100  }
0x151: {  	[tilespmem:s14], [sflag:$0x2] =	stream.indirect_vreg.gather [hbm4b:s6+s3], $0x80, v4, vm0, $0xb8;
	[tilespmem:$0x18100] =	vst v63  }
0x152: {  	s14 =	simm.s32 $0x16900  }
0x153: {  	[tilespmem:s14], [sflag:$0x2] =	stream.indirect_vreg.gather [hbm4b:s2+s3], $0x80, v3, vm0, $0xb8;
	[tilespmem:$0x18100] =	vst v63  }
0x154: {  	s14 =	simm.s32 $0x17100  }
0x155: {  	[tilespmem:s14], [sflag:$0x2] =	stream.indirect_vreg.gather [hbm4b:s5+s3], $0x80, v3, vm0, $0xb8;
	[tilespmem:$0x18100] =	vst v63  }
0x156: {  	s14 =	simm.s32 $0x17900  }
0x157: {  	[tilespmem:s14], [sflag:$0x2] =	stream.indirect_vreg.gather [hbm4b:s6+s3], $0x80, v3, vm0, $0xb8;
	[tilespmem:$0x18100] =	vst v63  }
0x158: {  	_ =	swait.ge [sflag:s13], $0xC000  }
0x159: {  	[sflag:s13] =	ssyncset.done $0x0  }
0x15a: {  	s7 =	simm.s32 $0x100;
	s14 =	rddreg [dreg:$0x5];
	[sflag:s13] =	ssyncadd.s32 $0xFFFF4000  }
0x15b: {  	[hbm4b:s14+s3] =	stream.linear.scatter [tilespmem:s7], [sflag:$0x3], $0xC000, $0x38;
	[tilespmem:$0x18100] =	vst v63  }
0x15c: {  	_ =	swait.ge [sflag:s1], $0xC000  }
0x15d: {  	[sflag:s1] =	ssyncset.done $0x0  }
0x15e: {  	s7 =	rddreg [dreg:$0x6];
	[sflag:s1] =	ssyncadd.s32 $0xFFFF4000  }
0x15f: {  	[hbm4b:s7+s3] =	stream.linear.scatter [tilespmem:s12], [sflag:$0x4], $0xC000, $0x38;
	[tilespmem:$0x18100] =	vst v63  }
0x160: {  	p0 =	sne.s32 s8, $0x1;
	_ =	swait.ge [sflag:s0], $0xC000  }
.Ltmp0:
0x161: {  	[sflag:s0] =	ssyncset.done $0x0;
	(pc) =	sbr.rel @p0 .LBB2_1-.Ltmp0, $4  }
0x162: {  	[sflag:s0] =	ssyncadd.s32 $0xFFFF4000  }
0x163: {  	_ =	swait.ge [sflag:s4], $0xC000  }
0x164: {  	[sflag:s4] =	ssyncset.done $0x0  }
0x165: {  	s8 =	sadd.s32 $0xFFFFFFFF, s8;
	[sflag:s4] =	ssyncadd.s32 $0xFFFF4000  }
0x166: {  	_ =	sfence.sel $0x180000  }
0x167: {  	[bflag:$0x0] =	sbarrier.arrive $0xFFFF  }
0x168: {  	_ =	strace $0x9000004A  }
0x169: {  	s0 =	stileid.u32;
	[bflag:$0x2] =	sbarrier.arrive $0xFFFF  }
0x16a: {  	p0 =	sne.s32 s0, $0x0;
	s0 =	rddreg [dreg:$0x2]  }
0x16b: {  	s0 =	sadd.s32 @!p0 $0x100000, s0  }
0x16c: {  	[sflag:s0] =	ssyncadd.tile.s32 @!p0 $0x1;
	_ =	shalt  }
.Lfunc_end2:
_tile_overlayer_lowered:
.L_overlay_start_2:
0x16d: {  	(tag) =	ssettag $0x2  }
0x16e: {  	s0 =	rddreg [dreg:$0x0];
	s2 =	stileid.u32  }
0x16f: {  	s1 =	rddreg [dreg:$0x1];
	p0 =	sne.s32 s2, $0x0  }
0x170: {  	s3 =	rddreg [dreg:$0x2];
	[bflag:$0x3] =	sbarrier.arrive $0xFFFF;
	s2 =	simm.s32 @!p0 $0x1C05  }
0x171: {  	[timem:s3], [sflag:s2] =	dma.local @!p0 [hbm:s0], s1  }
0x172: {  	s0 =	simm.s32 @!p0 $0x5  }
0x173: {  	_ =	swait.ge @!p0 [sflag:s0], s1  }
0x174: {  	s1 =	ssub.s32 @!p0 $0x0, s1;
	[sflag:s0] =	ssyncset.done @!p0 $0x0  }
0x175: {  	[sflag:s0] =	ssyncadd.s32 @!p0 s1  }
0x176: {  	[bflag:$0x3] =	sbarrier.arrive $0xFFFF  }
0x177: {  	_ =	shalt  }

// kernel: kernel.14.cloned.1.call-start
scs
__scs_entry_jumppad:
0x0: {  	(pc) =	sbr.rel $0x88, $3  }
0x1: {  	(tag) =	ssettag $0x0;
	lr =	simm.s32 $0x1  }
0x2: {  	[smem:$0x3F89] =	sst lr;
	_ =	strace $0xD0000000  }
0x3: {  	_ = 	snop  }
0x4: {  	_ = 	snop  }
0x5: {  	_ = 	snop  }
0x6: {  	_ = 	snop  }
0x7: {  	_ = 	snop  }
__scs_overlays_trampoline_lowered:
0x8: {  	[smem:$0x3F98] =	sst s0  }
0x9: {  	[smem:$0x3F99] =	sst s1  }
0xa: {  	[smem:$0x3F9A] =	sst s2  }
0xb: {  	[smem:$0x3F9B] =	sst s3  }
0xc: {  	[smem:$0x3F9C] =	sst s4  }
0xd: {  	[smem:$0x3F9D] =	sst s5  }
0xe: {  	[smem:$0x3F9E] =	sst s6  }
0xf: {  	[smem:$0x3F9F] =	sst s7  }
0x10: {  	[smem:$0x3FA0] =	sst s8  }
0x11: {  	[smem:$0x3FA1] =	sst s9;
	s0 =	simm.s32 @!p0 $0x0  }
0x12: {  	s1 =	sld [smem:$0x3F87];
	s0 =	simm.s32 @p0 $0x1  }
0x13: {  	[smem:$0x3FA2] =	sst s0;
	s0 =	simm.s32 @!p1 $0x0  }
0x14: {  	s2 =	sld [smem:$0x3F86];
	s0 =	simm.s32 @p1 $0x1  }
0x15: {  	[smem:$0x3FA3] =	sst s0;
	s0 =	simm.s32 @!p2 $0x0  }
0x16: {  	s3 =	sld [smem:$0x3FDB];
	s0 =	simm.s32 @p2 $0x1  }
0x17: {  	s4 =	simm.s32 $0x1BF5;
	[smem:$0x3FA5] =	sst s0  }
0x18: {  	s0 =	sld [smem:$0x3F88];
	_ =	swait.ge [sflag:s4], $0x0  }
0x19: {  	s7 =	sld [smem:$0x3F89]  }
0x1a: {  	s8 =	sadd.s32 $0xFFFFE003, lr  }
0x1b: {  	s9 =	sadd.s32 $0xFFFFFEF7, lr;
	s5 =	simm.s32 $0xFFFFFFFF;
	p2 =	slt.u32 s8, $0xFFFFF086  }
0x1c: {  	p1 =	slt.u32 s9, $0xF7A;
	s5 =	simm.s32 @!p2 $0x0  }
0x1d: {  	s5 =	simm.s32 @p1 $0x1;
	p0 =	seq.s32 s7, s2  }
0x1e: {  	s7 =	smul.u32 @!p0 $0xF7A, s2;
	p2 =	seq.s32 @!p0 s5, $0x0  }
0x1f: {  	s9 =	smul.u32 $0xF7A, s1;
	s8 =	simm.s32 @!p0 $0x1BF5;
	p2 =	por !p2, p0  }
0x20: {  	[sflag:s8] =	ssyncset.s32 @!p0 $0xFFFFF086;
	s6 =	sadd.s32 @!p0 s3, s7;
	s7 =	simm.s32 @!p0 $0x108  }
0x21: {  	s3 =	sadd.s32 s3, s9;
	s6 =	sadd.s32 @!p0 $0x88, s6;
	s7 =	simm.s32 @p2 $0x1082  }
0x22: {  	[simem:s7], [sflag:s8] =	dma.local @!p0 [hbm:s6], $0xF7A  }
0x23: {  	s9 =	sor.u32 $0xD0000000, s2;
	s6 =	simm.s32 $0x108;
	_ =	swait.ge @!p0 [sflag:s8], $0x0  }
0x24: {  	s3 =	sadd.s32 $0x88, s3;
	s6 =	simm.s32 @!p1 $0x1082;
	[sflag:s4] =	ssyncset.s32 $0xFFFFF086  }
0x25: {  	[simem:s6], [sflag:s4] =	dma.local [hbm:s3], $0xF7A  }
0x26: {  	[smem:$0x3F89] =	sst s1;
	(tag) =	ssettag s2;
	_ =	strace s9  }
0x27: {  	s1 =	sld [smem:$0x3F99]  }
0x28: {  	s2 =	sld [smem:$0x3F9A]  }
0x29: {  	s4 =	sld [smem:$0x3F9C]  }
0x2a: {  	p0 =	seq.s32 s5, $0x0;
	s5 =	sld [smem:$0x3F9D]  }
0x2b: {  	s6 =	sld [smem:$0x3F9E]  }
0x2c: {  	s7 =	sld [smem:$0x3F9F]  }
0x2d: {  	s3 =	simm.s32 $0x108;
	s8 =	sld [smem:$0x3FA0]  }
0x2e: {  	s3 =	simm.s32 @!p0 $0x1082;
	s9 =	sld [smem:$0x3FA1]  }
0x2f: {  	lr =	sadd.s32 s0, s3;
	s0 =	sld [smem:$0x3F98]  }
0x30: {  	s3 =	sld [smem:$0x3F9B]  }
0x31: {  	[smem:$0x3FA4] =	sst s10  }
0x32: {  	s10 =	sld [smem:$0x3FA2];
	_ =	sdelay $0x3  }
0x33: {  	p0 =	seq.s32 s10, $0x1;
	s10 =	sld [smem:$0x3FA4];
	_ =	sdelay $0x3  }
0x34: {  	[smem:$0x3FA4] =	sst s10  }
0x35: {  	s10 =	sld [smem:$0x3FA3];
	_ =	sdelay $0x3  }
0x36: {  	p1 =	seq.s32 s10, $0x1;
	s10 =	sld [smem:$0x3FA4];
	_ =	sdelay $0x3  }
0x37: {  	[smem:$0x3FA4] =	sst s10  }
0x38: {  	s10 =	sld [smem:$0x3FA5]  }
0x39: {  	_ = 	snop;
	(pc) =	sbr.ind lr, $3  }
0x3a: {  	_ = 	snop  }
0x3b: {  	_ = 	snop  }
0x3c: {  	p2 =	seq.s32 s10, $0x1;
	s10 =	sld [smem:$0x3FA4]  }
0x3d: {  	_ =	shalt  }
0x3e: {  	_ =	shalt  }
0x3f: {  	_ =	shalt  }
0x40: {  	_ =	shalt  }
0x41: {  	_ =	shalt  }
0x42: {  	_ =	shalt  }
0x43: {  	_ =	shalt  }
0x44: {  	_ =	shalt  }
0x45: {  	_ =	shalt  }
0x46: {  	_ =	shalt  }
0x47: {  	_ =	shalt  }
0x48: {  	_ =	shalt  }
0x49: {  	_ =	shalt  }
0x4a: {  	_ =	shalt  }
0x4b: {  	_ =	shalt  }
0x4c: {  	_ =	shalt  }
0x4d: {  	_ =	shalt  }
0x4e: {  	_ =	shalt  }
0x4f: {  	_ =	shalt  }
0x50: {  	_ =	shalt  }
0x51: {  	_ =	shalt  }
0x52: {  	_ =	shalt  }
0x53: {  	_ =	shalt  }
0x54: {  	_ =	shalt  }
0x55: {  	_ =	shalt  }
0x56: {  	_ =	shalt  }
0x57: {  	_ =	shalt  }
0x58: {  	_ =	shalt  }
0x59: {  	_ =	shalt  }
0x5a: {  	_ =	shalt  }
0x5b: {  	_ =	shalt  }
0x5c: {  	_ =	shalt  }
0x5d: {  	_ =	shalt  }
0x5e: {  	_ =	shalt  }
0x5f: {  	_ =	shalt  }
0x60: {  	_ =	shalt  }
0x61: {  	_ =	shalt  }
0x62: {  	_ =	shalt  }
0x63: {  	_ =	shalt  }
0x64: {  	_ =	shalt  }
0x65: {  	_ =	shalt  }
0x66: {  	_ =	shalt  }
0x67: {  	_ =	shalt  }
0x68: {  	_ =	shalt  }
0x69: {  	_ =	shalt  }
0x6a: {  	_ =	shalt  }
0x6b: {  	_ =	shalt  }
0x6c: {  	_ =	shalt  }
0x6d: {  	_ =	shalt  }
0x6e: {  	_ =	shalt  }
0x6f: {  	_ =	shalt  }
0x70: {  	_ =	shalt  }
0x71: {  	_ =	shalt  }
0x72: {  	_ =	shalt  }
0x73: {  	_ =	shalt  }
0x74: {  	_ =	shalt  }
0x75: {  	_ =	shalt  }
0x76: {  	_ =	shalt  }
0x77: {  	_ =	shalt  }
0x78: {  	_ =	shalt  }
0x79: {  	_ =	shalt  }
0x7a: {  	_ =	shalt  }
0x7b: {  	_ =	shalt  }
0x7c: {  	_ =	shalt  }
0x7d: {  	_ =	shalt  }
0x7e: {  	_ =	shalt  }
0x7f: {  	_ =	shalt  }
0x80: {  	_ =	shalt  }
0x81: {  	_ =	shalt  }
0x82: {  	_ =	shalt  }
0x83: {  	_ =	shalt  }
0x84: {  	_ =	shalt  }
0x85: {  	_ =	shalt  }
0x86: {  	_ =	shalt  }
0x87: {  	_ =	shalt  }
.Lfunc_end0:
.L_simem_size_0:
called_computation.2_lowered:
.L_overlay_start_0:
0x88: {  	s2 =	sld [smem:$0x3FD9]  }
0x89: {  	s3 =	sld [smem:$0x3FFE];
	_ =	sdelay $0x1  }
0x8a: {  	s1 =	srdreg.scid  }
0x8b: {  	s0 =	sand.u32 $0x1, s1  }
0x8c: {  	s17 =	sshll.u32 s0, $0xA;
	s2 =	sadd.s32 s3, s2  }
0x8d: {  	s2 =	sadd.s32 s2, s17  }
0x8e: {  	[smem:$0x3FB0] =	sst s2  }
0x8f: {  	_ = 	snop  }
0x90: {  	s18 =	sld [smem:$0x3FBE];
	(tm) =	ssettm $0x1  }
0x91: {  	s19 =	sld [smem:$0x3FFB];
	_ =	sdelay $0x3  }
0x92: {  	_ =	strace s19  }
0x93: {  	s2 =	sld [smem:$0x3FFC];
	_ =	sdelay $0x3  }
0x94: {  	_ =	strace s2  }
0x95: {  	s2 =	sld [smem:$0x3FFD];
	_ =	sdelay $0x3  }
0x96: {  	_ =	strace s2  }
0x97: {  	_ =	strace $0x8FFFFFFF  }
0x98: {  	s20 =	sld [smem:$0x3FDB];
	_ =	sdelay $0x1  }
0x99: {  	s4 =	simm.s32 $_scs_section_size  }
0x9a: {  	s5 =	simm.s32 $_size__tile_overlayer_lowered;
	s6 =	simm.s32 $_tile_overlayer_lowered  }
0x9b: {  	s7 =	simm.s32 $0x1BFF;
	s21 =	sshll.u32 s6, $0x1;
	s4 =	sadd.s32 s4, s20  }
0x9c: {  	s22 =	simm.s32 $0x0;
	s5 =	sshll.u32 s5, $0x1;
	s6 =	sadd.s32 s21, s4  }
0x9d: {  	[timem:s22], [sflag:s7] =	dma.local [hbm:s6], s5  }
0x9e: {  	_ =	swait.ge [sflag:s7], s5  }
0x9f: {  	s5 =	ssub.s32 $0x0, s5;
	[sflag:s7] =	ssyncset.done $0x0  }
0xa0: {  	[sflag:s7] =	ssyncadd.s32 s5;
	_ =	sdelay $0x1  }
0xa1: {  	s23 =	simm.s32 $0x1B8B  }
0xa2: {  	_ =	swait.ge [sflag:s23], $0x1  }
0xa3: {  	[sflag:s23] =	ssyncset.done $0x0  }
0xa4: {  	[sflag:s23] =	ssyncadd.s32 $0xFFFFFFFF  }
0xa5: {  	s5 =	sld [smem:$0x0]  }
0xa6: {  	s6 =	sand.u32 $0xFFFFFFFE, s1  }
0xa7: {  	p0 =	sne.s32 s1, s6  }
0xa8: {  	s6 =	sshll.u32 @p0 s6, $0xE  }
0xa9: {  	s6 =	sadd.s32 @p0 $0x11B8D, s6;
	s7 =	sshll.u32 @p0 s5, $0x11  }
0xaa: {  	s6 =	sor.u32 @p0 s7, s6  }
0xab: {  	[sflag:s6] =	ssyncadd.remote.s32 @p0 $0x1;
	_ =	sdelay $0x1  }
0xac: {  	s6 =	simm.s32 @p0 $0x1B8D  }
0xad: {  	_ =	swait.eq @p0 [sflag:s6], $0x1  }
0xae: {  	[sflag:s6] =	ssyncadd.s32 @p0 $0xFFFFFFFF  }
0xaf: {  	s7 =	sshll.u32 @!p0 s1, $0xE  }
0xb0: {  	s7 =	sor.u32 @!p0 $0x4000, s7;
	s6 =	simm.s32 @!p0 $0x1B8D  }
0xb1: {  	s5 =	sshll.u32 @!p0 s5, $0x11;
	s7 =	sadd.s32 @!p0 $0x11B8D, s7;
	_ =	swait.eq @!p0 [sflag:s6], $0x1  }
0xb2: {  	s5 =	sor.u32 @!p0 s5, s7;
	[sflag:s6] =	ssyncadd.s32 @!p0 $0xFFFFFFFF  }
0xb3: {  	s25 =	simm.s32 $0x1B8E;
	s24 =	sld [smem:$0x3FFE];
	[sflag:s5] =	ssyncadd.remote.s32 @!p0 $0x1  }
0xb4: {  	s26 =	simm.s32 $execute0_lowered;
	[smem:$0x3FD2] =	sst s25  }
0xb5: {  	s6 =	sshll.u32 s26, $0x1;
	_ =	strace $0x8000004C;
	[dreg:$0x1] =	wrdreg $0xFFFFFFFF  }
0xb6: {  	s28 =	simm.s32 $_size_execute0_lowered;
	s4 =	sadd.s32 s4, s6;
	[dreg:$0x0] =	wrdreg $0x0  }
0xb7: {  	s6 =	sshll.u32 s28, $0x1;
	[dreg:$0x2] =	wrdreg s4  }
0xb8: {  	[dreg:$0x3] =	wrdreg s6  }
0xb9: {  	[dreg:$0x4] =	wrdreg $0xC0  }
0xba: {  	_ =	task [dreg:s22], $0x5FFFF  }
0xbb: {  	[dreg:$0x1] =	wrdreg $0xFFFFFFFF  }
0xbc: {  	[dreg:$0x0] =	wrdreg $0x60  }
0xbd: {  	[dreg:$0x2] =	wrdreg s18  }
0xbe: {  	[dreg:$0x3] =	wrdreg s24  }
0xbf: {  	[dreg:$0x4] =	wrdreg $0xB  }
0xc0: {  	_ =	task.clear_ibuf [dreg:s22], $0x5FFFF;
	_ =	strace $0x9000004C  }
0xc1: {  	s29 =	simm.s32 $0xB;
	_ =	strace $0x8000004E  }
0xc2: {  	_ =	swait.ge [sflag:s29], $0x1  }
0xc3: {  	[sflag:s29] =	ssyncadd.s32 $0xFFFFFFFF  }
0xc4: {  	_ =	strace $0x9000004E  }
0xc5: {  	_ =	sfence  }
0xc6: {  	s30 =	sld [smem:$0x0];
	_ =	sdelay $0x2  }
0xc7: {  	s31 =	sshll.u32 s1, $0xD;
	s1 =	sshrl.u32 s1, $0x2  }
0xc8: {  	s4 =	sand.u32 $0x4000, s31;
	s1 =	sadd.s32 s1, s30  }
0xc9: {  	s0 =	sor.u32 s4, s0;
	s1 =	sshll.u32 s1, $0x11  }
0xca: {  	s0 =	sor.u32 s1, s0  }
0xcb: {  	s0 =	sadd.s32 $0x8F2B, s0  }
0xcc: {  	[sflag:s0] =	ssyncadd.remote.s32 $0x1  }
0xcd: {  	_ =	sfence.sel $0xFFFF  }
0xce: {  	[dreg:$0x0] =	wrdreg $0xFFFFFFFF;
	(pc) =	sbr.abs _section_cstart, $3  }
0xcf: {  	[dreg:$0x1] =	wrdreg $0xFFFFFFFF  }
0xd0: {  	_ =	task.clear_ibuf [dreg:s22], $0x2FFFF;
	_ =	strace $0x9FFFFFFF  }
0xd1: {  	(tm) =	ssettm $0x7FFFFFFF  }
tec
execute0_lowered:
.L_overlay_start_1:
0x0: {  	(tag) =	ssettag $0x1  }
0x1: {  	s0 =	srdreg.scid;
	s2 =	rddreg [dreg:$0x0]  }
0x2: {  	s1 =	stileid.u32;
	s4 =	rddreg [dreg:$0x1]  }
0x3: {  	s3 =	simm.s32 $0x0;
	s8 =	simm.s32 $0x3;
	s10 =	simm.s32 $0x2  }
0x4: {  	s11 =	simm.s32 $0x4;
	s13 =	simm.s32 $0x980;
	s14 =	simm.s32 $0x1180  }
0x5: {  	s15 =	simm.s32 $0x1980;
	s16 =	simm.s32 $0x2180;
	s17 =	simm.s32 $0x2980  }
0x6: {  	s18 =	simm.s32 $0x3180;
	s0 =	sand.u32 $0x1, s0;
	s1 =	sshll.u32 s1, $0x1  }
0x7: {  	s19 =	simm.s32 $0x3980;
	s20 =	simm.s32 $0x4180;
	s1 =	sor.u32 s0, s1  }
0x8: {  	s28 =	simm.s32 $0x7980;
	s29 =	simm.s32 $0x8180;
	s1 =	smul.u32 $0x180, s1  }
0x9: {  	s30 =	simm.s32 $0x8980;
	s31 =	simm.s32 $0x9180;
	[smem:$0x7FF] =	sst s3  }
0xa: {  	s6 =	sadd.s32 $0x13CA00, s4;
	s0 =	ssub.s32 $0x2, s0;
	s1 =	sshrl.u32 s1, $0x3  }
0xb: {  	_ =	strace $0x8000004D;
	s24 =	sshrl.u32 s0, $0x1;
	s5 =	smul.u32 $0x1800, s1  }
0xc: {  	s0 =	ssub.s32 s0, s24;
	s4 =	sadd.s32 s4, s1;
	s1 =	smul.u32 $0x300, s1  }
0xd: {  	s24 =	simm.s32 $0x6180;
	s4 =	sadd.s32 $0x4280, s4;
	s5 =	sshrl.u32 s5, $0x3  }
0xe: {  	[dreg:$0x3] =	wrdreg s4;
	s5 =	sadd.s32 s6, s5;
	s6 =	sadd.s32 s6, s1  }
0xf: {  	s7 =	smax.u32 s0, $0x1;
	s21 =	sadd.s32 $0x1800, s5;
	[dreg:$0x9] =	wrdreg s6  }
0x10: {  	s0 =	simm.s32 $0x1;
	s22 =	sadd.s32 $0x3000, s6;
	[dreg:$0x4] =	wrdreg s21  }
0x11: {  	s4 =	simm.s32 $0x180;
	s23 =	sadd.s32 $0x4800, s6;
	[dreg:$0x5] =	wrdreg s22  }
0x12: {  	s25 =	sadd.s32 $0x6000, s6;
	s26 =	sadd.s32 $0x7800, s6;
	[dreg:$0x6] =	wrdreg s23  }
0x13: {  	v2 =	vlaneseq.u32;
	s5 =	sadd.s32 $0x100, s2;
	s6 =	sadd.s32 $0x200, s2;
	[dreg:$0x7] =	wrdreg s25  }
0x14: {  	vm0 =	vmmov $0xffff;
	v1 =	vshrl.u32 v2, $0x3;
	[dreg:$0x8] =	wrdreg s26;
	s21 =	simm.s32 $0x4980;
	s22 =	simm.s32 $0x5180  }
0x15: {  	v0 =	vand.u32 $0x7, v2;
	v2 =	vor.u32 $0x8, v2;
	v1 =	vmul.u32 $0x8, v1;
	s23 =	simm.s32 $0x5980;
	s25 =	simm.s32 $0x6980;
	s26 =	simm.s32 $0x7180  }
.LBB2_1:
0x16: {  	s12 =	rddreg [dreg:$0x3];
	s9 =	simm.s32 $0x5  }
0x17: {  	[tilespmem:s3], [sflag:$0x5] =	stream.linear.gather [hbm4b:s12+s3], $0x180, $0x38;
	[tilespmem:$0x18180] =	vst v63  }
0x18: {  	_ =	swait.ge [sflag:s9], $0x180  }
0x19: {  	[sflag:s9] =	ssyncset.done $0x0  }
0x1a: {  	[sflag:s9] =	ssyncadd.s32 $0xFFFFFE80  }
0x1b: {  	v3 =	vld [tilespmem:$0x0];
	_ =	sdelay $0x4  }
0x1c: {  	v4 =	vshrl.u32 v3, $0x3  }
0x1d: {  	v4 =	vmul.u32 $0x30, v4  }
0x1e: {  	v3 =	vand.u32 $0x7, v3  }
0x1f: {  	v3 =	vor.u32 v3, v4  }
0x20: {  	v4 =	vperm.xlane v3, v0;
	_ =	sdelay $0x1  }
0x21: {  	v4 =	vadd.s32 v1, v4;
	_ =	sdelay $0x3  }
0x22: {  	v3 =	vperm.xlane v3, v2  }
0x23: {  	[tilespmem:s4], [sflag:$0x1] =	stream.indirect_vreg.gather [hbm4b:s2+s3], $0x80, v4, vm0, $0xb8;
	[tilespmem:$0x18180] =	vst v63  }
0x24: {  	v3 =	vadd.s32 v1, v3  }
0x25: {  	[tilespmem:s13], [sflag:$0x1] =	stream.indirect_vreg.gather [hbm4b:s5+s3], $0x80, v4, vm0, $0xb8;
	[tilespmem:$0x18180] =	vst v63  }
0x26: {  	_ = 	snop  }
0x27: {  	[tilespmem:s14], [sflag:$0x1] =	stream.indirect_vreg.gather [hbm4b:s6+s3], $0x80, v4, vm0, $0xb8;
	[tilespmem:$0x18180] =	vst v63  }
0x28: {  	_ = 	snop  }
0x29: {  	[tilespmem:s15], [sflag:$0x1] =	stream.indirect_vreg.gather [hbm4b:s2+s3], $0x80, v3, vm0, $0xb8;
	[tilespmem:$0x18180] =	vst v63  }
0x2a: {  	_ = 	snop  }
0x2b: {  	[tilespmem:s16], [sflag:$0x1] =	stream.indirect_vreg.gather [hbm4b:s5+s3], $0x80, v3, vm0, $0xb8;
	[tilespmem:$0x18180] =	vst v63  }
0x2c: {  	_ = 	snop  }
0x2d: {  	[tilespmem:s17], [sflag:$0x1] =	stream.indirect_vreg.gather [hbm4b:s6+s3], $0x80, v3, vm0, $0xb8;
	[tilespmem:$0x18180] =	vst v63  }
0x2e: {  	v3 =	vld [tilespmem:$0x10];
	_ =	sdelay $0x4  }
0x2f: {  	v41 =	vshrl.u32 v3, $0x3  }
0x30: {  	v4 =	vmul.u32 $0x30, v41  }
0x31: {  	v3 =	vand.u32 $0x7, v3  }
0x32: {  	v3 =	vor.u32 v3, v4  }
0x33: {  	v4 =	vperm.xlane v3, v0;
	_ =	sdelay $0x1  }
0x34: {  	v4 =	vadd.s32 v1, v4;
	_ =	sdelay $0x3  }
0x35: {  	v3 =	vperm.xlane v3, v2  }
0x36: {  	[tilespmem:s18], [sflag:$0x1] =	stream.indirect_vreg.gather [hbm4b:s2+s3], $0x80, v4, vm0, $0xb8;
	[tilespmem:$0x18180] =	vst v63  }
0x37: {  	v3 =	vadd.s32 v1, v3  }
0x38: {  	[tilespmem:s19], [sflag:$0x1] =	stream.indirect_vreg.gather [hbm4b:s5+s3], $0x80, v4, vm0, $0xb8;
	[tilespmem:$0x18180] =	vst v63  }
0x39: {  	_ = 	snop  }
0x3a: {  	[tilespmem:s20], [sflag:$0x1] =	stream.indirect_vreg.gather [hbm4b:s6+s3], $0x80, v4, vm0, $0xb8;
	[tilespmem:$0x18180] =	vst v63  }
0x3b: {  	_ = 	snop  }
0x3c: {  	[tilespmem:s21], [sflag:$0x1] =	stream.indirect_vreg.gather [hbm4b:s2+s3], $0x80, v3, vm0, $0xb8;
	[tilespmem:$0x18180] =	vst v63  }
0x3d: {  	_ = 	snop  }
0x3e: {  	[tilespmem:s22], [sflag:$0x1] =	stream.indirect_vreg.gather [hbm4b:s5+s3], $0x80, v3, vm0, $0xb8;
	[tilespmem:$0x18180] =	vst v63  }
0x3f: {  	_ = 	snop  }
0x40: {  	[tilespmem:s23], [sflag:$0x1] =	stream.indirect_vreg.gather [hbm4b:s6+s3], $0x80, v3, vm0, $0xb8;
	[tilespmem:$0x18180] =	vst v63  }
0x41: {  	v3 =	vld [tilespmem:$0x20];
	_ =	sdelay $0x4  }
0x42: {  	v42 =	vshrl.u32 v3, $0x3  }
0x43: {  	v4 =	vmul.u32 $0x30, v42  }
0x44: {  	v3 =	vand.u32 $0x7, v3  }
0x45: {  	v3 =	vor.u32 v3, v4  }
0x46: {  	v4 =	vperm.xlane v3, v0;
	_ =	sdelay $0x1  }
0x47: {  	v4 =	vadd.s32 v1, v4;
	_ =	sdelay $0x3  }
0x48: {  	v3 =	vperm.xlane v3, v2  }
0x49: {  	[tilespmem:s24], [sflag:$0x1] =	stream.indirect_vreg.gather [hbm4b:s2+s3], $0x80, v4, vm0, $0xb8;
	[tilespmem:$0x18180] =	vst v63  }
0x4a: {  	v3 =	vadd.s32 v1, v3  }
0x4b: {  	[tilespmem:s25], [sflag:$0x1] =	stream.indirect_vreg.gather [hbm4b:s5+s3], $0x80, v4, vm0, $0xb8;
	[tilespmem:$0x18180] =	vst v63  }
0x4c: {  	_ = 	snop  }
0x4d: {  	[tilespmem:s26], [sflag:$0x1] =	stream.indirect_vreg.gather [hbm4b:s6+s3], $0x80, v4, vm0, $0xb8;
	[tilespmem:$0x18180] =	vst v63  }
0x4e: {  	_ = 	snop  }
0x4f: {  	[tilespmem:s28], [sflag:$0x1] =	stream.indirect_vreg.gather [hbm4b:s2+s3], $0x80, v3, vm0, $0xb8;
	[tilespmem:$0x18180] =	vst v63  }
0x50: {  	_ = 	snop  }
0x51: {  	[tilespmem:s29], [sflag:$0x1] =	stream.indirect_vreg.gather [hbm4b:s5+s3], $0x80, v3, vm0, $0xb8;
	[tilespmem:$0x18180] =	vst v63  }
0x52: {  	_ = 	snop  }
0x53: {  	[tilespmem:s30], [sflag:$0x1] =	stream.indirect_vreg.gather [hbm4b:s6+s3], $0x80, v3, vm0, $0xb8;
	[tilespmem:$0x18180] =	vst v63  }
0x54: {  	v3 =	vld [tilespmem:$0x30];
	_ =	sdelay $0x4  }
0x55: {  	v43 =	vshrl.u32 v3, $0x3  }
0x56: {  	v4 =	vmul.u32 $0x30, v43  }
0x57: {  	v3 =	vand.u32 $0x7, v3  }
0x58: {  	v3 =	vor.u32 v3, v4  }
0x59: {  	v4 =	vperm.xlane v3, v0;
	_ =	sdelay $0x1  }
0x5a: {  	v4 =	vadd.s32 v1, v4;
	_ =	sdelay $0x3  }
0x5b: {  	v3 =	vperm.xlane v3, v2  }
0x5c: {  	[tilespmem:s31], [sflag:$0x1] =	stream.indirect_vreg.gather [hbm4b:s2+s3], $0x80, v4, vm0, $0xb8;
	[tilespmem:$0x18180] =	vst v63  }
0x5d: {  	s1 =	simm.s32 $0x9980;
	v3 =	vadd.s32 v1, v3  }
0x5e: {  	[tilespmem:s1], [sflag:$0x1] =	stream.indirect_vreg.gather [hbm4b:s5+s3], $0x80, v4, vm0, $0xb8;
	[tilespmem:$0x18180] =	vst v63  }
0x5f: {  	s9 =	simm.s32 $0xA180  }
0x60: {  	[tilespmem:s9], [sflag:$0x1] =	stream.indirect_vreg.gather [hbm4b:s6+s3], $0x80, v4, vm0, $0xb8;
	[tilespmem:$0x18180] =	vst v63  }
0x61: {  	s12 =	simm.s32 $0xA980  }
0x62: {  	[tilespmem:s12], [sflag:$0x1] =	stream.indirect_vreg.gather [hbm4b:s2+s3], $0x80, v3, vm0, $0xb8;
	[tilespmem:$0x18180] =	vst v63  }
0x63: {  	s12 =	simm.s32 $0xB180  }
0x64: {  	[tilespmem:s12], [sflag:$0x1] =	stream.indirect_vreg.gather [hbm4b:s5+s3], $0x80, v3, vm0, $0xb8;
	[tilespmem:$0x18180] =	vst v63  }
0x65: {  	s12 =	simm.s32 $0xB980  }
0x66: {  	[tilespmem:s12], [sflag:$0x1] =	stream.indirect_vreg.gather [hbm4b:s6+s3], $0x80, v3, vm0, $0xb8;
	[tilespmem:$0x18180] =	vst v63  }
0x67: {  	v3 =	vld [tilespmem:$0x40];
	_ =	sdelay $0x4  }
0x68: {  	v44 =	vshrl.u32 v3, $0x3  }
0x69: {  	v4 =	vmul.u32 $0x30, v44  }
0x6a: {  	v3 =	vand.u32 $0x7, v3  }
0x6b: {  	v3 =	vor.u32 v3, v4  }
0x6c: {  	v4 =	vperm.xlane v3, v0;
	_ =	sdelay $0x1  }
0x6d: {  	v4 =	vadd.s32 v1, v4;
	_ =	sdelay $0x3  }
0x6e: {  	s1 =	simm.s32 $0xC180;
	v3 =	vperm.xlane v3, v2  }
0x6f: {  	[tilespmem:s1], [sflag:$0x2] =	stream.indirect_vreg.gather [hbm4b:s2+s3], $0x80, v4, vm0, $0xb8;
	[tilespmem:$0x18180] =	vst v63  }
0x70: {  	s12 =	simm.s32 $0xC980;
	v3 =	vadd.s32 v1, v3  }
0x71: {  	[tilespmem:s12], [sflag:$0x2] =	stream.indirect_vreg.gather [hbm4b:s5+s3], $0x80, v4, vm0, $0xb8;
	[tilespmem:$0x18180] =	vst v63  }
0x72: {  	s12 =	simm.s32 $0xD180  }
0x73: {  	[tilespmem:s12], [sflag:$0x2] =	stream.indirect_vreg.gather [hbm4b:s6+s3], $0x80, v4, vm0, $0xb8;
	[tilespmem:$0x18180] =	vst v63  }
0x74: {  	s12 =	simm.s32 $0xD980  }
0x75: {  	[tilespmem:s12], [sflag:$0x2] =	stream.indirect_vreg.gather [hbm4b:s2+s3], $0x80, v3, vm0, $0xb8;
	[tilespmem:$0x18180] =	vst v63  }
0x76: {  	s12 =	simm.s32 $0xE180  }
0x77: {  	[tilespmem:s12], [sflag:$0x2] =	stream.indirect_vreg.gather [hbm4b:s5+s3], $0x80, v3, vm0, $0xb8;
	[tilespmem:$0x18180] =	vst v63  }
0x78: {  	s12 =	simm.s32 $0xE980  }
0x79: {  	[tilespmem:s12], [sflag:$0x2] =	stream.indirect_vreg.gather [hbm4b:s6+s3], $0x80, v3, vm0, $0xb8;
	[tilespmem:$0x18180] =	vst v63  }
0x7a: {  	v3 =	vld [tilespmem:$0x50];
	_ =	sdelay $0x4  }
0x7b: {  	v45 =	vshrl.u32 v3, $0x3  }
0x7c: {  	v4 =	vmul.u32 $0x30, v45  }
0x7d: {  	v3 =	vand.u32 $0x7, v3  }
0x7e: {  	v3 =	vor.u32 v3, v4  }
0x7f: {  	v4 =	vperm.xlane v3, v0;
	_ =	sdelay $0x1  }
0x80: {  	v4 =	vadd.s32 v1, v4;
	_ =	sdelay $0x3  }
0x81: {  	s12 =	simm.s32 $0xF180;
	v3 =	vperm.xlane v3, v2  }
0x82: {  	[tilespmem:s12], [sflag:$0x2] =	stream.indirect_vreg.gather [hbm4b:s2+s3], $0x80, v4, vm0, $0xb8;
	[tilespmem:$0x18180] =	vst v63  }
0x83: {  	v3 =	vadd.s32 v1, v3;
	s12 =	simm.s32 $0xF980  }
0x84: {  	[tilespmem:s12], [sflag:$0x2] =	stream.indirect_vreg.gather [hbm4b:s5+s3], $0x80, v4, vm0, $0xb8;
	[tilespmem:$0x18180] =	vst v63  }
0x85: {  	s12 =	simm.s32 $0x10180  }
0x86: {  	[tilespmem:s12], [sflag:$0x2] =	stream.indirect_vreg.gather [hbm4b:s6+s3], $0x80, v4, vm0, $0xb8;
	[tilespmem:$0x18180] =	vst v63  }
0x87: {  	s12 =	simm.s32 $0x10980  }
0x88: {  	[tilespmem:s12], [sflag:$0x2] =	stream.indirect_vreg.gather [hbm4b:s2+s3], $0x80, v3, vm0, $0xb8;
	[tilespmem:$0x18180] =	vst v63  }
0x89: {  	s12 =	simm.s32 $0x11180  }
0x8a: {  	[tilespmem:s12], [sflag:$0x2] =	stream.indirect_vreg.gather [hbm4b:s5+s3], $0x80, v3, vm0, $0xb8;
	[tilespmem:$0x18180] =	vst v63  }
0x8b: {  	s12 =	simm.s32 $0x11980  }
0x8c: {  	[tilespmem:s12], [sflag:$0x2] =	stream.indirect_vreg.gather [hbm4b:s6+s3], $0x80, v3, vm0, $0xb8;
	[tilespmem:$0x18180] =	vst v63  }
0x8d: {  	v3 =	vld [tilespmem:$0x60];
	_ =	sdelay $0x4  }
0x8e: {  	v46 =	vshrl.u32 v3, $0x3  }
0x8f: {  	v4 =	vmul.u32 $0x30, v46  }
0x90: {  	v3 =	vand.u32 $0x7, v3  }
0x91: {  	v3 =	vor.u32 v3, v4  }
0x92: {  	v4 =	vperm.xlane v3, v0;
	_ =	sdelay $0x1  }
0x93: {  	v4 =	vadd.s32 v1, v4;
	_ =	sdelay $0x3  }
0x94: {  	s12 =	simm.s32 $0x12180;
	v3 =	vperm.xlane v3, v2  }
0x95: {  	[tilespmem:s12], [sflag:$0x2] =	stream.indirect_vreg.gather [hbm4b:s2+s3], $0x80, v4, vm0, $0xb8;
	[tilespmem:$0x18180] =	vst v63  }
0x96: {  	v3 =	vadd.s32 v1, v3;
	s12 =	simm.s32 $0x12980  }
0x97: {  	[tilespmem:s12], [sflag:$0x2] =	stream.indirect_vreg.gather [hbm4b:s5+s3], $0x80, v4, vm0, $0xb8;
	[tilespmem:$0x18180] =	vst v63  }
0x98: {  	s12 =	simm.s32 $0x13180  }
0x99: {  	[tilespmem:s12], [sflag:$0x2] =	stream.indirect_vreg.gather [hbm4b:s6+s3], $0x80, v4, vm0, $0xb8;
	[tilespmem:$0x18180] =	vst v63  }
0x9a: {  	s12 =	simm.s32 $0x13980  }
0x9b: {  	[tilespmem:s12], [sflag:$0x2] =	stream.indirect_vreg.gather [hbm4b:s2+s3], $0x80, v3, vm0, $0xb8;
	[tilespmem:$0x18180] =	vst v63  }
0x9c: {  	s12 =	simm.s32 $0x14180  }
0x9d: {  	[tilespmem:s12], [sflag:$0x2] =	stream.indirect_vreg.gather [hbm4b:s5+s3], $0x80, v3, vm0, $0xb8;
	[tilespmem:$0x18180] =	vst v63  }
0x9e: {  	s12 =	simm.s32 $0x14980  }
0x9f: {  	[tilespmem:s12], [sflag:$0x2] =	stream.indirect_vreg.gather [hbm4b:s6+s3], $0x80, v3, vm0, $0xb8;
	[tilespmem:$0x18180] =	vst v63  }
0xa0: {  	v3 =	vld [tilespmem:$0x70];
	_ =	sdelay $0x4  }
0xa1: {  	v47 =	vshrl.u32 v3, $0x3  }
0xa2: {  	v4 =	vmul.u32 $0x30, v47  }
0xa3: {  	v3 =	vand.u32 $0x7, v3  }
0xa4: {  	v3 =	vor.u32 v3, v4  }
0xa5: {  	v4 =	vperm.xlane v3, v0;
	_ =	sdelay $0x1  }
0xa6: {  	v4 =	vadd.s32 v1, v4;
	_ =	sdelay $0x3  }
0xa7: {  	s12 =	simm.s32 $0x15180;
	v3 =	vperm.xlane v3, v2  }
0xa8: {  	[tilespmem:s12], [sflag:$0x2] =	stream.indirect_vreg.gather [hbm4b:s2+s3], $0x80, v4, vm0, $0xb8;
	[tilespmem:$0x18180] =	vst v63  }
0xa9: {  	v3 =	vadd.s32 v1, v3;
	s12 =	simm.s32 $0x15980  }
0xaa: {  	[tilespmem:s12], [sflag:$0x2] =	stream.indirect_vreg.gather [hbm4b:s5+s3], $0x80, v4, vm0, $0xb8;
	[tilespmem:$0x18180] =	vst v63  }
0xab: {  	s12 =	simm.s32 $0x16180  }
0xac: {  	[tilespmem:s12], [sflag:$0x2] =	stream.indirect_vreg.gather [hbm4b:s6+s3], $0x80, v4, vm0, $0xb8;
	[tilespmem:$0x18180] =	vst v63  }
0xad: {  	s12 =	simm.s32 $0x16980  }
0xae: {  	[tilespmem:s12], [sflag:$0x2] =	stream.indirect_vreg.gather [hbm4b:s2+s3], $0x80, v3, vm0, $0xb8;
	[tilespmem:$0x18180] =	vst v63  }
0xaf: {  	s12 =	simm.s32 $0x17180  }
0xb0: {  	[tilespmem:s12], [sflag:$0x2] =	stream.indirect_vreg.gather [hbm4b:s5+s3], $0x80, v3, vm0, $0xb8;
	[tilespmem:$0x18180] =	vst v63  }
0xb1: {  	s12 =	simm.s32 $0x17980  }
0xb2: {  	[tilespmem:s12], [sflag:$0x2] =	stream.indirect_vreg.gather [hbm4b:s6+s3], $0x80, v3, vm0, $0xb8;
	[tilespmem:$0x18180] =	vst v63  }
0xb3: {  	_ =	swait.ge [sflag:s0], $0xC000  }
0xb4: {  	[sflag:s0] =	ssyncset.done $0x0  }
0xb5: {  	s12 =	rddreg [dreg:$0x9];
	[sflag:s0] =	ssyncadd.s32 $0xFFFF4000  }
0xb6: {  	[hbm4b:s12+s3] =	stream.linear.scatter [tilespmem:s4], [sflag:$0x3], $0xC000, $0x38;
	[tilespmem:$0x18180] =	vst v63  }
0xb7: {  	_ =	swait.ge [sflag:s8], $0xC000  }
0xb8: {  	[sflag:s8] =	ssyncset.done $0x0  }
0xb9: {  	[sflag:s8] =	ssyncadd.s32 $0xFFFF4000  }
0xba: {  	v3 =	vld [tilespmem:$0x80];
	_ =	sdelay $0x4  }
0xbb: {  	v48 =	vshrl.u32 v3, $0x3  }
0xbc: {  	v4 =	vmul.u32 $0x30, v48  }
0xbd: {  	v3 =	vand.u32 $0x7, v3  }
0xbe: {  	v3 =	vor.u32 v3, v4  }
0xbf: {  	v4 =	vperm.xlane v3, v0;
	_ =	sdelay $0x1  }
0xc0: {  	v4 =	vadd.s32 v1, v4;
	_ =	sdelay $0x3  }
0xc1: {  	v3 =	vperm.xlane v3, v2  }
0xc2: {  	[tilespmem:s4], [sflag:$0x1] =	stream.indirect_vreg.gather [hbm4b:s2+s3], $0x80, v4, vm0, $0xb8;
	[tilespmem:$0x18180] =	vst v63  }
0xc3: {  	v3 =	vadd.s32 v1, v3  }
0xc4: {  	[tilespmem:s13], [sflag:$0x1] =	stream.indirect_vreg.gather [hbm4b:s5+s3], $0x80, v4, vm0, $0xb8;
	[tilespmem:$0x18180] =	vst v63  }
0xc5: {  	_ = 	snop  }
0xc6: {  	[tilespmem:s14], [sflag:$0x1] =	stream.indirect_vreg.gather [hbm4b:s6+s3], $0x80, v4, vm0, $0xb8;
	[tilespmem:$0x18180] =	vst v63  }
0xc7: {  	_ = 	snop  }
0xc8: {  	[tilespmem:s15], [sflag:$0x1] =	stream.indirect_vreg.gather [hbm4b:s2+s3], $0x80, v3, vm0, $0xb8;
	[tilespmem:$0x18180] =	vst v63  }
0xc9: {  	_ = 	snop  }
0xca: {  	[tilespmem:s16], [sflag:$0x1] =	stream.indirect_vreg.gather [hbm4b:s5+s3], $0x80, v3, vm0, $0xb8;
	[tilespmem:$0x18180] =	vst v63  }
0xcb: {  	_ = 	snop  }
0xcc: {  	[tilespmem:s17], [sflag:$0x1] =	stream.indirect_vreg.gather [hbm4b:s6+s3], $0x80, v3, vm0, $0xb8;
	[tilespmem:$0x18180] =	vst v63  }
0xcd: {  	v3 =	vld [tilespmem:$0x90];
	_ =	sdelay $0x4  }
0xce: {  	v49 =	vshrl.u32 v3, $0x3  }
0xcf: {  	v4 =	vmul.u32 $0x30, v49  }
0xd0: {  	v3 =	vand.u32 $0x7, v3  }
0xd1: {  	v3 =	vor.u32 v3, v4  }
0xd2: {  	v4 =	vperm.xlane v3, v0;
	_ =	sdelay $0x1  }
0xd3: {  	v4 =	vadd.s32 v1, v4;
	_ =	sdelay $0x3  }
0xd4: {  	v3 =	vperm.xlane v3, v2  }
0xd5: {  	[tilespmem:s18], [sflag:$0x1] =	stream.indirect_vreg.gather [hbm4b:s2+s3], $0x80, v4, vm0, $0xb8;
	[tilespmem:$0x18180] =	vst v63  }
0xd6: {  	v3 =	vadd.s32 v1, v3  }
0xd7: {  	[tilespmem:s19], [sflag:$0x1] =	stream.indirect_vreg.gather [hbm4b:s5+s3], $0x80, v4, vm0, $0xb8;
	[tilespmem:$0x18180] =	vst v63  }
0xd8: {  	_ = 	snop  }
0xd9: {  	[tilespmem:s20], [sflag:$0x1] =	stream.indirect_vreg.gather [hbm4b:s6+s3], $0x80, v4, vm0, $0xb8;
	[tilespmem:$0x18180] =	vst v63  }
0xda: {  	_ = 	snop  }
0xdb: {  	[tilespmem:s21], [sflag:$0x1] =	stream.indirect_vreg.gather [hbm4b:s2+s3], $0x80, v3, vm0, $0xb8;
	[tilespmem:$0x18180] =	vst v63  }
0xdc: {  	_ = 	snop  }
0xdd: {  	[tilespmem:s22], [sflag:$0x1] =	stream.indirect_vreg.gather [hbm4b:s5+s3], $0x80, v3, vm0, $0xb8;
	[tilespmem:$0x18180] =	vst v63  }
0xde: {  	_ = 	snop  }
0xdf: {  	[tilespmem:s23], [sflag:$0x1] =	stream.indirect_vreg.gather [hbm4b:s6+s3], $0x80, v3, vm0, $0xb8;
	[tilespmem:$0x18180] =	vst v63  }
0xe0: {  	v3 =	vld [tilespmem:$0xA0];
	_ =	sdelay $0x4  }
0xe1: {  	v50 =	vshrl.u32 v3, $0x3  }
0xe2: {  	v4 =	vmul.u32 $0x30, v50  }
0xe3: {  	v3 =	vand.u32 $0x7, v3  }
0xe4: {  	v3 =	vor.u32 v3, v4  }
0xe5: {  	v4 =	vperm.xlane v3, v0;
	_ =	sdelay $0x1  }
0xe6: {  	v4 =	vadd.s32 v1, v4;
	_ =	sdelay $0x3  }
0xe7: {  	v3 =	vperm.xlane v3, v2  }
0xe8: {  	[tilespmem:s24], [sflag:$0x1] =	stream.indirect_vreg.gather [hbm4b:s2+s3], $0x80, v4, vm0, $0xb8;
	[tilespmem:$0x18180] =	vst v63  }
0xe9: {  	v3 =	vadd.s32 v1, v3  }
0xea: {  	[tilespmem:s25], [sflag:$0x1] =	stream.indirect_vreg.gather [hbm4b:s5+s3], $0x80, v4, vm0, $0xb8;
	[tilespmem:$0x18180] =	vst v63  }
0xeb: {  	_ = 	snop  }
0xec: {  	[tilespmem:s26], [sflag:$0x1] =	stream.indirect_vreg.gather [hbm4b:s6+s3], $0x80, v4, vm0, $0xb8;
	[tilespmem:$0x18180] =	vst v63  }
0xed: {  	_ = 	snop  }
0xee: {  	[tilespmem:s28], [sflag:$0x1] =	stream.indirect_vreg.gather [hbm4b:s2+s3], $0x80, v3, vm0, $0xb8;
	[tilespmem:$0x18180] =	vst v63  }
0xef: {  	_ = 	snop  }
0xf0: {  	[tilespmem:s29], [sflag:$0x1] =	stream.indirect_vreg.gather [hbm4b:s5+s3], $0x80, v3, vm0, $0xb8;
	[tilespmem:$0x18180] =	vst v63  }
0xf1: {  	_ = 	snop  }
0xf2: {  	[tilespmem:s30], [sflag:$0x1] =	stream.indirect_vreg.gather [hbm4b:s6+s3], $0x80, v3, vm0, $0xb8;
	[tilespmem:$0x18180] =	vst v63  }
0xf3: {  	v3 =	vld [tilespmem:$0xB0];
	_ =	sdelay $0x4  }
0xf4: {  	v51 =	vshrl.u32 v3, $0x3  }
0xf5: {  	v4 =	vmul.u32 $0x30, v51  }
0xf6: {  	v3 =	vand.u32 $0x7, v3  }
0xf7: {  	v3 =	vor.u32 v3, v4  }
0xf8: {  	v4 =	vperm.xlane v3, v0;
	_ =	sdelay $0x1  }
0xf9: {  	v4 =	vadd.s32 v1, v4;
	_ =	sdelay $0x3  }
0xfa: {  	v3 =	vperm.xlane v3, v2  }
0xfb: {  	[tilespmem:s31], [sflag:$0x1] =	stream.indirect_vreg.gather [hbm4b:s2+s3], $0x80, v4, vm0, $0xb8;
	[tilespmem:$0x18180] =	vst v63  }
0xfc: {  	s12 =	simm.s32 $0x9980;
	v3 =	vadd.s32 v1, v3  }
0xfd: {  	[tilespmem:s12], [sflag:$0x1] =	stream.indirect_vreg.gather [hbm4b:s5+s3], $0x80, v4, vm0, $0xb8;
	[tilespmem:$0x18180] =	vst v63  }
0xfe: {  	_ = 	snop  }
0xff: {  	[tilespmem:s9], [sflag:$0x1] =	stream.indirect_vreg.gather [hbm4b:s6+s3], $0x80, v4, vm0, $0xb8;
	[tilespmem:$0x18180] =	vst v63  }
0x100: {  	s12 =	simm.s32 $0xA980  }
0x101: {  	[tilespmem:s12], [sflag:$0x1] =	stream.indirect_vreg.gather [hbm4b:s2+s3], $0x80, v3, vm0, $0xb8;
	[tilespmem:$0x18180] =	vst v63  }
0x102: {  	s12 =	simm.s32 $0xB180  }
0x103: {  	[tilespmem:s12], [sflag:$0x1] =	stream.indirect_vreg.gather [hbm4b:s5+s3], $0x80, v3, vm0, $0xb8;
	[tilespmem:$0x18180] =	vst v63  }
0x104: {  	s12 =	simm.s32 $0xB980  }
0x105: {  	[tilespmem:s12], [sflag:$0x1] =	stream.indirect_vreg.gather [hbm4b:s6+s3], $0x80, v3, vm0, $0xb8;
	[tilespmem:$0x18180] =	vst v63  }
0x106: {  	_ =	swait.ge [sflag:s10], $0xC000  }
0x107: {  	[sflag:s10] =	ssyncset.done $0x0  }
0x108: {  	s12 =	rddreg [dreg:$0x4];
	[sflag:s10] =	ssyncadd.s32 $0xFFFF4000  }
0x109: {  	[hbm4b:s12+s3] =	stream.linear.scatter [tilespmem:s1], [sflag:$0x4], $0xC000, $0x38;
	[tilespmem:$0x18180] =	vst v63  }
0x10a: {  	_ =	swait.ge [sflag:s11], $0xC000  }
0x10b: {  	[sflag:s11] =	ssyncset.done $0x0  }
0x10c: {  	[sflag:s11] =	ssyncadd.s32 $0xFFFF4000  }
0x10d: {  	v3 =	vld [tilespmem:$0xC0];
	_ =	sdelay $0x4  }
0x10e: {  	v52 =	vshrl.u32 v3, $0x3  }
0x10f: {  	v4 =	vmul.u32 $0x30, v52  }
0x110: {  	v3 =	vand.u32 $0x7, v3  }
0x111: {  	v3 =	vor.u32 v3, v4  }
0x112: {  	v4 =	vperm.xlane v3, v0;
	_ =	sdelay $0x1  }
0x113: {  	v4 =	vadd.s32 v1, v4;
	_ =	sdelay $0x3  }
0x114: {  	v3 =	vperm.xlane v3, v2  }
0x115: {  	[tilespmem:s1], [sflag:$0x2] =	stream.indirect_vreg.gather [hbm4b:s2+s3], $0x80, v4, vm0, $0xb8;
	[tilespmem:$0x18180] =	vst v63  }
0x116: {  	s12 =	simm.s32 $0xC980;
	v3 =	vadd.s32 v1, v3  }
0x117: {  	[tilespmem:s12], [sflag:$0x2] =	stream.indirect_vreg.gather [hbm4b:s5+s3], $0x80, v4, vm0, $0xb8;
	[tilespmem:$0x18180] =	vst v63  }
0x118: {  	s12 =	simm.s32 $0xD180  }
0x119: {  	[tilespmem:s12], [sflag:$0x2] =	stream.indirect_vreg.gather [hbm4b:s6+s3], $0x80, v4, vm0, $0xb8;
	[tilespmem:$0x18180] =	vst v63  }
0x11a: {  	s12 =	simm.s32 $0xD980  }
0x11b: {  	[tilespmem:s12], [sflag:$0x2] =	stream.indirect_vreg.gather [hbm4b:s2+s3], $0x80, v3, vm0, $0xb8;
	[tilespmem:$0x18180] =	vst v63  }
0x11c: {  	s12 =	simm.s32 $0xE180  }
0x11d: {  	[tilespmem:s12], [sflag:$0x2] =	stream.indirect_vreg.gather [hbm4b:s5+s3], $0x80, v3, vm0, $0xb8;
	[tilespmem:$0x18180] =	vst v63  }
0x11e: {  	s12 =	simm.s32 $0xE980  }
0x11f: {  	[tilespmem:s12], [sflag:$0x2] =	stream.indirect_vreg.gather [hbm4b:s6+s3], $0x80, v3, vm0, $0xb8;
	[tilespmem:$0x18180] =	vst v63  }
0x120: {  	v3 =	vld [tilespmem:$0xD0];
	_ =	sdelay $0x4  }
0x121: {  	v53 =	vshrl.u32 v3, $0x3  }
0x122: {  	v4 =	vmul.u32 $0x30, v53  }
0x123: {  	v3 =	vand.u32 $0x7, v3  }
0x124: {  	v3 =	vor.u32 v3, v4  }
0x125: {  	v4 =	vperm.xlane v3, v0;
	_ =	sdelay $0x1  }
0x126: {  	v4 =	vadd.s32 v1, v4;
	_ =	sdelay $0x3  }
0x127: {  	s12 =	simm.s32 $0xF180;
	v3 =	vperm.xlane v3, v2  }
0x128: {  	[tilespmem:s12], [sflag:$0x2] =	stream.indirect_vreg.gather [hbm4b:s2+s3], $0x80, v4, vm0, $0xb8;
	[tilespmem:$0x18180] =	vst v63  }
0x129: {  	v3 =	vadd.s32 v1, v3;
	s12 =	simm.s32 $0xF980  }
0x12a: {  	[tilespmem:s12], [sflag:$0x2] =	stream.indirect_vreg.gather [hbm4b:s5+s3], $0x80, v4, vm0, $0xb8;
	[tilespmem:$0x18180] =	vst v63  }
0x12b: {  	s12 =	simm.s32 $0x10180  }
0x12c: {  	[tilespmem:s12], [sflag:$0x2] =	stream.indirect_vreg.gather [hbm4b:s6+s3], $0x80, v4, vm0, $0xb8;
	[tilespmem:$0x18180] =	vst v63  }
0x12d: {  	s12 =	simm.s32 $0x10980  }
0x12e: {  	[tilespmem:s12], [sflag:$0x2] =	stream.indirect_vreg.gather [hbm4b:s2+s3], $0x80, v3, vm0, $0xb8;
	[tilespmem:$0x18180] =	vst v63  }
0x12f: {  	s12 =	simm.s32 $0x11180  }
0x130: {  	[tilespmem:s12], [sflag:$0x2] =	stream.indirect_vreg.gather [hbm4b:s5+s3], $0x80, v3, vm0, $0xb8;
	[tilespmem:$0x18180] =	vst v63  }
0x131: {  	s12 =	simm.s32 $0x11980  }
0x132: {  	[tilespmem:s12], [sflag:$0x2] =	stream.indirect_vreg.gather [hbm4b:s6+s3], $0x80, v3, vm0, $0xb8;
	[tilespmem:$0x18180] =	vst v63  }
0x133: {  	v3 =	vld [tilespmem:$0xE0];
	_ =	sdelay $0x4  }
0x134: {  	v54 =	vshrl.u32 v3, $0x3  }
0x135: {  	v4 =	vmul.u32 $0x30, v54  }
0x136: {  	v3 =	vand.u32 $0x7, v3  }
0x137: {  	v3 =	vor.u32 v3, v4  }
0x138: {  	v4 =	vperm.xlane v3, v0;
	_ =	sdelay $0x1  }
0x139: {  	v4 =	vadd.s32 v1, v4;
	_ =	sdelay $0x3  }
0x13a: {  	s12 =	simm.s32 $0x12180;
	v3 =	vperm.xlane v3, v2  }
0x13b: {  	[tilespmem:s12], [sflag:$0x2] =	stream.indirect_vreg.gather [hbm4b:s2+s3], $0x80, v4, vm0, $0xb8;
	[tilespmem:$0x18180] =	vst v63  }
0x13c: {  	v3 =	vadd.s32 v1, v3;
	s12 =	simm.s32 $0x12980  }
0x13d: {  	[tilespmem:s12], [sflag:$0x2] =	stream.indirect_vreg.gather [hbm4b:s5+s3], $0x80, v4, vm0, $0xb8;
	[tilespmem:$0x18180] =	vst v63  }
0x13e: {  	s12 =	simm.s32 $0x13180  }
0x13f: {  	[tilespmem:s12], [sflag:$0x2] =	stream.indirect_vreg.gather [hbm4b:s6+s3], $0x80, v4, vm0, $0xb8;
	[tilespmem:$0x18180] =	vst v63  }
0x140: {  	s12 =	simm.s32 $0x13980  }
0x141: {  	[tilespmem:s12], [sflag:$0x2] =	stream.indirect_vreg.gather [hbm4b:s2+s3], $0x80, v3, vm0, $0xb8;
	[tilespmem:$0x18180] =	vst v63  }
0x142: {  	s12 =	simm.s32 $0x14180  }
0x143: {  	[tilespmem:s12], [sflag:$0x2] =	stream.indirect_vreg.gather [hbm4b:s5+s3], $0x80, v3, vm0, $0xb8;
	[tilespmem:$0x18180] =	vst v63  }
0x144: {  	s12 =	simm.s32 $0x14980  }
0x145: {  	[tilespmem:s12], [sflag:$0x2] =	stream.indirect_vreg.gather [hbm4b:s6+s3], $0x80, v3, vm0, $0xb8;
	[tilespmem:$0x18180] =	vst v63  }
0x146: {  	v3 =	vld [tilespmem:$0xF0];
	_ =	sdelay $0x4  }
0x147: {  	v55 =	vshrl.u32 v3, $0x3  }
0x148: {  	v4 =	vmul.u32 $0x30, v55  }
0x149: {  	v3 =	vand.u32 $0x7, v3  }
0x14a: {  	v3 =	vor.u32 v3, v4  }
0x14b: {  	v4 =	vperm.xlane v3, v0;
	_ =	sdelay $0x1  }
0x14c: {  	v4 =	vadd.s32 v1, v4;
	_ =	sdelay $0x3  }
0x14d: {  	s12 =	simm.s32 $0x15180;
	v3 =	vperm.xlane v3, v2  }
0x14e: {  	[tilespmem:s12], [sflag:$0x2] =	stream.indirect_vreg.gather [hbm4b:s2+s3], $0x80, v4, vm0, $0xb8;
	[tilespmem:$0x18180] =	vst v63  }
0x14f: {  	v3 =	vadd.s32 v1, v3;
	s12 =	simm.s32 $0x15980  }
0x150: {  	[tilespmem:s12], [sflag:$0x2] =	stream.indirect_vreg.gather [hbm4b:s5+s3], $0x80, v4, vm0, $0xb8;
	[tilespmem:$0x18180] =	vst v63  }
0x151: {  	s12 =	simm.s32 $0x16180  }
0x152: {  	[tilespmem:s12], [sflag:$0x2] =	stream.indirect_vreg.gather [hbm4b:s6+s3], $0x80, v4, vm0, $0xb8;
	[tilespmem:$0x18180] =	vst v63  }
0x153: {  	s12 =	simm.s32 $0x16980  }
0x154: {  	[tilespmem:s12], [sflag:$0x2] =	stream.indirect_vreg.gather [hbm4b:s2+s3], $0x80, v3, vm0, $0xb8;
	[tilespmem:$0x18180] =	vst v63  }
0x155: {  	s12 =	simm.s32 $0x17180  }
0x156: {  	[tilespmem:s12], [sflag:$0x2] =	stream.indirect_vreg.gather [hbm4b:s5+s3], $0x80, v3, vm0, $0xb8;
	[tilespmem:$0x18180] =	vst v63  }
0x157: {  	s12 =	simm.s32 $0x17980  }
0x158: {  	[tilespmem:s12], [sflag:$0x2] =	stream.indirect_vreg.gather [hbm4b:s6+s3], $0x80, v3, vm0, $0xb8;
	[tilespmem:$0x18180] =	vst v63  }
0x159: {  	_ =	swait.ge [sflag:s0], $0xC000  }
0x15a: {  	[sflag:s0] =	ssyncset.done $0x0  }
0x15b: {  	s12 =	rddreg [dreg:$0x5];
	[sflag:s0] =	ssyncadd.s32 $0xFFFF4000  }
0x15c: {  	[hbm4b:s12+s3] =	stream.linear.scatter [tilespmem:s4], [sflag:$0x3], $0xC000, $0x38;
	[tilespmem:$0x18180] =	vst v63  }
0x15d: {  	_ =	swait.ge [sflag:s8], $0xC000  }
0x15e: {  	[sflag:s8] =	ssyncset.done $0x0  }
0x15f: {  	[sflag:s8] =	ssyncadd.s32 $0xFFFF4000  }
0x160: {  	v3 =	vld [tilespmem:$0x100];
	_ =	sdelay $0x4  }
0x161: {  	v56 =	vshrl.u32 v3, $0x3  }
0x162: {  	v4 =	vmul.u32 $0x30, v56  }
0x163: {  	v3 =	vand.u32 $0x7, v3  }
0x164: {  	v3 =	vor.u32 v3, v4  }
0x165: {  	v4 =	vperm.xlane v3, v0;
	_ =	sdelay $0x1  }
0x166: {  	v4 =	vadd.s32 v1, v4;
	_ =	sdelay $0x3  }
0x167: {  	v3 =	vperm.xlane v3, v2  }
0x168: {  	[tilespmem:s4], [sflag:$0x1] =	stream.indirect_vreg.gather [hbm4b:s2+s3], $0x80, v4, vm0, $0xb8;
	[tilespmem:$0x18180] =	vst v63  }
0x169: {  	v3 =	vadd.s32 v1, v3  }
0x16a: {  	[tilespmem:s13], [sflag:$0x1] =	stream.indirect_vreg.gather [hbm4b:s5+s3], $0x80, v4, vm0, $0xb8;
	[tilespmem:$0x18180] =	vst v63  }
0x16b: {  	_ = 	snop  }
0x16c: {  	[tilespmem:s14], [sflag:$0x1] =	stream.indirect_vreg.gather [hbm4b:s6+s3], $0x80, v4, vm0, $0xb8;
	[tilespmem:$0x18180] =	vst v63  }
0x16d: {  	_ = 	snop  }
0x16e: {  	[tilespmem:s15], [sflag:$0x1] =	stream.indirect_vreg.gather [hbm4b:s2+s3], $0x80, v3, vm0, $0xb8;
	[tilespmem:$0x18180] =	vst v63  }
0x16f: {  	_ = 	snop  }
0x170: {  	[tilespmem:s16], [sflag:$0x1] =	stream.indirect_vreg.gather [hbm4b:s5+s3], $0x80, v3, vm0, $0xb8;
	[tilespmem:$0x18180] =	vst v63  }
0x171: {  	_ = 	snop  }
0x172: {  	[tilespmem:s17], [sflag:$0x1] =	stream.indirect_vreg.gather [hbm4b:s6+s3], $0x80, v3, vm0, $0xb8;
	[tilespmem:$0x18180] =	vst v63  }
0x173: {  	v3 =	vld [tilespmem:$0x110];
	_ =	sdelay $0x4  }
0x174: {  	v57 =	vshrl.u32 v3, $0x3  }
0x175: {  	v4 =	vmul.u32 $0x30, v57  }
0x176: {  	v3 =	vand.u32 $0x7, v3  }
0x177: {  	v3 =	vor.u32 v3, v4  }
0x178: {  	v4 =	vperm.xlane v3, v0;
	_ =	sdelay $0x1  }
0x179: {  	v4 =	vadd.s32 v1, v4;
	_ =	sdelay $0x3  }
0x17a: {  	v3 =	vperm.xlane v3, v2  }
0x17b: {  	[tilespmem:s18], [sflag:$0x1] =	stream.indirect_vreg.gather [hbm4b:s2+s3], $0x80, v4, vm0, $0xb8;
	[tilespmem:$0x18180] =	vst v63  }
0x17c: {  	v3 =	vadd.s32 v1, v3  }
0x17d: {  	[tilespmem:s19], [sflag:$0x1] =	stream.indirect_vreg.gather [hbm4b:s5+s3], $0x80, v4, vm0, $0xb8;
	[tilespmem:$0x18180] =	vst v63  }
0x17e: {  	_ = 	snop  }
0x17f: {  	[tilespmem:s20], [sflag:$0x1] =	stream.indirect_vreg.gather [hbm4b:s6+s3], $0x80, v4, vm0, $0xb8;
	[tilespmem:$0x18180] =	vst v63  }
0x180: {  	_ = 	snop  }
0x181: {  	[tilespmem:s21], [sflag:$0x1] =	stream.indirect_vreg.gather [hbm4b:s2+s3], $0x80, v3, vm0, $0xb8;
	[tilespmem:$0x18180] =	vst v63  }
0x182: {  	_ = 	snop  }
0x183: {  	[tilespmem:s22], [sflag:$0x1] =	stream.indirect_vreg.gather [hbm4b:s5+s3], $0x80, v3, vm0, $0xb8;
	[tilespmem:$0x18180] =	vst v63  }
0x184: {  	_ = 	snop  }
0x185: {  	[tilespmem:s23], [sflag:$0x1] =	stream.indirect_vreg.gather [hbm4b:s6+s3], $0x80, v3, vm0, $0xb8;
	[tilespmem:$0x18180] =	vst v63  }
0x186: {  	v3 =	vld [tilespmem:$0x120];
	_ =	sdelay $0x4  }
0x187: {  	v58 =	vshrl.u32 v3, $0x3  }
0x188: {  	v4 =	vmul.u32 $0x30, v58  }
0x189: {  	v3 =	vand.u32 $0x7, v3  }
0x18a: {  	v3 =	vor.u32 v3, v4  }
0x18b: {  	v4 =	vperm.xlane v3, v0;
	_ =	sdelay $0x1  }
0x18c: {  	v4 =	vadd.s32 v1, v4;
	_ =	sdelay $0x3  }
0x18d: {  	v3 =	vperm.xlane v3, v2  }
0x18e: {  	[tilespmem:s24], [sflag:$0x1] =	stream.indirect_vreg.gather [hbm4b:s2+s3], $0x80, v4, vm0, $0xb8;
	[tilespmem:$0x18180] =	vst v63  }
0x18f: {  	v3 =	vadd.s32 v1, v3  }
0x190: {  	[tilespmem:s25], [sflag:$0x1] =	stream.indirect_vreg.gather [hbm4b:s5+s3], $0x80, v4, vm0, $0xb8;
	[tilespmem:$0x18180] =	vst v63  }
0x191: {  	_ = 	snop  }
0x192: {  	[tilespmem:s26], [sflag:$0x1] =	stream.indirect_vreg.gather [hbm4b:s6+s3], $0x80, v4, vm0, $0xb8;
	[tilespmem:$0x18180] =	vst v63  }
0x193: {  	_ = 	snop  }
0x194: {  	[tilespmem:s28], [sflag:$0x1] =	stream.indirect_vreg.gather [hbm4b:s2+s3], $0x80, v3, vm0, $0xb8;
	[tilespmem:$0x18180] =	vst v63  }
0x195: {  	_ = 	snop  }
0x196: {  	[tilespmem:s29], [sflag:$0x1] =	stream.indirect_vreg.gather [hbm4b:s5+s3], $0x80, v3, vm0, $0xb8;
	[tilespmem:$0x18180] =	vst v63  }
0x197: {  	_ = 	snop  }
0x198: {  	[tilespmem:s30], [sflag:$0x1] =	stream.indirect_vreg.gather [hbm4b:s6+s3], $0x80, v3, vm0, $0xb8;
	[tilespmem:$0x18180] =	vst v63  }
0x199: {  	v3 =	vld [tilespmem:$0x130];
	_ =	sdelay $0x4  }
0x19a: {  	v59 =	vshrl.u32 v3, $0x3  }
0x19b: {  	v4 =	vmul.u32 $0x30, v59  }
0x19c: {  	v3 =	vand.u32 $0x7, v3  }
0x19d: {  	v3 =	vor.u32 v3, v4  }
0x19e: {  	v4 =	vperm.xlane v3, v0;
	_ =	sdelay $0x1  }
0x19f: {  	v4 =	vadd.s32 v1, v4;
	_ =	sdelay $0x3  }
0x1a0: {  	v3 =	vperm.xlane v3, v2  }
0x1a1: {  	[tilespmem:s31], [sflag:$0x1] =	stream.indirect_vreg.gather [hbm4b:s2+s3], $0x80, v4, vm0, $0xb8;
	[tilespmem:$0x18180] =	vst v63  }
0x1a2: {  	s12 =	simm.s32 $0x9980;
	v3 =	vadd.s32 v1, v3  }
0x1a3: {  	[tilespmem:s12], [sflag:$0x1] =	stream.indirect_vreg.gather [hbm4b:s5+s3], $0x80, v4, vm0, $0xb8;
	[tilespmem:$0x18180] =	vst v63  }
0x1a4: {  	_ = 	snop  }
0x1a5: {  	[tilespmem:s9], [sflag:$0x1] =	stream.indirect_vreg.gather [hbm4b:s6+s3], $0x80, v4, vm0, $0xb8;
	[tilespmem:$0x18180] =	vst v63  }
0x1a6: {  	s12 =	simm.s32 $0xA980  }
0x1a7: {  	[tilespmem:s12], [sflag:$0x1] =	stream.indirect_vreg.gather [hbm4b:s2+s3], $0x80, v3, vm0, $0xb8;
	[tilespmem:$0x18180] =	vst v63  }
0x1a8: {  	s12 =	simm.s32 $0xB180  }
0x1a9: {  	[tilespmem:s12], [sflag:$0x1] =	stream.indirect_vreg.gather [hbm4b:s5+s3], $0x80, v3, vm0, $0xb8;
	[tilespmem:$0x18180] =	vst v63  }
0x1aa: {  	s12 =	simm.s32 $0xB980  }
0x1ab: {  	[tilespmem:s12], [sflag:$0x1] =	stream.indirect_vreg.gather [hbm4b:s6+s3], $0x80, v3, vm0, $0xb8;
	[tilespmem:$0x18180] =	vst v63  }
0x1ac: {  	_ =	swait.ge [sflag:s10], $0xC000  }
0x1ad: {  	[sflag:s10] =	ssyncset.done $0x0  }
0x1ae: {  	s9 =	rddreg [dreg:$0x6];
	[sflag:s10] =	ssyncadd.s32 $0xFFFF4000  }
0x1af: {  	[hbm4b:s9+s3] =	stream.linear.scatter [tilespmem:s1], [sflag:$0x4], $0xC000, $0x38;
	[tilespmem:$0x18180] =	vst v63  }
0x1b0: {  	_ =	swait.ge [sflag:s11], $0xC000  }
0x1b1: {  	[sflag:s11] =	ssyncset.done $0x0  }
0x1b2: {  	[sflag:s11] =	ssyncadd.s32 $0xFFFF4000  }
0x1b3: {  	v3 =	vld [tilespmem:$0x140];
	_ =	sdelay $0x4  }
0x1b4: {  	v60 =	vshrl.u32 v3, $0x3  }
0x1b5: {  	v4 =	vmul.u32 $0x30, v60  }
0x1b6: {  	v3 =	vand.u32 $0x7, v3  }
0x1b7: {  	v3 =	vor.u32 v3, v4  }
0x1b8: {  	v4 =	vperm.xlane v3, v0;
	_ =	sdelay $0x1  }
0x1b9: {  	v4 =	vadd.s32 v1, v4;
	_ =	sdelay $0x3  }
0x1ba: {  	v3 =	vperm.xlane v3, v2  }
0x1bb: {  	[tilespmem:s1], [sflag:$0x2] =	stream.indirect_vreg.gather [hbm4b:s2+s3], $0x80, v4, vm0, $0xb8;
	[tilespmem:$0x18180] =	vst v63  }
0x1bc: {  	s12 =	simm.s32 $0xC980;
	v3 =	vadd.s32 v1, v3  }
0x1bd: {  	[tilespmem:s12], [sflag:$0x2] =	stream.indirect_vreg.gather [hbm4b:s5+s3], $0x80, v4, vm0, $0xb8;
	[tilespmem:$0x18180] =	vst v63  }
0x1be: {  	s12 =	simm.s32 $0xD180  }
0x1bf: {  	[tilespmem:s12], [sflag:$0x2] =	stream.indirect_vreg.gather [hbm4b:s6+s3], $0x80, v4, vm0, $0xb8;
	[tilespmem:$0x18180] =	vst v63  }
0x1c0: {  	s12 =	simm.s32 $0xD980  }
0x1c1: {  	[tilespmem:s12], [sflag:$0x2] =	stream.indirect_vreg.gather [hbm4b:s2+s3], $0x80, v3, vm0, $0xb8;
	[tilespmem:$0x18180] =	vst v63  }
0x1c2: {  	s12 =	simm.s32 $0xE180  }
0x1c3: {  	[tilespmem:s12], [sflag:$0x2] =	stream.indirect_vreg.gather [hbm4b:s5+s3], $0x80, v3, vm0, $0xb8;
	[tilespmem:$0x18180] =	vst v63  }
0x1c4: {  	s12 =	simm.s32 $0xE980  }
0x1c5: {  	[tilespmem:s12], [sflag:$0x2] =	stream.indirect_vreg.gather [hbm4b:s6+s3], $0x80, v3, vm0, $0xb8;
	[tilespmem:$0x18180] =	vst v63  }
0x1c6: {  	v3 =	vld [tilespmem:$0x150];
	_ =	sdelay $0x4  }
0x1c7: {  	v61 =	vshrl.u32 v3, $0x3  }
0x1c8: {  	v4 =	vmul.u32 $0x30, v61  }
0x1c9: {  	v3 =	vand.u32 $0x7, v3  }
0x1ca: {  	v3 =	vor.u32 v3, v4  }
0x1cb: {  	v4 =	vperm.xlane v3, v0;
	_ =	sdelay $0x1  }
0x1cc: {  	v4 =	vadd.s32 v1, v4;
	_ =	sdelay $0x3  }
0x1cd: {  	s12 =	simm.s32 $0xF180;
	v3 =	vperm.xlane v3, v2  }
0x1ce: {  	[tilespmem:s12], [sflag:$0x2] =	stream.indirect_vreg.gather [hbm4b:s2+s3], $0x80, v4, vm0, $0xb8;
	[tilespmem:$0x18180] =	vst v63  }
0x1cf: {  	v3 =	vadd.s32 v1, v3;
	s12 =	simm.s32 $0xF980  }
0x1d0: {  	[tilespmem:s12], [sflag:$0x2] =	stream.indirect_vreg.gather [hbm4b:s5+s3], $0x80, v4, vm0, $0xb8;
	[tilespmem:$0x18180] =	vst v63  }
0x1d1: {  	s12 =	simm.s32 $0x10180  }
0x1d2: {  	[tilespmem:s12], [sflag:$0x2] =	stream.indirect_vreg.gather [hbm4b:s6+s3], $0x80, v4, vm0, $0xb8;
	[tilespmem:$0x18180] =	vst v63  }
0x1d3: {  	s12 =	simm.s32 $0x10980  }
0x1d4: {  	[tilespmem:s12], [sflag:$0x2] =	stream.indirect_vreg.gather [hbm4b:s2+s3], $0x80, v3, vm0, $0xb8;
	[tilespmem:$0x18180] =	vst v63  }
0x1d5: {  	s12 =	simm.s32 $0x11180  }
0x1d6: {  	[tilespmem:s12], [sflag:$0x2] =	stream.indirect_vreg.gather [hbm4b:s5+s3], $0x80, v3, vm0, $0xb8;
	[tilespmem:$0x18180] =	vst v63  }
0x1d7: {  	s12 =	simm.s32 $0x11980  }
0x1d8: {  	[tilespmem:s12], [sflag:$0x2] =	stream.indirect_vreg.gather [hbm4b:s6+s3], $0x80, v3, vm0, $0xb8;
	[tilespmem:$0x18180] =	vst v63  }
0x1d9: {  	v3 =	vld [tilespmem:$0x160];
	_ =	sdelay $0x4  }
0x1da: {  	v62 =	vshrl.u32 v3, $0x3  }
0x1db: {  	v4 =	vmul.u32 $0x30, v62  }
0x1dc: {  	v3 =	vand.u32 $0x7, v3  }
0x1dd: {  	v3 =	vor.u32 v3, v4  }
0x1de: {  	v4 =	vperm.xlane v3, v0;
	_ =	sdelay $0x1  }
0x1df: {  	v4 =	vadd.s32 v1, v4;
	_ =	sdelay $0x3  }
0x1e0: {  	s12 =	simm.s32 $0x12180;
	v3 =	vperm.xlane v3, v2  }
0x1e1: {  	[tilespmem:s12], [sflag:$0x2] =	stream.indirect_vreg.gather [hbm4b:s2+s3], $0x80, v4, vm0, $0xb8;
	[tilespmem:$0x18180] =	vst v63  }
0x1e2: {  	v3 =	vadd.s32 v1, v3;
	s12 =	simm.s32 $0x12980  }
0x1e3: {  	[tilespmem:s12], [sflag:$0x2] =	stream.indirect_vreg.gather [hbm4b:s5+s3], $0x80, v4, vm0, $0xb8;
	[tilespmem:$0x18180] =	vst v63  }
0x1e4: {  	s12 =	simm.s32 $0x13180  }
0x1e5: {  	[tilespmem:s12], [sflag:$0x2] =	stream.indirect_vreg.gather [hbm4b:s6+s3], $0x80, v4, vm0, $0xb8;
	[tilespmem:$0x18180] =	vst v63  }
0x1e6: {  	s12 =	simm.s32 $0x13980  }
0x1e7: {  	[tilespmem:s12], [sflag:$0x2] =	stream.indirect_vreg.gather [hbm4b:s2+s3], $0x80, v3, vm0, $0xb8;
	[tilespmem:$0x18180] =	vst v63  }
0x1e8: {  	s12 =	simm.s32 $0x14180  }
0x1e9: {  	[tilespmem:s12], [sflag:$0x2] =	stream.indirect_vreg.gather [hbm4b:s5+s3], $0x80, v3, vm0, $0xb8;
	[tilespmem:$0x18180] =	vst v63  }
0x1ea: {  	s12 =	simm.s32 $0x14980  }
0x1eb: {  	[tilespmem:s12], [sflag:$0x2] =	stream.indirect_vreg.gather [hbm4b:s6+s3], $0x80, v3, vm0, $0xb8;
	[tilespmem:$0x18180] =	vst v63  }
0x1ec: {  	v3 =	vld [tilespmem:$0x170];
	_ =	sdelay $0x4  }
0x1ed: {  	v63 =	vshrl.u32 v3, $0x3  }
0x1ee: {  	v4 =	vmul.u32 $0x30, v63  }
0x1ef: {  	v3 =	vand.u32 $0x7, v3  }
0x1f0: {  	v3 =	vor.u32 v3, v4  }
0x1f1: {  	v4 =	vperm.xlane v3, v0;
	_ =	sdelay $0x1  }
0x1f2: {  	v4 =	vadd.s32 v1, v4;
	_ =	sdelay $0x3  }
0x1f3: {  	s12 =	simm.s32 $0x15180;
	v3 =	vperm.xlane v3, v2  }
0x1f4: {  	[tilespmem:s12], [sflag:$0x2] =	stream.indirect_vreg.gather [hbm4b:s2+s3], $0x80, v4, vm0, $0xb8;
	[tilespmem:$0x18180] =	vst v63  }
0x1f5: {  	v3 =	vadd.s32 v1, v3;
	s12 =	simm.s32 $0x15980  }
0x1f6: {  	[tilespmem:s12], [sflag:$0x2] =	stream.indirect_vreg.gather [hbm4b:s5+s3], $0x80, v4, vm0, $0xb8;
	[tilespmem:$0x18180] =	vst v63  }
0x1f7: {  	s12 =	simm.s32 $0x16180  }
0x1f8: {  	[tilespmem:s12], [sflag:$0x2] =	stream.indirect_vreg.gather [hbm4b:s6+s3], $0x80, v4, vm0, $0xb8;
	[tilespmem:$0x18180] =	vst v63  }
0x1f9: {  	s12 =	simm.s32 $0x16980  }
0x1fa: {  	[tilespmem:s12], [sflag:$0x2] =	stream.indirect_vreg.gather [hbm4b:s2+s3], $0x80, v3, vm0, $0xb8;
	[tilespmem:$0x18180] =	vst v63  }
0x1fb: {  	s12 =	simm.s32 $0x17180  }
0x1fc: {  	[tilespmem:s12], [sflag:$0x2] =	stream.indirect_vreg.gather [hbm4b:s5+s3], $0x80, v3, vm0, $0xb8;
	[tilespmem:$0x18180] =	vst v63  }
0x1fd: {  	s12 =	simm.s32 $0x17980  }
0x1fe: {  	[tilespmem:s12], [sflag:$0x2] =	stream.indirect_vreg.gather [hbm4b:s6+s3], $0x80, v3, vm0, $0xb8;
	[tilespmem:$0x18180] =	vst v63  }
0x1ff: {  	_ =	swait.ge [sflag:s0], $0xC000  }
0x200: {  	[sflag:s0] =	ssyncset.done $0x0  }
0x201: {  	s9 =	rddreg [dreg:$0x7];
	[sflag:s0] =	ssyncadd.s32 $0xFFFF4000  }
0x202: {  	[hbm4b:s9+s3] =	stream.linear.scatter [tilespmem:s4], [sflag:$0x3], $0xC000, $0x38;
	[tilespmem:$0x18180] =	vst v63  }
0x203: {  	_ =	swait.ge [sflag:s10], $0xC000  }
0x204: {  	[sflag:s10] =	ssyncset.done $0x0  }
0x205: {  	s9 =	rddreg [dreg:$0x8];
	[sflag:s10] =	ssyncadd.s32 $0xFFFF4000  }
0x206: {  	[hbm4b:s9+s3] =	stream.linear.scatter [tilespmem:s1], [sflag:$0x4], $0xC000, $0x38;
	[tilespmem:$0x18180] =	vst v63  }
0x207: {  	p0 =	sne.s32 s7, $0x1;
	_ =	swait.ge [sflag:s8], $0xC000  }
.Ltmp0:
0x208: {  	[sflag:s8] =	ssyncset.done $0x0;
	(pc) =	sbr.rel @p0 .LBB2_1-.Ltmp0, $4  }
0x209: {  	[sflag:s8] =	ssyncadd.s32 $0xFFFF4000  }
0x20a: {  	_ =	swait.ge [sflag:s11], $0xC000  }
0x20b: {  	[sflag:s11] =	ssyncset.done $0x0  }
0x20c: {  	s7 =	sadd.s32 $0xFFFFFFFF, s7;
	[sflag:s11] =	ssyncadd.s32 $0xFFFF4000  }
0x20d: {  	_ =	sfence.sel $0x180000  }
0x20e: {  	[bflag:$0x0] =	sbarrier.arrive $0xFFFF  }
0x20f: {  	_ =	strace $0x9000004D  }
0x210: {  	s0 =	stileid.u32;
	[bflag:$0x2] =	sbarrier.arrive $0xFFFF  }
0x211: {  	p0 =	sne.s32 s0, $0x0;
	s0 =	rddreg [dreg:$0x2]  }
0x212: {  	s0 =	sadd.s32 @!p0 $0x100000, s0  }
0x213: {  	[sflag:s0] =	ssyncadd.tile.s32 @!p0 $0x1;
	_ =	shalt  }
.Lfunc_end2:
_tile_overlayer_lowered:
.L_overlay_start_2:
0x214: {  	(tag) =	ssettag $0x2  }
0x215: {  	s0 =	rddreg [dreg:$0x0];
	s2 =	stileid.u32  }
0x216: {  	s1 =	rddreg [dreg:$0x1];
	p0 =	sne.s32 s2, $0x0  }
0x217: {  	s3 =	rddreg [dreg:$0x2];
	[bflag:$0x3] =	sbarrier.arrive $0xFFFF;
	s2 =	simm.s32 @!p0 $0x1C05  }
0x218: {  	[timem:s3], [sflag:s2] =	dma.local @!p0 [hbm:s0], s1  }
0x219: {  	s0 =	simm.s32 @!p0 $0x5  }
0x21a: {  	_ =	swait.ge @!p0 [sflag:s0], s1  }
0x21b: {  	s1 =	ssub.s32 @!p0 $0x0, s1;
	[sflag:s0] =	ssyncset.done @!p0 $0x0  }
0x21c: {  	[sflag:s0] =	ssyncadd.s32 @!p0 s1  }
0x21d: {  	[bflag:$0x3] =	sbarrier.arrive $0xFFFF  }
0x21e: {  	_ =	shalt  }

// kernel: kernel.8.cloned.1.call-start
scs
__scs_entry_jumppad:
0x0: {  	(pc) =	sbr.rel $0x88, $3  }
0x1: {  	(tag) =	ssettag $0x0;
	lr =	simm.s32 $0x1  }
0x2: {  	[smem:$0x3F89] =	sst lr;
	_ =	strace $0xD0000000  }
0x3: {  	_ = 	snop  }
0x4: {  	_ = 	snop  }
0x5: {  	_ = 	snop  }
0x6: {  	_ = 	snop  }
0x7: {  	_ = 	snop  }
__scs_overlays_trampoline_lowered:
0x8: {  	[smem:$0x3F98] =	sst s0  }
0x9: {  	[smem:$0x3F99] =	sst s1  }
0xa: {  	[smem:$0x3F9A] =	sst s2  }
0xb: {  	[smem:$0x3F9B] =	sst s3  }
0xc: {  	[smem:$0x3F9C] =	sst s4  }
0xd: {  	[smem:$0x3F9D] =	sst s5  }
0xe: {  	[smem:$0x3F9E] =	sst s6  }
0xf: {  	[smem:$0x3F9F] =	sst s7  }
0x10: {  	[smem:$0x3FA0] =	sst s8  }
0x11: {  	[smem:$0x3FA1] =	sst s9;
	s0 =	simm.s32 @!p0 $0x0  }
0x12: {  	s1 =	sld [smem:$0x3F87];
	s0 =	simm.s32 @p0 $0x1  }
0x13: {  	[smem:$0x3FA2] =	sst s0;
	s0 =	simm.s32 @!p1 $0x0  }
0x14: {  	s2 =	sld [smem:$0x3F86];
	s0 =	simm.s32 @p1 $0x1  }
0x15: {  	[smem:$0x3FA3] =	sst s0;
	s0 =	simm.s32 @!p2 $0x0  }
0x16: {  	s3 =	sld [smem:$0x3FDB];
	s0 =	simm.s32 @p2 $0x1  }
0x17: {  	s4 =	simm.s32 $0x1BF5;
	[smem:$0x3FA5] =	sst s0  }
0x18: {  	s0 =	sld [smem:$0x3F88];
	_ =	swait.ge [sflag:s4], $0x0  }
0x19: {  	s7 =	sld [smem:$0x3F89]  }
0x1a: {  	s8 =	sadd.s32 $0xFFFFE003, lr  }
0x1b: {  	s9 =	sadd.s32 $0xFFFFFEF7, lr;
	s5 =	simm.s32 $0xFFFFFFFF;
	p2 =	slt.u32 s8, $0xFFFFF086  }
0x1c: {  	p1 =	slt.u32 s9, $0xF7A;
	s5 =	simm.s32 @!p2 $0x0  }
0x1d: {  	s5 =	simm.s32 @p1 $0x1;
	p0 =	seq.s32 s7, s2  }
0x1e: {  	s7 =	smul.u32 @!p0 $0xF7A, s2;
	p2 =	seq.s32 @!p0 s5, $0x0  }
0x1f: {  	s9 =	smul.u32 $0xF7A, s1;
	s8 =	simm.s32 @!p0 $0x1BF5;
	p2 =	por !p2, p0  }
0x20: {  	[sflag:s8] =	ssyncset.s32 @!p0 $0xFFFFF086;
	s6 =	sadd.s32 @!p0 s3, s7;
	s7 =	simm.s32 @!p0 $0x108  }
0x21: {  	s3 =	sadd.s32 s3, s9;
	s6 =	sadd.s32 @!p0 $0x88, s6;
	s7 =	simm.s32 @p2 $0x1082  }
0x22: {  	[simem:s7], [sflag:s8] =	dma.local @!p0 [hbm:s6], $0xF7A  }
0x23: {  	s9 =	sor.u32 $0xD0000000, s2;
	s6 =	simm.s32 $0x108;
	_ =	swait.ge @!p0 [sflag:s8], $0x0  }
0x24: {  	s3 =	sadd.s32 $0x88, s3;
	s6 =	simm.s32 @!p1 $0x1082;
	[sflag:s4] =	ssyncset.s32 $0xFFFFF086  }
0x25: {  	[simem:s6], [sflag:s4] =	dma.local [hbm:s3], $0xF7A  }
0x26: {  	[smem:$0x3F89] =	sst s1;
	(tag) =	ssettag s2;
	_ =	strace s9  }
0x27: {  	s1 =	sld [smem:$0x3F99]  }
0x28: {  	s2 =	sld [smem:$0x3F9A]  }
0x29: {  	s4 =	sld [smem:$0x3F9C]  }
0x2a: {  	p0 =	seq.s32 s5, $0x0;
	s5 =	sld [smem:$0x3F9D]  }
0x2b: {  	s6 =	sld [smem:$0x3F9E]  }
0x2c: {  	s7 =	sld [smem:$0x3F9F]  }
0x2d: {  	s3 =	simm.s32 $0x108;
	s8 =	sld [smem:$0x3FA0]  }
0x2e: {  	s3 =	simm.s32 @!p0 $0x1082;
	s9 =	sld [smem:$0x3FA1]  }
0x2f: {  	lr =	sadd.s32 s0, s3;
	s0 =	sld [smem:$0x3F98]  }
0x30: {  	s3 =	sld [smem:$0x3F9B]  }
0x31: {  	[smem:$0x3FA4] =	sst s10  }
0x32: {  	s10 =	sld [smem:$0x3FA2];
	_ =	sdelay $0x3  }
0x33: {  	p0 =	seq.s32 s10, $0x1;
	s10 =	sld [smem:$0x3FA4];
	_ =	sdelay $0x3  }
0x34: {  	[smem:$0x3FA4] =	sst s10  }
0x35: {  	s10 =	sld [smem:$0x3FA3];
	_ =	sdelay $0x3  }
0x36: {  	p1 =	seq.s32 s10, $0x1;
	s10 =	sld [smem:$0x3FA4];
	_ =	sdelay $0x3  }
0x37: {  	[smem:$0x3FA4] =	sst s10  }
0x38: {  	s10 =	sld [smem:$0x3FA5]  }
0x39: {  	_ = 	snop;
	(pc) =	sbr.ind lr, $3  }
0x3a: {  	_ = 	snop  }
0x3b: {  	_ = 	snop  }
0x3c: {  	p2 =	seq.s32 s10, $0x1;
	s10 =	sld [smem:$0x3FA4]  }
0x3d: {  	_ =	shalt  }
0x3e: {  	_ =	shalt  }
0x3f: {  	_ =	shalt  }
0x40: {  	_ =	shalt  }
0x41: {  	_ =	shalt  }
0x42: {  	_ =	shalt  }
0x43: {  	_ =	shalt  }
0x44: {  	_ =	shalt  }
0x45: {  	_ =	shalt  }
0x46: {  	_ =	shalt  }
0x47: {  	_ =	shalt  }
0x48: {  	_ =	shalt  }
0x49: {  	_ =	shalt  }
0x4a: {  	_ =	shalt  }
0x4b: {  	_ =	shalt  }
0x4c: {  	_ =	shalt  }
0x4d: {  	_ =	shalt  }
0x4e: {  	_ =	shalt  }
0x4f: {  	_ =	shalt  }
0x50: {  	_ =	shalt  }
0x51: {  	_ =	shalt  }
0x52: {  	_ =	shalt  }
0x53: {  	_ =	shalt  }
0x54: {  	_ =	shalt  }
0x55: {  	_ =	shalt  }
0x56: {  	_ =	shalt  }
0x57: {  	_ =	shalt  }
0x58: {  	_ =	shalt  }
0x59: {  	_ =	shalt  }
0x5a: {  	_ =	shalt  }
0x5b: {  	_ =	shalt  }
0x5c: {  	_ =	shalt  }
0x5d: {  	_ =	shalt  }
0x5e: {  	_ =	shalt  }
0x5f: {  	_ =	shalt  }
0x60: {  	_ =	shalt  }
0x61: {  	_ =	shalt  }
0x62: {  	_ =	shalt  }
0x63: {  	_ =	shalt  }
0x64: {  	_ =	shalt  }
0x65: {  	_ =	shalt  }
0x66: {  	_ =	shalt  }
0x67: {  	_ =	shalt  }
0x68: {  	_ =	shalt  }
0x69: {  	_ =	shalt  }
0x6a: {  	_ =	shalt  }
0x6b: {  	_ =	shalt  }
0x6c: {  	_ =	shalt  }
0x6d: {  	_ =	shalt  }
0x6e: {  	_ =	shalt  }
0x6f: {  	_ =	shalt  }
0x70: {  	_ =	shalt  }
0x71: {  	_ =	shalt  }
0x72: {  	_ =	shalt  }
0x73: {  	_ =	shalt  }
0x74: {  	_ =	shalt  }
0x75: {  	_ =	shalt  }
0x76: {  	_ =	shalt  }
0x77: {  	_ =	shalt  }
0x78: {  	_ =	shalt  }
0x79: {  	_ =	shalt  }
0x7a: {  	_ =	shalt  }
0x7b: {  	_ =	shalt  }
0x7c: {  	_ =	shalt  }
0x7d: {  	_ =	shalt  }
0x7e: {  	_ =	shalt  }
0x7f: {  	_ =	shalt  }
0x80: {  	_ =	shalt  }
0x81: {  	_ =	shalt  }
0x82: {  	_ =	shalt  }
0x83: {  	_ =	shalt  }
0x84: {  	_ =	shalt  }
0x85: {  	_ =	shalt  }
0x86: {  	_ =	shalt  }
0x87: {  	_ =	shalt  }
.Lfunc_end0:
.L_simem_size_0:
called_computation_lowered:
.L_overlay_start_0:
0x88: {  	s2 =	sld [smem:$0x3FD9]  }
0x89: {  	s3 =	sld [smem:$0x3FFE];
	_ =	sdelay $0x1  }
0x8a: {  	s1 =	srdreg.scid  }
0x8b: {  	s0 =	sand.u32 $0x1, s1  }
0x8c: {  	s17 =	sshll.u32 s0, $0xA;
	s2 =	sadd.s32 s3, s2  }
0x8d: {  	s2 =	sadd.s32 s2, s17  }
0x8e: {  	[smem:$0x3FB0] =	sst s2  }
0x8f: {  	_ = 	snop  }
0x90: {  	s2 =	sld [smem:$0x3FBE];
	(tm) =	ssettm $0x1  }
0x91: {  	s18 =	sld [smem:$0x3FFB];
	_ =	sdelay $0x3  }
0x92: {  	_ =	strace s18  }
0x93: {  	s3 =	sld [smem:$0x3FFC];
	_ =	sdelay $0x3  }
0x94: {  	_ =	strace s3  }
0x95: {  	s3 =	sld [smem:$0x3FFD];
	_ =	sdelay $0x3  }
0x96: {  	_ =	strace s3  }
0x97: {  	_ =	strace $0x8FFFFFFF  }
0x98: {  	s19 =	sld [smem:$0x3FDB];
	_ =	sdelay $0x1  }
0x99: {  	s4 =	simm.s32 $_scs_section_size  }
0x9a: {  	s5 =	simm.s32 $_size__tile_overlayer_lowered;
	s6 =	simm.s32 $_tile_overlayer_lowered  }
0x9b: {  	s22 =	simm.s32 $0x1BFF;
	s21 =	sshll.u32 s6, $0x1;
	s3 =	sadd.s32 s4, s19  }
0x9c: {  	s7 =	simm.s32 $0x0;
	s20 =	sshll.u32 s5, $0x1;
	s5 =	sadd.s32 s21, s3  }
0x9d: {  	[timem:s7], [sflag:s22] =	dma.local [hbm:s5], s20  }
0x9e: {  	_ =	swait.ge [sflag:s22], s20  }
0x9f: {  	s4 =	ssub.s32 $0x0, s20;
	[sflag:s22] =	ssyncset.done $0x0  }
0xa0: {  	[sflag:s22] =	ssyncadd.s32 s4;
	_ =	sdelay $0x1  }
0xa1: {  	s23 =	simm.s32 $0x1B8B  }
0xa2: {  	_ =	swait.ge [sflag:s23], $0x1  }
0xa3: {  	[sflag:s23] =	ssyncset.done $0x0  }
0xa4: {  	s25 =	simm.s32 $0x1B8E;
	s24 =	sld [smem:$0x3FFE];
	[sflag:s23] =	ssyncadd.s32 $0xFFFFFFFF  }
0xa5: {  	s26 =	simm.s32 $execute0_lowered;
	[smem:$0x3FD2] =	sst s25  }
0xa6: {  	s5 =	sshll.u32 s26, $0x1;
	_ =	strace $0x80000046;
	[dreg:$0x1] =	wrdreg $0xFFFFFFFF  }
0xa7: {  	s28 =	simm.s32 $_size_execute0_lowered;
	s3 =	sadd.s32 s3, s5;
	[dreg:$0x0] =	wrdreg $0x0  }
0xa8: {  	s5 =	sshll.u32 s28, $0x1;
	[dreg:$0x2] =	wrdreg s3  }
0xa9: {  	[dreg:$0x3] =	wrdreg s5  }
0xaa: {  	[dreg:$0x4] =	wrdreg $0xC0  }
0xab: {  	_ =	task [dreg:s7], $0x5FFFF  }
0xac: {  	[dreg:$0x1] =	wrdreg $0xFFFFFFFF  }
0xad: {  	[dreg:$0x0] =	wrdreg $0x60  }
0xae: {  	[dreg:$0x2] =	wrdreg s2  }
0xaf: {  	[dreg:$0x3] =	wrdreg s24  }
0xb0: {  	[dreg:$0x4] =	wrdreg $0x9  }
0xb1: {  	_ =	task.clear_ibuf [dreg:s7], $0x5FFFF;
	_ =	strace $0x90000046  }
0xb2: {  	s29 =	simm.s32 $0x9;
	_ =	strace $0x80000048  }
0xb3: {  	_ =	swait.ge [sflag:s29], $0x1  }
0xb4: {  	[sflag:s29] =	ssyncadd.s32 $0xFFFFFFFF  }
0xb5: {  	_ =	strace $0x90000048  }
0xb6: {  	_ =	sfence  }
0xb7: {  	s30 =	sld [smem:$0x0];
	_ =	sdelay $0x2  }
0xb8: {  	s31 =	sshll.u32 s1, $0xD;
	s1 =	sshrl.u32 s1, $0x2  }
0xb9: {  	s3 =	sand.u32 $0x4000, s31;
	s1 =	sadd.s32 s1, s30  }
0xba: {  	s0 =	sor.u32 s3, s0;
	s1 =	sshll.u32 s1, $0x11  }
0xbb: {  	s0 =	sor.u32 s1, s0  }
0xbc: {  	s0 =	sadd.s32 $0x8F2B, s0  }
0xbd: {  	[sflag:s0] =	ssyncadd.remote.s32 $0x1  }
0xbe: {  	_ =	sfence.sel $0xFFFF  }
0xbf: {  	[dreg:$0x0] =	wrdreg $0xFFFFFFFF;
	(pc) =	sbr.abs _section_cstart, $3  }
0xc0: {  	[dreg:$0x1] =	wrdreg $0xFFFFFFFF  }
0xc1: {  	_ =	task.clear_ibuf [dreg:s7], $0x2FFFF;
	_ =	strace $0x9FFFFFFF  }
0xc2: {  	(tm) =	ssettm $0x7FFFFFFF  }
0xc3: {  	_ =	shalt  }
tec
execute0_lowered:
.L_overlay_start_1:
0x0: {  	(tag) =	ssettag $0x1  }
0x1: {  	s1 =	srdreg.scid;
	s0 =	stileid.u32  }
0x2: {  	s1 =	sand.u32 $0x1, s1;
	s2 =	sshll.u32 s0, $0x1  }
0x3: {  	s2 =	sor.u32 s1, s2  }
0x4: {  	s3 =	smul.u32 $0xA0, s2  }
0x5: {  	s4 =	rddreg [dreg:$0x1]  }
0x6: {  	s2 =	rddreg [dreg:$0x0];
	s5 =	sshrl.u32 s3, $0x3;
	s3 =	simm.s32 $0x0  }
0x7: {  	s10 =	simm.s32 $0x900;
	[smem:$0x7FF] =	sst s3  }
0x8: {  	s11 =	simm.s32 $0x1100;
	_ =	strace $0x80000047;
	[dreg:$0x6] =	wrdreg s10  }
0x9: {  	s12 =	simm.s32 $0x1900;
	[dreg:$0x7] =	wrdreg s11  }
0xa: {  	s13 =	simm.s32 $0x2100;
	[dreg:$0x8] =	wrdreg s12  }
0xb: {  	s14 =	simm.s32 $0x2900;
	[dreg:$0x9] =	wrdreg s13  }
0xc: {  	s15 =	simm.s32 $0x3100;
	[dreg:$0xa] =	wrdreg s14  }
0xd: {  	s16 =	simm.s32 $0x3900;
	[dreg:$0xb] =	wrdreg s15  }
0xe: {  	s17 =	simm.s32 $0x4100;
	[dreg:$0xc] =	wrdreg s16  }
0xf: {  	s18 =	simm.s32 $0x4900;
	[dreg:$0xd] =	wrdreg s17  }
0x10: {  	s19 =	simm.s32 $0x5100;
	[dreg:$0xe] =	wrdreg s18  }
0x11: {  	s20 =	simm.s32 $0x5900;
	[dreg:$0xf] =	wrdreg s19  }
0x12: {  	s21 =	simm.s32 $0x6100;
	[dreg:$0x10] =	wrdreg s20  }
0x13: {  	s22 =	simm.s32 $0x6900;
	[dreg:$0x11] =	wrdreg s21  }
0x14: {  	s23 =	simm.s32 $0x7100;
	[dreg:$0x12] =	wrdreg s22  }
0x15: {  	s24 =	simm.s32 $0x7900;
	[dreg:$0x13] =	wrdreg s23  }
0x16: {  	s25 =	simm.s32 $0x8100;
	[dreg:$0x14] =	wrdreg s24  }
0x17: {  	s26 =	simm.s32 $0x8900;
	[dreg:$0x15] =	wrdreg s25  }
0x18: {  	s0 =	simm.s32 $0x9100;
	[dreg:$0x16] =	wrdreg s26  }
0x19: {  	s7 =	simm.s32 $0xA900;
	s8 =	simm.s32 $0xB100;
	[dreg:$0x17] =	wrdreg s0  }
0x1a: {  	s6 =	smul.u32 $0x300, s5;
	s5 =	sadd.s32 s5, s4;
	[dreg:$0x1a] =	wrdreg s7  }
0x1b: {  	s5 =	sadd.s32 $0x3C00, s5;
	[dreg:$0x1b] =	wrdreg s8  }
0x1c: {  	s10 =	simm.s32 $0xC100;
	[dreg:$0x3] =	wrdreg s5  }
0x1d: {  	s11 =	simm.s32 $0xC900;
	[dreg:$0x1d] =	wrdreg s10  }
0x1e: {  	s12 =	simm.s32 $0xD100;
	[dreg:$0x1e] =	wrdreg s11  }
0x1f: {  	s13 =	simm.s32 $0xD900;
	[dreg:$0x1f] =	wrdreg s12  }
0x20: {  	s14 =	simm.s32 $0xE100;
	[smem:$0x7F0] =	sst s13  }
0x21: {  	s28 =	simm.s32 $0x1D900;
	s15 =	simm.s32 $0xE900;
	[smem:$0x7F1] =	sst s14  }
0x22: {  	s29 =	simm.s32 $0x1;
	s16 =	simm.s32 $0xF900;
	[smem:$0x7F2] =	sst s15  }
0x23: {  	s30 =	simm.s32 $0x2;
	s17 =	simm.s32 $0x10100;
	[smem:$0x7F3] =	sst s16  }
0x24: {  	s31 =	simm.s32 $0x3;
	s18 =	simm.s32 $0x10900;
	[smem:$0x7F4] =	sst s17  }
0x25: {  	s1 =	ssub.s32 $0x2, s1;
	s19 =	simm.s32 $0x11100;
	[smem:$0x7F5] =	sst s18  }
0x26: {  	s20 =	sshrl.u32 s1, $0x1;
	s21 =	simm.s32 $0x11900;
	[smem:$0x7F6] =	sst s19  }
0x27: {  	s22 =	simm.s32 $0x12100;
	s23 =	simm.s32 $0x12900;
	[smem:$0x7F7] =	sst s21  }
0x28: {  	s7 =	simm.s32 $0x13100;
	s24 =	simm.s32 $0x13900;
	[smem:$0x7F8] =	sst s22  }
0x29: {  	s25 =	simm.s32 $0x14100;
	s8 =	simm.s32 $0x100;
	[smem:$0x7F9] =	sst s23  }
0x2a: {  	s26 =	simm.s32 $0x14900;
	s4 =	sadd.s32 s6, s4;
	[smem:$0x7FA] =	sst s7  }
0x2b: {  	s5 =	simm.s32 $0x9900;
	s6 =	simm.s32 $0xA100;
	[smem:$0x7FB] =	sst s24  }
0x2c: {  	s1 =	ssub.s32 s1, s20;
	s7 =	simm.s32 $0x5;
	[smem:$0x7FC] =	sst s25  }
0x2d: {  	[smem:$0x7FD] =	sst s26;
	s11 =	simm.s32 $0x15900;
	s12 =	simm.s32 $0x16100  }
0x2e: {  	s13 =	simm.s32 $0x16900;
	s14 =	simm.s32 $0x17100;
	s15 =	simm.s32 $0x17900  }
0x2f: {  	s16 =	simm.s32 $0x18100;
	s17 =	simm.s32 $0x18900;
	s18 =	simm.s32 $0x19100  }
0x30: {  	s19 =	simm.s32 $0x19900;
	s20 =	simm.s32 $0x1A100;
	s21 =	simm.s32 $0x1A900  }
0x31: {  	s22 =	simm.s32 $0x1B100;
	s23 =	simm.s32 $0x1B900;
	s24 =	simm.s32 $0x1C100  }
0x32: {  	s25 =	simm.s32 $0x1C900;
	s26 =	simm.s32 $0x1D100;
	[dreg:$0x18] =	wrdreg s5  }
0x33: {  	s9 =	sadd.s32 $0x4A00, s4;
	s4 =	sadd.s32 $0x6800, s4;
	[dreg:$0x19] =	wrdreg s6  }
0x34: {  	v2 =	vlaneseq.u32;
	s5 =	sadd.s32 $0x200, s2;
	s6 =	smax.u32 s1, $0x1;
	[dreg:$0x4] =	wrdreg s9  }
0x35: {  	vm0 =	vmmov $0xffff;
	v1 =	vshrl.u32 v2, $0x3;
	s1 =	simm.s32 $0x4;
	[dreg:$0x5] =	wrdreg s4;
	s9 =	simm.s32 $0xB900  }
0x36: {  	v0 =	vand.u32 $0x7, v2;
	v2 =	vor.u32 $0x8, v2;
	v1 =	vmul.u32 $0x8, v1;
	s4 =	sadd.s32 $0x100, s2;
	[dreg:$0x1c] =	wrdreg s9;
	s9 =	simm.s32 $0xF100  }
.LBB2_1:
0x37: {  	s0 =	rddreg [dreg:$0x3]  }
0x38: {  	[tilespmem:s3], [sflag:$0x5] =	stream.linear.gather [hbm4b:s0+s3], $0xA0, $0x38;
	[tilespmem:$0x1E100] =	vst v63  }
0x39: {  	_ =	swait.ge [sflag:s7], $0xA0  }
0x3a: {  	[sflag:s7] =	ssyncset.done $0x0  }
0x3b: {  	[sflag:s7] =	ssyncadd.s32 $0xFFFFFF60  }
0x3c: {  	v3 =	vld [tilespmem:$0x0];
	_ =	sdelay $0x4  }
0x3d: {  	v4 =	vshrl.u32 v3, $0x3  }
0x3e: {  	v4 =	vmul.u32 $0x30, v4  }
0x3f: {  	v3 =	vand.u32 $0x7, v3  }
0x40: {  	v3 =	vor.u32 v3, v4  }
0x41: {  	v4 =	vperm.xlane v3, v0;
	_ =	sdelay $0x1  }
0x42: {  	v4 =	vadd.s32 v1, v4;
	_ =	sdelay $0x3  }
0x43: {  	v3 =	vperm.xlane v3, v2  }
0x44: {  	[tilespmem:s8], [sflag:$0x1] =	stream.indirect_vreg.gather [hbm4b:s2+s3], $0x80, v4, vm0, $0xb8;
	[tilespmem:$0x1E100] =	vst v63  }
0x45: {  	s0 =	rddreg [dreg:$0x6];
	v3 =	vadd.s32 v1, v3  }
0x46: {  	[tilespmem:s0], [sflag:$0x1] =	stream.indirect_vreg.gather [hbm4b:s4+s3], $0x80, v4, vm0, $0xb8;
	[tilespmem:$0x1E100] =	vst v63  }
0x47: {  	s10 =	rddreg [dreg:$0x7]  }
0x48: {  	[tilespmem:s10], [sflag:$0x1] =	stream.indirect_vreg.gather [hbm4b:s5+s3], $0x80, v4, vm0, $0xb8;
	[tilespmem:$0x1E100] =	vst v63  }
0x49: {  	s0 =	rddreg [dreg:$0x8]  }
0x4a: {  	[tilespmem:s0], [sflag:$0x1] =	stream.indirect_vreg.gather [hbm4b:s2+s3], $0x80, v3, vm0, $0xb8;
	[tilespmem:$0x1E100] =	vst v63  }
0x4b: {  	s10 =	rddreg [dreg:$0x9]  }
0x4c: {  	[tilespmem:s10], [sflag:$0x1] =	stream.indirect_vreg.gather [hbm4b:s4+s3], $0x80, v3, vm0, $0xb8;
	[tilespmem:$0x1E100] =	vst v63  }
0x4d: {  	s0 =	rddreg [dreg:$0xa]  }
0x4e: {  	[tilespmem:s0], [sflag:$0x1] =	stream.indirect_vreg.gather [hbm4b:s5+s3], $0x80, v3, vm0, $0xb8;
	[tilespmem:$0x1E100] =	vst v63  }
0x4f: {  	v3 =	vld [tilespmem:$0x10];
	_ =	sdelay $0x4  }
0x50: {  	v55 =	vshrl.u32 v3, $0x3  }
0x51: {  	v4 =	vmul.u32 $0x30, v55  }
0x52: {  	v3 =	vand.u32 $0x7, v3  }
0x53: {  	v3 =	vor.u32 v3, v4  }
0x54: {  	v4 =	vperm.xlane v3, v0;
	_ =	sdelay $0x1  }
0x55: {  	v4 =	vadd.s32 v1, v4;
	_ =	sdelay $0x3  }
0x56: {  	s0 =	rddreg [dreg:$0xb];
	v3 =	vperm.xlane v3, v2  }
0x57: {  	[tilespmem:s0], [sflag:$0x1] =	stream.indirect_vreg.gather [hbm4b:s2+s3], $0x80, v4, vm0, $0xb8;
	[tilespmem:$0x1E100] =	vst v63  }
0x58: {  	s10 =	rddreg [dreg:$0xc];
	v3 =	vadd.s32 v1, v3  }
0x59: {  	[tilespmem:s10], [sflag:$0x1] =	stream.indirect_vreg.gather [hbm4b:s4+s3], $0x80, v4, vm0, $0xb8;
	[tilespmem:$0x1E100] =	vst v63  }
0x5a: {  	s0 =	rddreg [dreg:$0xd]  }
0x5b: {  	[tilespmem:s0], [sflag:$0x1] =	stream.indirect_vreg.gather [hbm4b:s5+s3], $0x80, v4, vm0, $0xb8;
	[tilespmem:$0x1E100] =	vst v63  }
0x5c: {  	s10 =	rddreg [dreg:$0xe]  }
0x5d: {  	[tilespmem:s10], [sflag:$0x1] =	stream.indirect_vreg.gather [hbm4b:s2+s3], $0x80, v3, vm0, $0xb8;
	[tilespmem:$0x1E100] =	vst v63  }
0x5e: {  	s0 =	rddreg [dreg:$0xf]  }
0x5f: {  	[tilespmem:s0], [sflag:$0x1] =	stream.indirect_vreg.gather [hbm4b:s4+s3], $0x80, v3, vm0, $0xb8;
	[tilespmem:$0x1E100] =	vst v63  }
0x60: {  	s10 =	rddreg [dreg:$0x10]  }
0x61: {  	[tilespmem:s10], [sflag:$0x1] =	stream.indirect_vreg.gather [hbm4b:s5+s3], $0x80, v3, vm0, $0xb8;
	[tilespmem:$0x1E100] =	vst v63  }
0x62: {  	v3 =	vld [tilespmem:$0x20];
	_ =	sdelay $0x4  }
0x63: {  	v56 =	vshrl.u32 v3, $0x3  }
0x64: {  	v4 =	vmul.u32 $0x30, v56  }
0x65: {  	v3 =	vand.u32 $0x7, v3  }
0x66: {  	v3 =	vor.u32 v3, v4  }
0x67: {  	v4 =	vperm.xlane v3, v0;
	_ =	sdelay $0x1  }
0x68: {  	v4 =	vadd.s32 v1, v4;
	_ =	sdelay $0x3  }
0x69: {  	s0 =	rddreg [dreg:$0x11];
	v3 =	vperm.xlane v3, v2  }
0x6a: {  	[tilespmem:s0], [sflag:$0x1] =	stream.indirect_vreg.gather [hbm4b:s2+s3], $0x80, v4, vm0, $0xb8;
	[tilespmem:$0x1E100] =	vst v63  }
0x6b: {  	s10 =	rddreg [dreg:$0x12];
	v3 =	vadd.s32 v1, v3  }
0x6c: {  	[tilespmem:s10], [sflag:$0x1] =	stream.indirect_vreg.gather [hbm4b:s4+s3], $0x80, v4, vm0, $0xb8;
	[tilespmem:$0x1E100] =	vst v63  }
0x6d: {  	s0 =	rddreg [dreg:$0x13]  }
0x6e: {  	[tilespmem:s0], [sflag:$0x1] =	stream.indirect_vreg.gather [hbm4b:s5+s3], $0x80, v4, vm0, $0xb8;
	[tilespmem:$0x1E100] =	vst v63  }
0x6f: {  	s10 =	rddreg [dreg:$0x14]  }
0x70: {  	[tilespmem:s10], [sflag:$0x1] =	stream.indirect_vreg.gather [hbm4b:s2+s3], $0x80, v3, vm0, $0xb8;
	[tilespmem:$0x1E100] =	vst v63  }
0x71: {  	s0 =	rddreg [dreg:$0x15]  }
0x72: {  	[tilespmem:s0], [sflag:$0x1] =	stream.indirect_vreg.gather [hbm4b:s4+s3], $0x80, v3, vm0, $0xb8;
	[tilespmem:$0x1E100] =	vst v63  }
0x73: {  	s10 =	rddreg [dreg:$0x16]  }
0x74: {  	[tilespmem:s10], [sflag:$0x1] =	stream.indirect_vreg.gather [hbm4b:s5+s3], $0x80, v3, vm0, $0xb8;
	[tilespmem:$0x1E100] =	vst v63  }
0x75: {  	v3 =	vld [tilespmem:$0x30];
	_ =	sdelay $0x4  }
0x76: {  	v57 =	vshrl.u32 v3, $0x3  }
0x77: {  	v4 =	vmul.u32 $0x30, v57  }
0x78: {  	v3 =	vand.u32 $0x7, v3  }
0x79: {  	v3 =	vor.u32 v3, v4  }
0x7a: {  	v4 =	vperm.xlane v3, v0;
	_ =	sdelay $0x1  }
0x7b: {  	v4 =	vadd.s32 v1, v4;
	_ =	sdelay $0x3  }
0x7c: {  	s0 =	rddreg [dreg:$0x17];
	v3 =	vperm.xlane v3, v2  }
0x7d: {  	[tilespmem:s0], [sflag:$0x1] =	stream.indirect_vreg.gather [hbm4b:s2+s3], $0x80, v4, vm0, $0xb8;
	[tilespmem:$0x1E100] =	vst v63  }
0x7e: {  	s10 =	rddreg [dreg:$0x18];
	v3 =	vadd.s32 v1, v3  }
0x7f: {  	[tilespmem:s10], [sflag:$0x1] =	stream.indirect_vreg.gather [hbm4b:s4+s3], $0x80, v4, vm0, $0xb8;
	[tilespmem:$0x1E100] =	vst v63  }
0x80: {  	s0 =	rddreg [dreg:$0x19]  }
0x81: {  	[tilespmem:s0], [sflag:$0x1] =	stream.indirect_vreg.gather [hbm4b:s5+s3], $0x80, v4, vm0, $0xb8;
	[tilespmem:$0x1E100] =	vst v63  }
0x82: {  	s10 =	rddreg [dreg:$0x1a]  }
0x83: {  	[tilespmem:s10], [sflag:$0x1] =	stream.indirect_vreg.gather [hbm4b:s2+s3], $0x80, v3, vm0, $0xb8;
	[tilespmem:$0x1E100] =	vst v63  }
0x84: {  	s0 =	rddreg [dreg:$0x1b]  }
0x85: {  	[tilespmem:s0], [sflag:$0x1] =	stream.indirect_vreg.gather [hbm4b:s4+s3], $0x80, v3, vm0, $0xb8;
	[tilespmem:$0x1E100] =	vst v63  }
0x86: {  	s10 =	rddreg [dreg:$0x1c]  }
0x87: {  	[tilespmem:s10], [sflag:$0x1] =	stream.indirect_vreg.gather [hbm4b:s5+s3], $0x80, v3, vm0, $0xb8;
	[tilespmem:$0x1E100] =	vst v63  }
0x88: {  	v3 =	vld [tilespmem:$0x40];
	_ =	sdelay $0x4  }
0x89: {  	v58 =	vshrl.u32 v3, $0x3  }
0x8a: {  	v4 =	vmul.u32 $0x30, v58  }
0x8b: {  	v3 =	vand.u32 $0x7, v3  }
0x8c: {  	v3 =	vor.u32 v3, v4  }
0x8d: {  	v4 =	vperm.xlane v3, v0;
	_ =	sdelay $0x1  }
0x8e: {  	v4 =	vadd.s32 v1, v4;
	_ =	sdelay $0x2  }
0x8f: {  	s0 =	rddreg [dreg:$0x1d]  }
0x90: {  	s10 =	rddreg [dreg:$0x1e];
	v3 =	vperm.xlane v3, v2  }
0x91: {  	[tilespmem:s0], [sflag:$0x1] =	stream.indirect_vreg.gather [hbm4b:s2+s3], $0x80, v4, vm0, $0xb8;
	[tilespmem:$0x1E100] =	vst v63  }
0x92: {  	v3 =	vadd.s32 v1, v3;
	s0 =	rddreg [dreg:$0x1f]  }
0x93: {  	[tilespmem:s10], [sflag:$0x1] =	stream.indirect_vreg.gather [hbm4b:s4+s3], $0x80, v4, vm0, $0xb8;
	[tilespmem:$0x1E100] =	vst v63  }
0x94: {  	s10 =	sld [smem:$0x7F0]  }
0x95: {  	[tilespmem:s0], [sflag:$0x1] =	stream.indirect_vreg.gather [hbm4b:s5+s3], $0x80, v4, vm0, $0xb8;
	[tilespmem:$0x1E100] =	vst v63  }
0x96: {  	s0 =	sld [smem:$0x7F1]  }
0x97: {  	[tilespmem:s10], [sflag:$0x1] =	stream.indirect_vreg.gather [hbm4b:s2+s3], $0x80, v3, vm0, $0xb8;
	[tilespmem:$0x1E100] =	vst v63  }
0x98: {  	s10 =	sld [smem:$0x7F2]  }
0x99: {  	[tilespmem:s0], [sflag:$0x1] =	stream.indirect_vreg.gather [hbm4b:s4+s3], $0x80, v3, vm0, $0xb8;
	[tilespmem:$0x1E100] =	vst v63  }
0x9a: {  	_ = 	snop  }
0x9b: {  	[tilespmem:s10], [sflag:$0x1] =	stream.indirect_vreg.gather [hbm4b:s5+s3], $0x80, v3, vm0, $0xb8;
	[tilespmem:$0x1E100] =	vst v63  }
0x9c: {  	v3 =	vld [tilespmem:$0x50];
	_ =	sdelay $0x4  }
0x9d: {  	v59 =	vshrl.u32 v3, $0x3  }
0x9e: {  	v4 =	vmul.u32 $0x30, v59  }
0x9f: {  	v3 =	vand.u32 $0x7, v3  }
0xa0: {  	v3 =	vor.u32 v3, v4  }
0xa1: {  	v4 =	vperm.xlane v3, v0;
	_ =	sdelay $0x1  }
0xa2: {  	v4 =	vadd.s32 v1, v4;
	_ =	sdelay $0x3  }
0xa3: {  	s0 =	sld [smem:$0x7F3];
	v3 =	vperm.xlane v3, v2  }
0xa4: {  	[tilespmem:s9], [sflag:$0x2] =	stream.indirect_vreg.gather [hbm4b:s2+s3], $0x80, v4, vm0, $0xb8;
	[tilespmem:$0x1E100] =	vst v63  }
0xa5: {  	s10 =	sld [smem:$0x7F4];
	v3 =	vadd.s32 v1, v3  }
0xa6: {  	[tilespmem:s0], [sflag:$0x2] =	stream.indirect_vreg.gather [hbm4b:s4+s3], $0x80, v4, vm0, $0xb8;
	[tilespmem:$0x1E100] =	vst v63  }
0xa7: {  	s0 =	sld [smem:$0x7F5]  }
0xa8: {  	[tilespmem:s10], [sflag:$0x2] =	stream.indirect_vreg.gather [hbm4b:s5+s3], $0x80, v4, vm0, $0xb8;
	[tilespmem:$0x1E100] =	vst v63  }
0xa9: {  	s10 =	sld [smem:$0x7F6]  }
0xaa: {  	[tilespmem:s0], [sflag:$0x2] =	stream.indirect_vreg.gather [hbm4b:s2+s3], $0x80, v3, vm0, $0xb8;
	[tilespmem:$0x1E100] =	vst v63  }
0xab: {  	s0 =	sld [smem:$0x7F7]  }
0xac: {  	[tilespmem:s10], [sflag:$0x2] =	stream.indirect_vreg.gather [hbm4b:s4+s3], $0x80, v3, vm0, $0xb8;
	[tilespmem:$0x1E100] =	vst v63  }
0xad: {  	_ = 	snop  }
0xae: {  	[tilespmem:s0], [sflag:$0x2] =	stream.indirect_vreg.gather [hbm4b:s5+s3], $0x80, v3, vm0, $0xb8;
	[tilespmem:$0x1E100] =	vst v63  }
0xaf: {  	v3 =	vld [tilespmem:$0x60];
	_ =	sdelay $0x4  }
0xb0: {  	v60 =	vshrl.u32 v3, $0x3  }
0xb1: {  	v4 =	vmul.u32 $0x30, v60  }
0xb2: {  	v3 =	vand.u32 $0x7, v3  }
0xb3: {  	v3 =	vor.u32 v3, v4  }
0xb4: {  	v4 =	vperm.xlane v3, v0;
	_ =	sdelay $0x1  }
0xb5: {  	v4 =	vadd.s32 v1, v4;
	_ =	sdelay $0x1  }
0xb6: {  	s0 =	sld [smem:$0x7F8];
	_ =	sdelay $0x1  }
0xb7: {  	s10 =	sld [smem:$0x7F9];
	v3 =	vperm.xlane v3, v2  }
0xb8: {  	[tilespmem:s0], [sflag:$0x2] =	stream.indirect_vreg.gather [hbm4b:s2+s3], $0x80, v4, vm0, $0xb8;
	[tilespmem:$0x1E100] =	vst v63  }
0xb9: {  	v3 =	vadd.s32 v1, v3;
	s0 =	sld [smem:$0x7FA]  }
0xba: {  	[tilespmem:s10], [sflag:$0x2] =	stream.indirect_vreg.gather [hbm4b:s4+s3], $0x80, v4, vm0, $0xb8;
	[tilespmem:$0x1E100] =	vst v63  }
0xbb: {  	s10 =	sld [smem:$0x7FB]  }
0xbc: {  	[tilespmem:s0], [sflag:$0x2] =	stream.indirect_vreg.gather [hbm4b:s5+s3], $0x80, v4, vm0, $0xb8;
	[tilespmem:$0x1E100] =	vst v63  }
0xbd: {  	s0 =	sld [smem:$0x7FC]  }
0xbe: {  	[tilespmem:s10], [sflag:$0x2] =	stream.indirect_vreg.gather [hbm4b:s2+s3], $0x80, v3, vm0, $0xb8;
	[tilespmem:$0x1E100] =	vst v63  }
0xbf: {  	s10 =	sld [smem:$0x7FD]  }
0xc0: {  	[tilespmem:s0], [sflag:$0x2] =	stream.indirect_vreg.gather [hbm4b:s4+s3], $0x80, v3, vm0, $0xb8;
	[tilespmem:$0x1E100] =	vst v63  }
0xc1: {  	_ = 	snop  }
0xc2: {  	[tilespmem:s10], [sflag:$0x2] =	stream.indirect_vreg.gather [hbm4b:s5+s3], $0x80, v3, vm0, $0xb8;
	[tilespmem:$0x1E100] =	vst v63  }
0xc3: {  	v3 =	vld [tilespmem:$0x70];
	_ =	sdelay $0x4  }
0xc4: {  	v61 =	vshrl.u32 v3, $0x3  }
0xc5: {  	v4 =	vmul.u32 $0x30, v61  }
0xc6: {  	v3 =	vand.u32 $0x7, v3  }
0xc7: {  	v3 =	vor.u32 v3, v4  }
0xc8: {  	v4 =	vperm.xlane v3, v0;
	_ =	sdelay $0x1  }
0xc9: {  	v4 =	vadd.s32 v1, v4;
	_ =	sdelay $0x3  }
0xca: {  	s10 =	simm.s32 $0x15100;
	v3 =	vperm.xlane v3, v2  }
0xcb: {  	[tilespmem:s10], [sflag:$0x2] =	stream.indirect_vreg.gather [hbm4b:s2+s3], $0x80, v4, vm0, $0xb8;
	[tilespmem:$0x1E100] =	vst v63  }
0xcc: {  	v3 =	vadd.s32 v1, v3  }
0xcd: {  	[tilespmem:s11], [sflag:$0x2] =	stream.indirect_vreg.gather [hbm4b:s4+s3], $0x80, v4, vm0, $0xb8;
	[tilespmem:$0x1E100] =	vst v63  }
0xce: {  	_ = 	snop  }
0xcf: {  	[tilespmem:s12], [sflag:$0x2] =	stream.indirect_vreg.gather [hbm4b:s5+s3], $0x80, v4, vm0, $0xb8;
	[tilespmem:$0x1E100] =	vst v63  }
0xd0: {  	_ = 	snop  }
0xd1: {  	[tilespmem:s13], [sflag:$0x2] =	stream.indirect_vreg.gather [hbm4b:s2+s3], $0x80, v3, vm0, $0xb8;
	[tilespmem:$0x1E100] =	vst v63  }
0xd2: {  	_ = 	snop  }
0xd3: {  	[tilespmem:s14], [sflag:$0x2] =	stream.indirect_vreg.gather [hbm4b:s4+s3], $0x80, v3, vm0, $0xb8;
	[tilespmem:$0x1E100] =	vst v63  }
0xd4: {  	_ = 	snop  }
0xd5: {  	[tilespmem:s15], [sflag:$0x2] =	stream.indirect_vreg.gather [hbm4b:s5+s3], $0x80, v3, vm0, $0xb8;
	[tilespmem:$0x1E100] =	vst v63  }
0xd6: {  	v3 =	vld [tilespmem:$0x80];
	_ =	sdelay $0x4  }
0xd7: {  	v62 =	vshrl.u32 v3, $0x3  }
0xd8: {  	v4 =	vmul.u32 $0x30, v62  }
0xd9: {  	v3 =	vand.u32 $0x7, v3  }
0xda: {  	v3 =	vor.u32 v3, v4  }
0xdb: {  	v4 =	vperm.xlane v3, v0;
	_ =	sdelay $0x1  }
0xdc: {  	v4 =	vadd.s32 v1, v4;
	_ =	sdelay $0x3  }
0xdd: {  	v3 =	vperm.xlane v3, v2  }
0xde: {  	[tilespmem:s16], [sflag:$0x2] =	stream.indirect_vreg.gather [hbm4b:s2+s3], $0x80, v4, vm0, $0xb8;
	[tilespmem:$0x1E100] =	vst v63  }
0xdf: {  	v3 =	vadd.s32 v1, v3  }
0xe0: {  	[tilespmem:s17], [sflag:$0x2] =	stream.indirect_vreg.gather [hbm4b:s4+s3], $0x80, v4, vm0, $0xb8;
	[tilespmem:$0x1E100] =	vst v63  }
0xe1: {  	_ = 	snop  }
0xe2: {  	[tilespmem:s18], [sflag:$0x2] =	stream.indirect_vreg.gather [hbm4b:s5+s3], $0x80, v4, vm0, $0xb8;
	[tilespmem:$0x1E100] =	vst v63  }
0xe3: {  	_ = 	snop  }
0xe4: {  	[tilespmem:s19], [sflag:$0x2] =	stream.indirect_vreg.gather [hbm4b:s2+s3], $0x80, v3, vm0, $0xb8;
	[tilespmem:$0x1E100] =	vst v63  }
0xe5: {  	_ = 	snop  }
0xe6: {  	[tilespmem:s20], [sflag:$0x2] =	stream.indirect_vreg.gather [hbm4b:s4+s3], $0x80, v3, vm0, $0xb8;
	[tilespmem:$0x1E100] =	vst v63  }
0xe7: {  	_ = 	snop  }
0xe8: {  	[tilespmem:s21], [sflag:$0x2] =	stream.indirect_vreg.gather [hbm4b:s5+s3], $0x80, v3, vm0, $0xb8;
	[tilespmem:$0x1E100] =	vst v63  }
0xe9: {  	v3 =	vld [tilespmem:$0x90];
	_ =	sdelay $0x4  }
0xea: {  	v63 =	vshrl.u32 v3, $0x3  }
0xeb: {  	v4 =	vmul.u32 $0x30, v63  }
0xec: {  	v3 =	vand.u32 $0x7, v3  }
0xed: {  	v3 =	vor.u32 v3, v4  }
0xee: {  	v4 =	vperm.xlane v3, v0;
	_ =	sdelay $0x1  }
0xef: {  	v4 =	vadd.s32 v1, v4;
	_ =	sdelay $0x3  }
0xf0: {  	v3 =	vperm.xlane v3, v2  }
0xf1: {  	[tilespmem:s22], [sflag:$0x2] =	stream.indirect_vreg.gather [hbm4b:s2+s3], $0x80, v4, vm0, $0xb8;
	[tilespmem:$0x1E100] =	vst v63  }
0xf2: {  	v3 =	vadd.s32 v1, v3  }
0xf3: {  	[tilespmem:s23], [sflag:$0x2] =	stream.indirect_vreg.gather [hbm4b:s4+s3], $0x80, v4, vm0, $0xb8;
	[tilespmem:$0x1E100] =	vst v63  }
0xf4: {  	_ = 	snop  }
0xf5: {  	[tilespmem:s24], [sflag:$0x2] =	stream.indirect_vreg.gather [hbm4b:s5+s3], $0x80, v4, vm0, $0xb8;
	[tilespmem:$0x1E100] =	vst v63  }
0xf6: {  	_ = 	snop  }
0xf7: {  	[tilespmem:s25], [sflag:$0x2] =	stream.indirect_vreg.gather [hbm4b:s2+s3], $0x80, v3, vm0, $0xb8;
	[tilespmem:$0x1E100] =	vst v63  }
0xf8: {  	_ = 	snop  }
0xf9: {  	[tilespmem:s26], [sflag:$0x2] =	stream.indirect_vreg.gather [hbm4b:s4+s3], $0x80, v3, vm0, $0xb8;
	[tilespmem:$0x1E100] =	vst v63  }
0xfa: {  	_ = 	snop  }
0xfb: {  	[tilespmem:s28], [sflag:$0x2] =	stream.indirect_vreg.gather [hbm4b:s5+s3], $0x80, v3, vm0, $0xb8;
	[tilespmem:$0x1E100] =	vst v63  }
0xfc: {  	_ =	swait.ge [sflag:s29], $0xF000  }
0xfd: {  	[sflag:s29] =	ssyncset.done $0x0  }
0xfe: {  	s10 =	rddreg [dreg:$0x4];
	[sflag:s29] =	ssyncadd.s32 $0xFFFF1000  }
0xff: {  	[hbm4b:s10+s3] =	stream.linear.scatter [tilespmem:s8], [sflag:$0x3], $0xF000, $0x38;
	[tilespmem:$0x1E100] =	vst v63  }
0x100: {  	_ =	swait.ge [sflag:s30], $0xF000  }
0x101: {  	[sflag:s30] =	ssyncset.done $0x0  }
0x102: {  	s10 =	rddreg [dreg:$0x5];
	[sflag:s30] =	ssyncadd.s32 $0xFFFF1000  }
0x103: {  	[hbm4b:s10+s3] =	stream.linear.scatter [tilespmem:s9], [sflag:$0x4], $0xF000, $0x38;
	[tilespmem:$0x1E100] =	vst v63  }
0x104: {  	p0 =	sne.s32 s6, $0x1;
	_ =	swait.ge [sflag:s31], $0xF000  }
.Ltmp0:
0x105: {  	[sflag:s31] =	ssyncset.done $0x0;
	(pc) =	sbr.rel @p0 .LBB2_1-.Ltmp0, $4  }
0x106: {  	[sflag:s31] =	ssyncadd.s32 $0xFFFF1000  }
0x107: {  	_ =	swait.ge [sflag:s1], $0xF000  }
0x108: {  	[sflag:s1] =	ssyncset.done $0x0  }
0x109: {  	s6 =	sadd.s32 $0xFFFFFFFF, s6;
	[sflag:s1] =	ssyncadd.s32 $0xFFFF1000  }
0x10a: {  	_ =	sfence.sel $0x180000  }
0x10b: {  	[bflag:$0x0] =	sbarrier.arrive $0xFFFF  }
0x10c: {  	_ =	strace $0x90000047  }
0x10d: {  	s0 =	stileid.u32;
	[bflag:$0x2] =	sbarrier.arrive $0xFFFF  }
0x10e: {  	p0 =	sne.s32 s0, $0x0;
	s0 =	rddreg [dreg:$0x2]  }
0x10f: {  	s0 =	sadd.s32 @!p0 $0x100000, s0  }
0x110: {  	[sflag:s0] =	ssyncadd.tile.s32 @!p0 $0x1;
	_ =	shalt  }
.Lfunc_end2:
_tile_overlayer_lowered:
.L_overlay_start_2:
0x111: {  	(tag) =	ssettag $0x2  }
0x112: {  	s0 =	rddreg [dreg:$0x0];
	s2 =	stileid.u32  }
0x113: {  	s1 =	rddreg [dreg:$0x1];
	p0 =	sne.s32 s2, $0x0  }
0x114: {  	s3 =	rddreg [dreg:$0x2];
	[bflag:$0x3] =	sbarrier.arrive $0xFFFF;
	s2 =	simm.s32 @!p0 $0x1C05  }
0x115: {  	[timem:s3], [sflag:s2] =	dma.local @!p0 [hbm:s0], s1  }
0x116: {  	s0 =	simm.s32 @!p0 $0x5  }
0x117: {  	_ =	swait.ge @!p0 [sflag:s0], s1  }
0x118: {  	s1 =	ssub.s32 @!p0 $0x0, s1;
	[sflag:s0] =	ssyncset.done @!p0 $0x0  }
0x119: {  	[sflag:s0] =	ssyncadd.s32 @!p0 s1  }
0x11a: {  	[bflag:$0x3] =	sbarrier.arrive $0xFFFF  }
0x11b: {  	_ =	shalt  }

</sc_bundles>
